<compile_context>
chip_gen: v7x
topology: tpu7x:2x2x1
jax: 0.10.2.dev20260603
libtpu: 0.0.44.dev20260713+nightly
codegen_flags: <defaults>
</compile_context>

<pallas_src>
import functools

import numpy as np
import jax
import jax.numpy as jnp
from jax import lax
from jax.experimental import pallas as pl
from jax.experimental.pallas import tpu as pltpu
from jax.experimental.pallas import tpu_sc as plsc

_B = 64
_L_IMG = 196
_L_NLP = 512
_D = 768
_N_REMAIN_IMG = 49
_N_MASKED_IMG = 147
_NLP_REMAIN = 128

_NT = 32
_ICHUNK = 56
_NICHUNK = 56


def _sinusoidal_pe(max_len, d_model):
    position = np.arange(max_len, dtype=np.float64)[:, None]
    div_term = np.exp(np.arange(0, d_model, 2, dtype=np.float64) * (-np.log(10000.0) / d_model))
    pe = np.zeros((max_len, d_model), dtype=np.float64)
    pe[:, 0::2] = np.sin(position * div_term)
    pe[:, 1::2] = np.cos(position * div_term)
    return pe.astype(np.float32)


def _threefry2x32_np(k0, k1, x0, x1):
    def rotl(x, d):
        return ((x << np.uint32(d)) | (x >> np.uint32(32 - d))).astype(np.uint32)
    ks = [np.uint32(k0), np.uint32(k1), np.uint32(k0 ^ k1 ^ 0x1BD11BDA)]
    x0 = (x0 + ks[0]).astype(np.uint32)
    x1 = (x1 + ks[1]).astype(np.uint32)
    rot_a = (13, 15, 26, 6)
    rot_b = (17, 29, 16, 24)
    for i, rots in enumerate((rot_a, rot_b, rot_a, rot_b, rot_a)):
        for r in rots:
            x0 = (x0 + x1).astype(np.uint32)
            x1 = rotl(x1, r)
            x1 = (x1 ^ x0).astype(np.uint32)
        x0 = (x0 + ks[(i + 1) % 3]).astype(np.uint32)
        x1 = (x1 + ks[(i + 2) % 3] + np.uint32(i + 1)).astype(np.uint32)
    return x0, x1


def _np_uniform_threefry(seed, shape):
    size = int(np.prod(shape))
    i = np.arange(size, dtype=np.uint64)
    counts1 = (i >> np.uint64(32)).astype(np.uint32)
    counts2 = (i & np.uint64(0xFFFFFFFF)).astype(np.uint32)
    k0 = np.uint32((seed >> 32) & 0xFFFFFFFF)
    k1 = np.uint32(seed & 0xFFFFFFFF)
    o0, o1 = _threefry2x32_np(k0, k1, counts1, counts2)
    bits = (o0 ^ o1).astype(np.uint32)
    fl = ((bits >> np.uint32(9)) | np.uint32(0x3F800000)).view(np.float32)
    return (fl - np.float32(1.0)).reshape(shape)


_SHUF = np.argsort(_np_uniform_threefry(42, (_B, _L_IMG)),
                   axis=-1, kind="stable").astype(np.int32)
_REMAIN_IDX = _SHUF[:, :_N_REMAIN_IMG]
_MASKED_IDX = _SHUF[:, _N_REMAIN_IMG:]
_REVERT_IDX = np.argsort(_SHUF, axis=-1).astype(np.int32)

_IIDX_SRC = np.ascontiguousarray(
    (_REMAIN_IDX + np.arange(_B, dtype=np.int32)[:, None] * _L_IMG).reshape(-1))
_IIDX_POS = np.ascontiguousarray(_REMAIN_IDX.reshape(-1))
_PE_TAB = _sinusoidal_pe(_L_NLP, _D)

_ONES_REMAIN = np.ones((_B, _N_REMAIN_IMG), np.float32)
_ONES_REVERT = np.ones((_B, _L_IMG), np.float32)
_ONES_MASKED = np.ones((_B, _N_MASKED_IMG), np.float32)


@functools.lru_cache(maxsize=1)
def _build_sc_kernel():
  mesh = plsc.VectorSubcoreMesh(core_axis_name="c", subcore_axis_name="s")

  @functools.partial(
      pl.kernel,
      mesh=mesh,
      out_type=[
          jax.ShapeDtypeStruct((_B * _N_REMAIN_IMG, _D), jnp.float32),
          jax.ShapeDtypeStruct((_B * _NLP_REMAIN, _D), jnp.float32),
      ],
      scratch_types=[
          pltpu.VMEM((64, _D), jnp.float32),
          pltpu.VMEM((64, _D), jnp.float32),
          pltpu.VMEM((_ICHUNK,), jnp.int32),
          pltpu.VMEM((_ICHUNK,), jnp.int32),
          pltpu.VMEM((64,), jnp.int32),
          pltpu.VMEM((64,), jnp.int32),
          pltpu.SemaphoreType.DMA,
          pltpu.SemaphoreType.DMA,
      ],
  )
  def _sc_gather_add(img_flat, nlp_flat, pos_tab, pe_tab, nlp_idx, iidx_src, iidx_pos,
                     out_img, out_nlp, buf_a, buf_b, i_src_v, i_pos_v, n_raw_v, n_flat_v,
                     sem_a, sem_b):
      t = lax.axis_index("s") * 2 + lax.axis_index("c")

      def _acc(nrows):
          def body(i, carry):
              r = i // 48
              o = (i % 48) * 16
              buf_a[r, pl.ds(o, 16)] = buf_a[r, pl.ds(o, 16)] + buf_b[r, pl.ds(o, 16)]
              return carry
          lax.fori_loop(0, nrows * 48, body, 0)

      def _img_chunk(cid):
          start = pl.multiple_of(cid * _ICHUNK, 8)
          pltpu.sync_copy(iidx_src.at[pl.ds(start, _ICHUNK)], i_src_v)
          pltpu.sync_copy(iidx_pos.at[pl.ds(start, _ICHUNK)], i_pos_v)
          ca = pltpu.async_copy(img_flat.at[i_src_v], buf_a.at[pl.ds(0, _ICHUNK)], sem_a)
          cb = pltpu.async_copy(pos_tab.at[i_pos_v], buf_b.at[pl.ds(0, _ICHUNK)], sem_b)
          ca.wait()
          cb.wait()
          _acc(_ICHUNK)
          pltpu.sync_copy(buf_a.at[pl.ds(0, _ICHUNK)], out_img.at[pl.ds(start, _ICHUNK)])

      _img_chunk(t)

      @pl.when(t < _NICHUNK - _NT)
      def _():
          _img_chunk(t + _NT)

      for k in range(2):
          b = t * 2 + k
          for c in range(2):
              off = pl.multiple_of(b * _NLP_REMAIN + c * 64, 64)
              pltpu.sync_copy(nlp_idx.at[pl.ds(off, 64)], n_raw_v)
              for j in range(4):
                  n_flat_v[pl.ds(j * 16, 16)] = n_raw_v[pl.ds(j * 16, 16)] + b * _L_NLP
              ca = pltpu.async_copy(nlp_flat.at[n_flat_v], buf_a, sem_a)
              cb = pltpu.async_copy(pe_tab.at[n_raw_v], buf_b, sem_b)
              ca.wait()
              cb.wait()
              _acc(64)
              pltpu.sync_copy(buf_a, out_nlp.at[pl.ds(off, 64)])
  return _sc_gather_add


def kernel(img, nlp, pos_enc_2d, nlp_remain_idx, nlp_masked_idx, nlp_revert_idx):
    img_flat = img.reshape(_B * _L_IMG, _D)
    nlp_flat = nlp.reshape(_B * _L_NLP, _D)
    out_img, out_nlp = _build_sc_kernel()(
        img_flat, nlp_flat, pos_enc_2d,
        jnp.asarray(_PE_TAB), nlp_remain_idx.astype(jnp.int32).reshape(-1),
        jnp.asarray(_IIDX_SRC), jnp.asarray(_IIDX_POS))
    return (
        out_img.reshape(_B, _N_REMAIN_IMG, _D),
        out_nlp.reshape(_B, _NLP_REMAIN, _D),
        jnp.asarray(_MASKED_IDX),
        jnp.asarray(_REVERT_IDX),
        jnp.asarray(_ONES_REMAIN),
        jnp.asarray(_ONES_REVERT),
        jnp.asarray(_ONES_MASKED),
    )

# --- scband reference (transcript-rebuilt; emitter-appended) ---
"""Pipeline reference for scband-static-remain-64553358459182 (READ-ONLY COPY).

The authoritative reference and input builder live on the scoring server;
editing this copy changes nothing except your own understanding.
"""

import jax, jax.numpy as jnp
import numpy as np

B = 64
L_IMG = 196
L_NLP = 512
D = 768
GRID = 14
REMAIN_RTO_IMG = 0.25
NLP_REMAIN = 128


def get_1d_sincos_pos_embed_from_grid(embed_dim, pos):
    omega = np.arange(embed_dim // 2, dtype=np.float64)
    omega /= embed_dim / 2.0
    omega = 1.0 / 10000 ** omega
    pos = pos.reshape(-1)
    out = np.einsum('m,d->md', pos, omega)
    return np.concatenate([np.sin(out), np.cos(out)], axis=1)


def get_2d_sincos_pos_embed(embed_dim, grid_size):
    grid_h = np.arange(grid_size, dtype=np.float32)
    grid_w = np.arange(grid_size, dtype=np.float32)
    grid = np.meshgrid(grid_w, grid_h)
    grid = np.stack(grid, axis=0).reshape([2, 1, grid_size, grid_size])
    emb_h = get_1d_sincos_pos_embed_from_grid(embed_dim // 2, grid[0])
    emb_w = get_1d_sincos_pos_embed_from_grid(embed_dim // 2, grid[1])
    return np.concatenate([emb_h, emb_w], axis=1).astype(np.float32)


def sinusoidal_pe(max_len, d_model):
    position = np.arange(max_len, dtype=np.float64)[:, None]
    div_term = np.exp(np.arange(0, d_model, 2, dtype=np.float64) * (-np.log(10000.0) / d_model))
    pe = np.zeros((max_len, d_model), dtype=np.float64)
    pe[:, 0::2] = np.sin(position * div_term)
    pe[:, 1::2] = np.cos(position * div_term)
    return pe.astype(np.float32)


def setup_inputs(seed: int = 0) -> dict:
    key = jax.random.key(seed)
    k1, k2, k3 = jax.random.split(key, 3)
    img = jax.random.normal(k1, (B, L_IMG, D), dtype=jnp.float32)
    nlp = jax.random.normal(k2, (B, L_NLP, D), dtype=jnp.float32)
    # nlp indices form a valid per-row shuffle (as produced upstream by get_indices)
    noise = jax.random.uniform(k3, (B, L_NLP))
    shuffle_idx = jnp.argsort(noise, axis=-1)
    nlp_remain_idx = shuffle_idx[:, :NLP_REMAIN]
    nlp_masked_idx = shuffle_idx[:, NLP_REMAIN:]
    nlp_revert_idx = jnp.argsort(shuffle_idx, axis=-1)
    pos_enc_2d = jnp.asarray(get_2d_sincos_pos_embed(D, GRID))
    return {
        'img': img,
        'nlp': nlp,
        'pos_enc_2d': pos_enc_2d,
        'nlp_remain_idx': nlp_remain_idx,
        'nlp_masked_idx': nlp_masked_idx,
        'nlp_revert_idx': nlp_revert_idx,
    }


def reference(img, nlp, pos_enc_2d, nlp_remain_idx, nlp_masked_idx, nlp_revert_idx):
    # ---- process_img ----
    revert_mask = jnp.ones((B, L_IMG), dtype=jnp.float32)
    val = img + pos_enc_2d[None, :, :]
    num_remain = int(L_IMG * REMAIN_RTO_IMG)
    noise = jax.random.uniform(jax.random.key(42), (B, L_IMG))
    shuffle_idx = jnp.argsort(noise, axis=-1)
    remain_idx = shuffle_idx[:, :num_remain]
    masked_idx = shuffle_idx[:, num_remain:]
    revert_idx = jnp.argsort(shuffle_idx, axis=-1)
    assert remain_idx.shape[-1] + masked_idx.shape[-1] == revert_idx.shape[-1] == val.shape[-2]
    img_remain = jnp.take_along_axis(val, remain_idx[:, :, None], axis=1)
    remain_mask = jnp.take_along_axis(revert_mask, remain_idx, axis=-1)
    masked_mask = jnp.take_along_axis(revert_mask, masked_idx, axis=-1)
    # ---- process_nlp ----
    pe = jnp.asarray(sinusoidal_pe(L_NLP, D))
    nval = nlp + pe[None, :, :]
    assert nlp_remain_idx.shape[-1] + nlp_masked_idx.shape[-1] == nlp_revert_idx.shape[-1] == nval.shape[-2]
    nlp_remain = jnp.take_along_axis(nval, nlp_remain_idx[:, :, None], axis=1)
    return (img_remain, nlp_remain, masked_idx, revert_idx, remain_mask, revert_mask, masked_mask)

if __name__ == "__main__":
    import jax
    _d = setup_inputs()
    print(jax.jit(kernel)(*tuple(_d.values())))

</pallas_src>

<mosaic_0001>
#map = affine_map<(d0, d1) -> (0, 0)>
#map1 = affine_map<(d0, d1) -> (0)>
module attributes {stable_mosaic.version = 14 : i64} {
  func.func @_sc_gather_add(%arg0: i32, %arg1: i32, %arg2: memref<12544x768xf32, #tpu.memory_space<hbm>>, %arg3: memref<32768x768xf32, #tpu.memory_space<hbm>>, %arg4: memref<196x768xf32, #tpu.memory_space<hbm>>, %arg5: memref<512x768xf32, #tpu.memory_space<hbm>>, %arg6: memref<8192xi32, #tpu.memory_space<hbm>>, %arg7: memref<3136xi32, #tpu.memory_space<hbm>>, %arg8: memref<3136xi32, #tpu.memory_space<hbm>>, %arg9: memref<3136x768xf32, #tpu.memory_space<hbm>>, %arg10: memref<8192x768xf32, #tpu.memory_space<hbm>>, %arg11: memref<64x768xf32, #tpu.memory_space<vmem>>, %arg12: memref<64x768xf32, #tpu.memory_space<vmem>>, %arg13: memref<56xi32, #tpu.memory_space<vmem>>, %arg14: memref<56xi32, #tpu.memory_space<vmem>>, %arg15: memref<64xi32, #tpu.memory_space<vmem>>, %arg16: memref<64xi32, #tpu.memory_space<vmem>>, %arg17: memref<!tpu.dma_semaphore, #tpu.memory_space<semaphore_mem>>, %arg18: memref<!tpu.dma_semaphore, #tpu.memory_space<semaphore_mem>>) attributes {dimension_semantics = [#tpu.dimension_semantics<core_parallel>, #tpu.dimension_semantics<subcore_parallel>], iteration_bounds = array<i64: 2, 16>, scalar_prefetch = 0 : i64, scratch_operands = 8 : i64, tpu.core_type = #tpu.core_type<sc_vector_subcore>, window_params = [{transform_indices = #map}, {transform_indices = #map}, {transform_indices = #map}, {transform_indices = #map}, {transform_indices = #map1}, {transform_indices = #map1}, {transform_indices = #map1}, {transform_indices = #map}, {transform_indices = #map}]} {
    %mul3A = arith.constant 2 : i32
    %mul3A_0 = arith.muli %arg1, %mul3A : i32
    %add3A = arith.addi %mul3A_0, %arg0 : i32
    %mul3A_1 = arith.constant 56 : i32
    %mul3A_2 = arith.muli %add3A, %mul3A_1 : i32
    %multiple_of3A = tpu.assume_multiple %mul3A_2, 8 : i32
    "tpu.region"() ({
      %run_scoped3A = tpu.sem_alloc : memref<!tpu.dma_semaphore, #tpu.memory_space<semaphore_mem>>
      %dma_start3A_306 = tpu.memref_slice %arg7[%multiple_of3A] : memref<3136xi32, #tpu.memory_space<hbm>> -> memref<56xi32, #tpu.memory_space<hbm>>
      %dma_start3A_307 = tpu.memref_slice %arg7[%multiple_of3A] : memref<3136xi32, #tpu.memory_space<hbm>> -> memref<56xi32, #tpu.memory_space<hbm>>
      tpu.enqueue_dma source(%dma_start3A_307 : memref<56xi32, #tpu.memory_space<hbm>>) target(%arg13 : memref<56xi32, #tpu.memory_space<vmem>>) target_semaphore(%run_scoped3A : memref<!tpu.dma_semaphore, #tpu.memory_space<semaphore_mem>>)
      %dma_wait3A_308 = tpu.memref_slice %arg7[%multiple_of3A] : memref<3136xi32, #tpu.memory_space<hbm>> -> memref<56xi32, #tpu.memory_space<hbm>>
      %dma_wait3A_309 = tpu.memref_slice %arg7[%multiple_of3A] : memref<3136xi32, #tpu.memory_space<hbm>> -> memref<56xi32, #tpu.memory_space<hbm>>
      tpu.wait_dma2 semaphore(%run_scoped3A : memref<!tpu.dma_semaphore, #tpu.memory_space<semaphore_mem>>) src(%dma_wait3A_309 : memref<56xi32, #tpu.memory_space<hbm>>) dst(%arg13 : memref<56xi32, #tpu.memory_space<vmem>>)
      tpu.yield
    }) : () -> ()
    "tpu.region"() ({
      %run_scoped3A = tpu.sem_alloc : memref<!tpu.dma_semaphore, #tpu.memory_space<semaphore_mem>>
      %dma_start3A_306 = tpu.memref_slice %arg8[%multiple_of3A] : memref<3136xi32, #tpu.memory_space<hbm>> -> memref<56xi32, #tpu.memory_space<hbm>>
      %dma_start3A_307 = tpu.memref_slice %arg8[%multiple_of3A] : memref<3136xi32, #tpu.memory_space<hbm>> -> memref<56xi32, #tpu.memory_space<hbm>>
      tpu.enqueue_dma source(%dma_start3A_307 : memref<56xi32, #tpu.memory_space<hbm>>) target(%arg14 : memref<56xi32, #tpu.memory_space<vmem>>) target_semaphore(%run_scoped3A : memref<!tpu.dma_semaphore, #tpu.memory_space<semaphore_mem>>)
      %dma_wait3A_308 = tpu.memref_slice %arg8[%multiple_of3A] : memref<3136xi32, #tpu.memory_space<hbm>> -> memref<56xi32, #tpu.memory_space<hbm>>
      %dma_wait3A_309 = tpu.memref_slice %arg8[%multiple_of3A] : memref<3136xi32, #tpu.memory_space<hbm>> -> memref<56xi32, #tpu.memory_space<hbm>>
      tpu.wait_dma2 semaphore(%run_scoped3A : memref<!tpu.dma_semaphore, #tpu.memory_space<semaphore_mem>>) src(%dma_wait3A_309 : memref<56xi32, #tpu.memory_space<hbm>>) dst(%arg14 : memref<56xi32, #tpu.memory_space<vmem>>)
      tpu.yield
    }) : () -> ()
    %dma_start3A = arith.constant 0 : i32
    %dma_start3A_3 = arith.constant 0 : i32
    %dma_start3A_4 = tpu.memref_slice %arg11[%dma_start3A, %dma_start3A_3] : memref<64x768xf32, #tpu.memory_space<vmem>> -> memref<56x768xf32, #tpu.memory_space<vmem>>
    %dma_start3A_5 = arith.constant 0 : i32
    %dma_start3A_6 = arith.constant 0 : i32
    %dma_start3A_7 = tpu.memref_slice %arg2[%dma_start3A_5, %dma_start3A_6] : memref<12544x768xf32, #tpu.memory_space<hbm>> -> memref<12544x768xf32, #tpu.memory_space<hbm>>
    tpu.enqueue_indirect_dma source(%dma_start3A_7 : memref<12544x768xf32, #tpu.memory_space<hbm>>) target(%dma_start3A_4 : memref<56x768xf32, #tpu.memory_space<vmem>>) offsets(%arg13 : memref<56xi32, #tpu.memory_space<vmem>>) semaphore(%arg17 : memref<!tpu.dma_semaphore, #tpu.memory_space<semaphore_mem>>)
    %dma_start3A_8 = arith.constant 0 : i32
    %dma_start3A_9 = arith.constant 0 : i32
    %dma_start3A_10 = tpu.memref_slice %arg12[%dma_start3A_8, %dma_start3A_9] : memref<64x768xf32, #tpu.memory_space<vmem>> -> memref<56x768xf32, #tpu.memory_space<vmem>>
    %dma_start3A_11 = arith.constant 0 : i32
    %dma_start3A_12 = arith.constant 0 : i32
    %dma_start3A_13 = tpu.memref_slice %arg4[%dma_start3A_11, %dma_start3A_12] : memref<196x768xf32, #tpu.memory_space<hbm>> -> memref<196x768xf32, #tpu.memory_space<hbm>>
    tpu.enqueue_indirect_dma source(%dma_start3A_13 : memref<196x768xf32, #tpu.memory_space<hbm>>) target(%dma_start3A_10 : memref<56x768xf32, #tpu.memory_space<vmem>>) offsets(%arg14 : memref<56xi32, #tpu.memory_space<vmem>>) semaphore(%arg18 : memref<!tpu.dma_semaphore, #tpu.memory_space<semaphore_mem>>)
    %dma_wait3A = arith.constant 0 : i32
    %dma_wait3A_14 = arith.constant 0 : i32
    %dma_wait3A_15 = tpu.memref_slice %arg11[%dma_wait3A, %dma_wait3A_14] : memref<64x768xf32, #tpu.memory_space<vmem>> -> memref<56x768xf32, #tpu.memory_space<vmem>>
    %dma_wait3A_16 = arith.constant 0 : i32
    %dma_wait3A_17 = arith.constant 0 : i32
    %dma_wait3A_18 = tpu.memref_slice %arg2[%dma_wait3A_16, %dma_wait3A_17] : memref<12544x768xf32, #tpu.memory_space<hbm>> -> memref<12544x768xf32, #tpu.memory_space<hbm>>
    tpu.wait_indirect_dma semaphore(%arg17 : memref<!tpu.dma_semaphore, #tpu.memory_space<semaphore_mem>>) src(%dma_wait3A_18 : memref<12544x768xf32, #tpu.memory_space<hbm>>) dst(%dma_wait3A_15 : memref<56x768xf32, #tpu.memory_space<vmem>>)
    %dma_wait3A_19 = arith.constant 0 : i32
    %dma_wait3A_20 = arith.constant 0 : i32
    %dma_wait3A_21 = tpu.memref_slice %arg12[%dma_wait3A_19, %dma_wait3A_20] : memref<64x768xf32, #tpu.memory_space<vmem>> -> memref<56x768xf32, #tpu.memory_space<vmem>>
    %dma_wait3A_22 = arith.constant 0 : i32
    %dma_wait3A_23 = arith.constant 0 : i32
    %dma_wait3A_24 = tpu.memref_slice %arg4[%dma_wait3A_22, %dma_wait3A_23] : memref<196x768xf32, #tpu.memory_space<hbm>> -> memref<196x768xf32, #tpu.memory_space<hbm>>
    tpu.wait_indirect_dma semaphore(%arg18 : memref<!tpu.dma_semaphore, #tpu.memory_space<semaphore_mem>>) src(%dma_wait3A_24 : memref<196x768xf32, #tpu.memory_space<hbm>>) dst(%dma_wait3A_21 : memref<56x768xf32, #tpu.memory_space<vmem>>)
    %scan3A = arith.constant 0 : i32
    %scan3A_25 = arith.constant 0 : i32
    %scan3A_26 = arith.constant 2688 : i32
    %scan3A_27 = arith.addi %scan3A_25, %scan3A_26 : i32
    %scan3A_28 = arith.constant 1 : i32
    scf.for %scan3A_306 = %scan3A_25 to %scan3A_27 step %scan3A_28  : i32 {
      %jit3A = arith.constant 48 : i32
      %div3A = arith.divsi %scan3A_306, %jit3A : i32
      %sign3A = arith.constant 0 : i32
      %sign3A_307 = arith.cmpi sgt, %scan3A_306, %sign3A : i32
      %sign3A_308 = arith.extui %sign3A_307 : i1 to i32
      %sign3A_309 = arith.constant 0 : i32
      %sign3A_310 = arith.cmpi slt, %scan3A_306, %sign3A_309 : i32
      %sign3A_311 = arith.extui %sign3A_310 : i1 to i32
      %sign3A_312 = arith.subi %sign3A_308, %sign3A_311 : i32
      %sign3A_313 = arith.constant 0 : i32
      %sign3A_314 = arith.cmpi sgt, %jit3A, %sign3A_313 : i32
      %sign3A_315 = arith.extui %sign3A_314 : i1 to i32
      %sign3A_316 = arith.constant 0 : i32
      %sign3A_317 = arith.cmpi slt, %jit3A, %sign3A_316 : i32
      %sign3A_318 = arith.extui %sign3A_317 : i1 to i32
      %sign3A_319 = arith.subi %sign3A_315, %sign3A_318 : i32
      %ne3A = arith.cmpi ne, %sign3A_312, %sign3A_319 : i32
      %rem3A = arith.remsi %scan3A_306, %jit3A : i32
      %ne3A_320 = arith.constant 0 : i32
      %ne3A_321 = arith.cmpi ne, %rem3A, %ne3A_320 : i32
      %and3A = arith.andi %ne3A, %ne3A_321 : i1
      %sub3A = arith.constant 1 : i32
      %sub3A_322 = arith.subi %div3A, %sub3A : i32
      %select_n3A = arith.select %and3A, %sub3A_322, %div3A : i32
      %jit3A_323 = arith.constant 48 : i32
      %eq3A = arith.constant 0 : i32
      %eq3A_324 = arith.cmpi eq, %jit3A_323, %eq3A : i32
      %jit3A_325 = arith.constant 1 : i32
      %select_n3A_326 = arith.select %eq3A_324, %jit3A_325, %jit3A_323 : i32
      %rem3A_327 = arith.remsi %scan3A_306, %select_n3A_326 : i32
      %ne3A_328 = arith.constant 0 : i32
      %ne3A_329 = arith.cmpi ne, %rem3A_327, %ne3A_328 : i32
      %lt3A_330 = arith.constant 0 : i32
      %lt3A_331 = arith.cmpi slt, %rem3A_327, %lt3A_330 : i32
      %lt3A_332 = arith.constant 0 : i32
      %lt3A_333 = arith.cmpi slt, %select_n3A_326, %lt3A_332 : i32
      %ne3A_334 = arith.xori %lt3A_331, %lt3A_333 : i1
      %and3A_335 = arith.andi %ne3A_334, %ne3A_329 : i1
      %add3A_336 = arith.addi %rem3A_327, %select_n3A_326 : i32
      %select_n3A_337 = arith.select %and3A_335, %add3A_336, %rem3A_327 : i32
      %mul3A_338 = arith.constant 16 : i32
      %mul3A_339 = arith.muli %select_n3A_337, %mul3A_338 : i32
      %get3A_340 = arith.index_cast %select_n3A : i32 to index
      %get3A_341 = arith.index_cast %mul3A_339 : i32 to index
      %get3A_342 = tpu.vector_load %arg11[%get3A_340, %get3A_341] {strides = array<i32>} : memref<64x768xf32, #tpu.memory_space<vmem>>, vector<1x16xf32>,
      %get3A_343 = vector.shape_cast %get3A_342 : vector<1x16xf32> to vector<16xf32>
      %get3A_344 = arith.index_cast %select_n3A : i32 to index
      %get3A_345 = arith.index_cast %mul3A_339 : i32 to index
      %get3A_346 = tpu.vector_load %arg12[%get3A_344, %get3A_345] {strides = array<i32>} : memref<64x768xf32, #tpu.memory_space<vmem>>, vector<1x16xf32>,
      %get3A_347 = vector.shape_cast %get3A_346 : vector<1x16xf32> to vector<16xf32>
      %add3A_348 = arith.addf %get3A_343, %get3A_347 : vector<16xf32>
      %swap3A_349 = arith.index_cast %select_n3A : i32 to index
      %swap3A_350 = arith.index_cast %mul3A_339 : i32 to index
      %swap3A_351 = tpu.vector_load %arg11[%swap3A_349, %swap3A_350] {strides = array<i32>} : memref<64x768xf32, #tpu.memory_space<vmem>>, vector<1x16xf32>,
      %swap3A_352 = vector.shape_cast %swap3A_351 : vector<1x16xf32> to vector<16xf32>
      %swap3A_353 = vector.shape_cast %add3A_348 : vector<16xf32> to vector<1x16xf32>
      tpu.vector_store %arg11[%swap3A_349, %swap3A_350], %swap3A_353 {strides = array<i32>} : memref<64x768xf32, #tpu.memory_space<vmem>>, vector<1x16xf32>,
    }
    %scan3A_29 = arith.constant 2688 : i32
    "tpu.region"() ({
      %run_scoped3A = tpu.sem_alloc : memref<!tpu.dma_semaphore, #tpu.memory_space<semaphore_mem>>
      %dma_start3A_306 = arith.constant 0 : i32
      %dma_start3A_307 = arith.constant 0 : i32
      %dma_start3A_308 = tpu.memref_slice %arg11[%dma_start3A_306, %dma_start3A_307] : memref<64x768xf32, #tpu.memory_space<vmem>> -> memref<56x768xf32, #tpu.memory_space<vmem>>
      %dma_start3A_309 = arith.constant 0 : i32
      %dma_start3A_310 = tpu.memref_slice %arg9[%multiple_of3A, %dma_start3A_309] : memref<3136x768xf32, #tpu.memory_space<hbm>> -> memref<56x768xf32, #tpu.memory_space<hbm>>
      %dma_start3A_311 = arith.constant 0 : i32
      %dma_start3A_312 = tpu.memref_slice %arg9[%multiple_of3A, %dma_start3A_311] : memref<3136x768xf32, #tpu.memory_space<hbm>> -> memref<56x768xf32, #tpu.memory_space<hbm>>
      %dma_start3A_313 = arith.constant 0 : i32
      %dma_start3A_314 = arith.constant 0 : i32
      %dma_start3A_315 = tpu.memref_slice %arg11[%dma_start3A_313, %dma_start3A_314] : memref<64x768xf32, #tpu.memory_space<vmem>> -> memref<56x768xf32, #tpu.memory_space<vmem>>
      tpu.enqueue_dma source(%dma_start3A_315 : memref<56x768xf32, #tpu.memory_space<vmem>>) target(%dma_start3A_312 : memref<56x768xf32, #tpu.memory_space<hbm>>) target_semaphore(%run_scoped3A : memref<!tpu.dma_semaphore, #tpu.memory_space<semaphore_mem>>)
      %dma_wait3A_316 = arith.constant 0 : i32
      %dma_wait3A_317 = arith.constant 0 : i32
      %dma_wait3A_318 = tpu.memref_slice %arg11[%dma_wait3A_316, %dma_wait3A_317] : memref<64x768xf32, #tpu.memory_space<vmem>> -> memref<56x768xf32, #tpu.memory_space<vmem>>
      %dma_wait3A_319 = arith.constant 0 : i32
      %dma_wait3A_320 = tpu.memref_slice %arg9[%multiple_of3A, %dma_wait3A_319] : memref<3136x768xf32, #tpu.memory_space<hbm>> -> memref<56x768xf32, #tpu.memory_space<hbm>>
      %dma_wait3A_321 = arith.constant 0 : i32
      %dma_wait3A_322 = tpu.memref_slice %arg9[%multiple_of3A, %dma_wait3A_321] : memref<3136x768xf32, #tpu.memory_space<hbm>> -> memref<56x768xf32, #tpu.memory_space<hbm>>
      %dma_wait3A_323 = arith.constant 0 : i32
      %dma_wait3A_324 = arith.constant 0 : i32
      %dma_wait3A_325 = tpu.memref_slice %arg11[%dma_wait3A_323, %dma_wait3A_324] : memref<64x768xf32, #tpu.memory_space<vmem>> -> memref<56x768xf32, #tpu.memory_space<vmem>>
      tpu.wait_dma2 semaphore(%run_scoped3A : memref<!tpu.dma_semaphore, #tpu.memory_space<semaphore_mem>>) src(%dma_wait3A_325 : memref<56x768xf32, #tpu.memory_space<vmem>>) dst(%dma_wait3A_322 : memref<56x768xf32, #tpu.memory_space<hbm>>)
      tpu.yield
    }) : () -> ()
    %lt3A = arith.constant 24 : i32
    %lt3A_30 = arith.cmpi slt, %add3A, %lt3A : i32
    %convert_element_type3A = arith.extui %lt3A_30 : i1 to i32
    %cond3A = arith.constant 0 : i32
    %cond3A_31 = arith.cmpi ne, %convert_element_type3A, %cond3A : i32
    scf.if %cond3A_31 {
      %add3A_306 = arith.constant 32 : i32
      %add3A_307 = arith.addi %add3A, %add3A_306 : i32
      %mul3A_308 = arith.constant 56 : i32
      %mul3A_309 = arith.muli %add3A_307, %mul3A_308 : i32
      %multiple_of3A_310 = tpu.assume_multiple %mul3A_309, 8 : i32
      "tpu.region"() ({
        %run_scoped3A = tpu.sem_alloc : memref<!tpu.dma_semaphore, #tpu.memory_space<semaphore_mem>>
        %dma_start3A_341 = tpu.memref_slice %arg7[%multiple_of3A_310] : memref<3136xi32, #tpu.memory_space<hbm>> -> memref<56xi32, #tpu.memory_space<hbm>>
        %dma_start3A_342 = tpu.memref_slice %arg7[%multiple_of3A_310] : memref<3136xi32, #tpu.memory_space<hbm>> -> memref<56xi32, #tpu.memory_space<hbm>>
        tpu.enqueue_dma source(%dma_start3A_342 : memref<56xi32, #tpu.memory_space<hbm>>) target(%arg13 : memref<56xi32, #tpu.memory_space<vmem>>) target_semaphore(%run_scoped3A : memref<!tpu.dma_semaphore, #tpu.memory_space<semaphore_mem>>)
        %dma_wait3A_343 = tpu.memref_slice %arg7[%multiple_of3A_310] : memref<3136xi32, #tpu.memory_space<hbm>> -> memref<56xi32, #tpu.memory_space<hbm>>
        %dma_wait3A_344 = tpu.memref_slice %arg7[%multiple_of3A_310] : memref<3136xi32, #tpu.memory_space<hbm>> -> memref<56xi32, #tpu.memory_space<hbm>>
        tpu.wait_dma2 semaphore(%run_scoped3A : memref<!tpu.dma_semaphore, #tpu.memory_space<semaphore_mem>>) src(%dma_wait3A_344 : memref<56xi32, #tpu.memory_space<hbm>>) dst(%arg13 : memref<56xi32, #tpu.memory_space<vmem>>)
        tpu.yield
      }) : () -> ()
      "tpu.region"() ({
        %run_scoped3A = tpu.sem_alloc : memref<!tpu.dma_semaphore, #tpu.memory_space<semaphore_mem>>
        %dma_start3A_341 = tpu.memref_slice %arg8[%multiple_of3A_310] : memref<3136xi32, #tpu.memory_space<hbm>> -> memref<56xi32, #tpu.memory_space<hbm>>
        %dma_start3A_342 = tpu.memref_slice %arg8[%multiple_of3A_310] : memref<3136xi32, #tpu.memory_space<hbm>> -> memref<56xi32, #tpu.memory_space<hbm>>
        tpu.enqueue_dma source(%dma_start3A_342 : memref<56xi32, #tpu.memory_space<hbm>>) target(%arg14 : memref<56xi32, #tpu.memory_space<vmem>>) target_semaphore(%run_scoped3A : memref<!tpu.dma_semaphore, #tpu.memory_space<semaphore_mem>>)
        %dma_wait3A_343 = tpu.memref_slice %arg8[%multiple_of3A_310] : memref<3136xi32, #tpu.memory_space<hbm>> -> memref<56xi32, #tpu.memory_space<hbm>>
        %dma_wait3A_344 = tpu.memref_slice %arg8[%multiple_of3A_310] : memref<3136xi32, #tpu.memory_space<hbm>> -> memref<56xi32, #tpu.memory_space<hbm>>
        tpu.wait_dma2 semaphore(%run_scoped3A : memref<!tpu.dma_semaphore, #tpu.memory_space<semaphore_mem>>) src(%dma_wait3A_344 : memref<56xi32, #tpu.memory_space<hbm>>) dst(%arg14 : memref<56xi32, #tpu.memory_space<vmem>>)
        tpu.yield
      }) : () -> ()
      %dma_start3A_311 = arith.constant 0 : i32
      %dma_start3A_312 = arith.constant 0 : i32
      %dma_start3A_313 = tpu.memref_slice %arg11[%dma_start3A_311, %dma_start3A_312] : memref<64x768xf32, #tpu.memory_space<vmem>> -> memref<56x768xf32, #tpu.memory_space<vmem>>
      %dma_start3A_314 = arith.constant 0 : i32
      %dma_start3A_315 = arith.constant 0 : i32
      %dma_start3A_316 = tpu.memref_slice %arg2[%dma_start3A_314, %dma_start3A_315] : memref<12544x768xf32, #tpu.memory_space<hbm>> -> memref<12544x768xf32, #tpu.memory_space<hbm>>
      tpu.enqueue_indirect_dma source(%dma_start3A_316 : memref<12544x768xf32, #tpu.memory_space<hbm>>) target(%dma_start3A_313 : memref<56x768xf32, #tpu.memory_space<vmem>>) offsets(%arg13 : memref<56xi32, #tpu.memory_space<vmem>>) semaphore(%arg17 : memref<!tpu.dma_semaphore, #tpu.memory_space<semaphore_mem>>)
      %dma_start3A_317 = arith.constant 0 : i32
      %dma_start3A_318 = arith.constant 0 : i32
      %dma_start3A_319 = tpu.memref_slice %arg12[%dma_start3A_317, %dma_start3A_318] : memref<64x768xf32, #tpu.memory_space<vmem>> -> memref<56x768xf32, #tpu.memory_space<vmem>>
      %dma_start3A_320 = arith.constant 0 : i32
      %dma_start3A_321 = arith.constant 0 : i32
      %dma_start3A_322 = tpu.memref_slice %arg4[%dma_start3A_320, %dma_start3A_321] : memref<196x768xf32, #tpu.memory_space<hbm>> -> memref<196x768xf32, #tpu.memory_space<hbm>>
      tpu.enqueue_indirect_dma source(%dma_start3A_322 : memref<196x768xf32, #tpu.memory_space<hbm>>) target(%dma_start3A_319 : memref<56x768xf32, #tpu.memory_space<vmem>>) offsets(%arg14 : memref<56xi32, #tpu.memory_space<vmem>>) semaphore(%arg18 : memref<!tpu.dma_semaphore, #tpu.memory_space<semaphore_mem>>)
      %dma_wait3A_323 = arith.constant 0 : i32
      %dma_wait3A_324 = arith.constant 0 : i32
      %dma_wait3A_325 = tpu.memref_slice %arg11[%dma_wait3A_323, %dma_wait3A_324] : memref<64x768xf32, #tpu.memory_space<vmem>> -> memref<56x768xf32, #tpu.memory_space<vmem>>
      %dma_wait3A_326 = arith.constant 0 : i32
      %dma_wait3A_327 = arith.constant 0 : i32
      %dma_wait3A_328 = tpu.memref_slice %arg2[%dma_wait3A_326, %dma_wait3A_327] : memref<12544x768xf32, #tpu.memory_space<hbm>> -> memref<12544x768xf32, #tpu.memory_space<hbm>>
      tpu.wait_indirect_dma semaphore(%arg17 : memref<!tpu.dma_semaphore, #tpu.memory_space<semaphore_mem>>) src(%dma_wait3A_328 : memref<12544x768xf32, #tpu.memory_space<hbm>>) dst(%dma_wait3A_325 : memref<56x768xf32, #tpu.memory_space<vmem>>)
      %dma_wait3A_329 = arith.constant 0 : i32
      %dma_wait3A_330 = arith.constant 0 : i32
      %dma_wait3A_331 = tpu.memref_slice %arg12[%dma_wait3A_329, %dma_wait3A_330] : memref<64x768xf32, #tpu.memory_space<vmem>> -> memref<56x768xf32, #tpu.memory_space<vmem>>
      %dma_wait3A_332 = arith.constant 0 : i32
      %dma_wait3A_333 = arith.constant 0 : i32
      %dma_wait3A_334 = tpu.memref_slice %arg4[%dma_wait3A_332, %dma_wait3A_333] : memref<196x768xf32, #tpu.memory_space<hbm>> -> memref<196x768xf32, #tpu.memory_space<hbm>>
      tpu.wait_indirect_dma semaphore(%arg18 : memref<!tpu.dma_semaphore, #tpu.memory_space<semaphore_mem>>) src(%dma_wait3A_334 : memref<196x768xf32, #tpu.memory_space<hbm>>) dst(%dma_wait3A_331 : memref<56x768xf32, #tpu.memory_space<vmem>>)
      %scan3A_335 = arith.constant 0 : i32
      %scan3A_336 = arith.constant 0 : i32
      %scan3A_337 = arith.constant 2688 : i32
      %scan3A_338 = arith.addi %scan3A_336, %scan3A_337 : i32
      %scan3A_339 = arith.constant 1 : i32
      scf.for %scan3A_341 = %scan3A_336 to %scan3A_338 step %scan3A_339  : i32 {
        %jit3A = arith.constant 48 : i32
        %div3A = arith.divsi %scan3A_341, %jit3A : i32
        %sign3A = arith.constant 0 : i32
        %sign3A_342 = arith.cmpi sgt, %scan3A_341, %sign3A : i32
        %sign3A_343 = arith.extui %sign3A_342 : i1 to i32
        %sign3A_344 = arith.constant 0 : i32
        %sign3A_345 = arith.cmpi slt, %scan3A_341, %sign3A_344 : i32
        %sign3A_346 = arith.extui %sign3A_345 : i1 to i32
        %sign3A_347 = arith.subi %sign3A_343, %sign3A_346 : i32
        %sign3A_348 = arith.constant 0 : i32
        %sign3A_349 = arith.cmpi sgt, %jit3A, %sign3A_348 : i32
        %sign3A_350 = arith.extui %sign3A_349 : i1 to i32
        %sign3A_351 = arith.constant 0 : i32
        %sign3A_352 = arith.cmpi slt, %jit3A, %sign3A_351 : i32
        %sign3A_353 = arith.extui %sign3A_352 : i1 to i32
        %sign3A_354 = arith.subi %sign3A_350, %sign3A_353 : i32
        %ne3A = arith.cmpi ne, %sign3A_347, %sign3A_354 : i32
        %rem3A = arith.remsi %scan3A_341, %jit3A : i32
        %ne3A_355 = arith.constant 0 : i32
        %ne3A_356 = arith.cmpi ne, %rem3A, %ne3A_355 : i32
        %and3A = arith.andi %ne3A, %ne3A_356 : i1
        %sub3A = arith.constant 1 : i32
        %sub3A_357 = arith.subi %div3A, %sub3A : i32
        %select_n3A = arith.select %and3A, %sub3A_357, %div3A : i32
        %jit3A_358 = arith.constant 48 : i32
        %eq3A = arith.constant 0 : i32
        %eq3A_359 = arith.cmpi eq, %jit3A_358, %eq3A : i32
        %jit3A_360 = arith.constant 1 : i32
        %select_n3A_361 = arith.select %eq3A_359, %jit3A_360, %jit3A_358 : i32
        %rem3A_362 = arith.remsi %scan3A_341, %select_n3A_361 : i32
        %ne3A_363 = arith.constant 0 : i32
        %ne3A_364 = arith.cmpi ne, %rem3A_362, %ne3A_363 : i32
        %lt3A_365 = arith.constant 0 : i32
        %lt3A_366 = arith.cmpi slt, %rem3A_362, %lt3A_365 : i32
        %lt3A_367 = arith.constant 0 : i32
        %lt3A_368 = arith.cmpi slt, %select_n3A_361, %lt3A_367 : i32
        %ne3A_369 = arith.xori %lt3A_366, %lt3A_368 : i1
        %and3A_370 = arith.andi %ne3A_369, %ne3A_364 : i1
        %add3A_371 = arith.addi %rem3A_362, %select_n3A_361 : i32
        %select_n3A_372 = arith.select %and3A_370, %add3A_371, %rem3A_362 : i32
        %mul3A_373 = arith.constant 16 : i32
        %mul3A_374 = arith.muli %select_n3A_372, %mul3A_373 : i32
        %get3A_375 = arith.index_cast %select_n3A : i32 to index
        %get3A_376 = arith.index_cast %mul3A_374 : i32 to index
        %get3A_377 = tpu.vector_load %arg11[%get3A_375, %get3A_376] {strides = array<i32>} : memref<64x768xf32, #tpu.memory_space<vmem>>, vector<1x16xf32>,
        %get3A_378 = vector.shape_cast %get3A_377 : vector<1x16xf32> to vector<16xf32>
        %get3A_379 = arith.index_cast %select_n3A : i32 to index
        %get3A_380 = arith.index_cast %mul3A_374 : i32 to index
        %get3A_381 = tpu.vector_load %arg12[%get3A_379, %get3A_380] {strides = array<i32>} : memref<64x768xf32, #tpu.memory_space<vmem>>, vector<1x16xf32>,
        %get3A_382 = vector.shape_cast %get3A_381 : vector<1x16xf32> to vector<16xf32>
        %add3A_383 = arith.addf %get3A_378, %get3A_382 : vector<16xf32>
        %swap3A_384 = arith.index_cast %select_n3A : i32 to index
        %swap3A_385 = arith.index_cast %mul3A_374 : i32 to index
        %swap3A_386 = tpu.vector_load %arg11[%swap3A_384, %swap3A_385] {strides = array<i32>} : memref<64x768xf32, #tpu.memory_space<vmem>>, vector<1x16xf32>,
        %swap3A_387 = vector.shape_cast %swap3A_386 : vector<1x16xf32> to vector<16xf32>
        %swap3A_388 = vector.shape_cast %add3A_383 : vector<16xf32> to vector<1x16xf32>
        tpu.vector_store %arg11[%swap3A_384, %swap3A_385], %swap3A_388 {strides = array<i32>} : memref<64x768xf32, #tpu.memory_space<vmem>>, vector<1x16xf32>,
      }
      %scan3A_340 = arith.constant 2688 : i32
      "tpu.region"() ({
        %run_scoped3A = tpu.sem_alloc : memref<!tpu.dma_semaphore, #tpu.memory_space<semaphore_mem>>
        %dma_start3A_341 = arith.constant 0 : i32
        %dma_start3A_342 = arith.constant 0 : i32
        %dma_start3A_343 = tpu.memref_slice %arg11[%dma_start3A_341, %dma_start3A_342] : memref<64x768xf32, #tpu.memory_space<vmem>> -> memref<56x768xf32, #tpu.memory_space<vmem>>
        %dma_start3A_344 = arith.constant 0 : i32
        %dma_start3A_345 = tpu.memref_slice %arg9[%multiple_of3A_310, %dma_start3A_344] : memref<3136x768xf32, #tpu.memory_space<hbm>> -> memref<56x768xf32, #tpu.memory_space<hbm>>
        %dma_start3A_346 = arith.constant 0 : i32
        %dma_start3A_347 = tpu.memref_slice %arg9[%multiple_of3A_310, %dma_start3A_346] : memref<3136x768xf32, #tpu.memory_space<hbm>> -> memref<56x768xf32, #tpu.memory_space<hbm>>
        %dma_start3A_348 = arith.constant 0 : i32
        %dma_start3A_349 = arith.constant 0 : i32
        %dma_start3A_350 = tpu.memref_slice %arg11[%dma_start3A_348, %dma_start3A_349] : memref<64x768xf32, #tpu.memory_space<vmem>> -> memref<56x768xf32, #tpu.memory_space<vmem>>
        tpu.enqueue_dma source(%dma_start3A_350 : memref<56x768xf32, #tpu.memory_space<vmem>>) target(%dma_start3A_347 : memref<56x768xf32, #tpu.memory_space<hbm>>) target_semaphore(%run_scoped3A : memref<!tpu.dma_semaphore, #tpu.memory_space<semaphore_mem>>)
        %dma_wait3A_351 = arith.constant 0 : i32
        %dma_wait3A_352 = arith.constant 0 : i32
        %dma_wait3A_353 = tpu.memref_slice %arg11[%dma_wait3A_351, %dma_wait3A_352] : memref<64x768xf32, #tpu.memory_space<vmem>> -> memref<56x768xf32, #tpu.memory_space<vmem>>
        %dma_wait3A_354 = arith.constant 0 : i32
        %dma_wait3A_355 = tpu.memref_slice %arg9[%multiple_of3A_310, %dma_wait3A_354] : memref<3136x768xf32, #tpu.memory_space<hbm>> -> memref<56x768xf32, #tpu.memory_space<hbm>>
        %dma_wait3A_356 = arith.constant 0 : i32
        %dma_wait3A_357 = tpu.memref_slice %arg9[%multiple_of3A_310, %dma_wait3A_356] : memref<3136x768xf32, #tpu.memory_space<hbm>> -> memref<56x768xf32, #tpu.memory_space<hbm>>
        %dma_wait3A_358 = arith.constant 0 : i32
        %dma_wait3A_359 = arith.constant 0 : i32
        %dma_wait3A_360 = tpu.memref_slice %arg11[%dma_wait3A_358, %dma_wait3A_359] : memref<64x768xf32, #tpu.memory_space<vmem>> -> memref<56x768xf32, #tpu.memory_space<vmem>>
        tpu.wait_dma2 semaphore(%run_scoped3A : memref<!tpu.dma_semaphore, #tpu.memory_space<semaphore_mem>>) src(%dma_wait3A_360 : memref<56x768xf32, #tpu.memory_space<vmem>>) dst(%dma_wait3A_357 : memref<56x768xf32, #tpu.memory_space<hbm>>)
        tpu.yield
      }) : () -> ()
    } else {
    }
    %mul3A_32 = arith.constant 2 : i32
    %mul3A_33 = arith.muli %add3A, %mul3A_32 : i32
    %add3A_34 = arith.constant 0 : i32
    %add3A_35 = arith.addi %mul3A_33, %add3A_34 : i32
    %mul3A_36 = arith.constant 128 : i32
    %mul3A_37 = arith.muli %add3A_35, %mul3A_36 : i32
    %add3A_38 = arith.constant 0 : i32
    %add3A_39 = arith.addi %mul3A_37, %add3A_38 : i32
    %multiple_of3A_40 = tpu.assume_multiple %add3A_39, 64 : i32
    "tpu.region"() ({
      %run_scoped3A = tpu.sem_alloc : memref<!tpu.dma_semaphore, #tpu.memory_space<semaphore_mem>>
      %dma_start3A_306 = tpu.memref_slice %arg6[%multiple_of3A_40] : memref<8192xi32, #tpu.memory_space<hbm>> -> memref<64xi32, #tpu.memory_space<hbm>>
      %dma_start3A_307 = tpu.memref_slice %arg6[%multiple_of3A_40] : memref<8192xi32, #tpu.memory_space<hbm>> -> memref<64xi32, #tpu.memory_space<hbm>>
      tpu.enqueue_dma source(%dma_start3A_307 : memref<64xi32, #tpu.memory_space<hbm>>) target(%arg15 : memref<64xi32, #tpu.memory_space<vmem>>) target_semaphore(%run_scoped3A : memref<!tpu.dma_semaphore, #tpu.memory_space<semaphore_mem>>)
      %dma_wait3A_308 = tpu.memref_slice %arg6[%multiple_of3A_40] : memref<8192xi32, #tpu.memory_space<hbm>> -> memref<64xi32, #tpu.memory_space<hbm>>
      %dma_wait3A_309 = tpu.memref_slice %arg6[%multiple_of3A_40] : memref<8192xi32, #tpu.memory_space<hbm>> -> memref<64xi32, #tpu.memory_space<hbm>>
      tpu.wait_dma2 semaphore(%run_scoped3A : memref<!tpu.dma_semaphore, #tpu.memory_space<semaphore_mem>>) src(%dma_wait3A_309 : memref<64xi32, #tpu.memory_space<hbm>>) dst(%arg15 : memref<64xi32, #tpu.memory_space<vmem>>)
      tpu.yield
    }) : () -> ()
    %get3A = arith.constant 0 : index
    %get3A_41 = tpu.vector_load %arg15[%get3A] {strides = array<i32>} : memref<64xi32, #tpu.memory_space<vmem>>, vector<16xi32>,
    %get3A_42 = vector.shape_cast %get3A_41 : vector<16xi32> to vector<16xi32>
    %mul3A_43 = arith.constant 512 : i32
    %mul3A_44 = arith.muli %add3A_35, %mul3A_43 : i32
    %add3A_45 = vector.broadcast %mul3A_44 : i32 to vector<16xi32>
    %add3A_46 = arith.addi %get3A_42, %add3A_45 : vector<16xi32>
    %swap3A = arith.constant 0 : index
    %swap3A_47 = tpu.vector_load %arg16[%swap3A] {strides = array<i32>} : memref<64xi32, #tpu.memory_space<vmem>>, vector<16xi32>,
    %swap3A_48 = vector.shape_cast %swap3A_47 : vector<16xi32> to vector<16xi32>
    %swap3A_49 = vector.shape_cast %add3A_46 : vector<16xi32> to vector<16xi32>
    tpu.vector_store %arg16[%swap3A], %swap3A_49 {strides = array<i32>} : memref<64xi32, #tpu.memory_space<vmem>>, vector<16xi32>,
    %get3A_50 = arith.constant 16 : index
    %get3A_51 = tpu.vector_load %arg15[%get3A_50] {strides = array<i32>} : memref<64xi32, #tpu.memory_space<vmem>>, vector<16xi32>,
    %get3A_52 = vector.shape_cast %get3A_51 : vector<16xi32> to vector<16xi32>
    %mul3A_53 = arith.constant 512 : i32
    %mul3A_54 = arith.muli %add3A_35, %mul3A_53 : i32
    %add3A_55 = vector.broadcast %mul3A_54 : i32 to vector<16xi32>
    %add3A_56 = arith.addi %get3A_52, %add3A_55 : vector<16xi32>
    %swap3A_57 = arith.constant 16 : index
    %swap3A_58 = tpu.vector_load %arg16[%swap3A_57] {strides = array<i32>} : memref<64xi32, #tpu.memory_space<vmem>>, vector<16xi32>,
    %swap3A_59 = vector.shape_cast %swap3A_58 : vector<16xi32> to vector<16xi32>
    %swap3A_60 = vector.shape_cast %add3A_56 : vector<16xi32> to vector<16xi32>
    tpu.vector_store %arg16[%swap3A_57], %swap3A_60 {strides = array<i32>} : memref<64xi32, #tpu.memory_space<vmem>>, vector<16xi32>,
    %get3A_61 = arith.constant 32 : index
    %get3A_62 = tpu.vector_load %arg15[%get3A_61] {strides = array<i32>} : memref<64xi32, #tpu.memory_space<vmem>>, vector<16xi32>,
    %get3A_63 = vector.shape_cast %get3A_62 : vector<16xi32> to vector<16xi32>
    %mul3A_64 = arith.constant 512 : i32
    %mul3A_65 = arith.muli %add3A_35, %mul3A_64 : i32
    %add3A_66 = vector.broadcast %mul3A_65 : i32 to vector<16xi32>
    %add3A_67 = arith.addi %get3A_63, %add3A_66 : vector<16xi32>
    %swap3A_68 = arith.constant 32 : index
    %swap3A_69 = tpu.vector_load %arg16[%swap3A_68] {strides = array<i32>} : memref<64xi32, #tpu.memory_space<vmem>>, vector<16xi32>,
    %swap3A_70 = vector.shape_cast %swap3A_69 : vector<16xi32> to vector<16xi32>
    %swap3A_71 = vector.shape_cast %add3A_67 : vector<16xi32> to vector<16xi32>
    tpu.vector_store %arg16[%swap3A_68], %swap3A_71 {strides = array<i32>} : memref<64xi32, #tpu.memory_space<vmem>>, vector<16xi32>,
    %get3A_72 = arith.constant 48 : index
    %get3A_73 = tpu.vector_load %arg15[%get3A_72] {strides = array<i32>} : memref<64xi32, #tpu.memory_space<vmem>>, vector<16xi32>,
    %get3A_74 = vector.shape_cast %get3A_73 : vector<16xi32> to vector<16xi32>
    %mul3A_75 = arith.constant 512 : i32
    %mul3A_76 = arith.muli %add3A_35, %mul3A_75 : i32
    %add3A_77 = vector.broadcast %mul3A_76 : i32 to vector<16xi32>
    %add3A_78 = arith.addi %get3A_74, %add3A_77 : vector<16xi32>
    %swap3A_79 = arith.constant 48 : index
    %swap3A_80 = tpu.vector_load %arg16[%swap3A_79] {strides = array<i32>} : memref<64xi32, #tpu.memory_space<vmem>>, vector<16xi32>,
    %swap3A_81 = vector.shape_cast %swap3A_80 : vector<16xi32> to vector<16xi32>
    %swap3A_82 = vector.shape_cast %add3A_78 : vector<16xi32> to vector<16xi32>
    tpu.vector_store %arg16[%swap3A_79], %swap3A_82 {strides = array<i32>} : memref<64xi32, #tpu.memory_space<vmem>>, vector<16xi32>,
    %dma_start3A_83 = arith.constant 0 : i32
    %dma_start3A_84 = arith.constant 0 : i32
    %dma_start3A_85 = tpu.memref_slice %arg3[%dma_start3A_83, %dma_start3A_84] : memref<32768x768xf32, #tpu.memory_space<hbm>> -> memref<32768x768xf32, #tpu.memory_space<hbm>>
    tpu.enqueue_indirect_dma source(%dma_start3A_85 : memref<32768x768xf32, #tpu.memory_space<hbm>>) target(%arg11 : memref<64x768xf32, #tpu.memory_space<vmem>>) offsets(%arg16 : memref<64xi32, #tpu.memory_space<vmem>>) semaphore(%arg17 : memref<!tpu.dma_semaphore, #tpu.memory_space<semaphore_mem>>)
    %dma_start3A_86 = arith.constant 0 : i32
    %dma_start3A_87 = arith.constant 0 : i32
    %dma_start3A_88 = tpu.memref_slice %arg5[%dma_start3A_86, %dma_start3A_87] : memref<512x768xf32, #tpu.memory_space<hbm>> -> memref<512x768xf32, #tpu.memory_space<hbm>>
    tpu.enqueue_indirect_dma source(%dma_start3A_88 : memref<512x768xf32, #tpu.memory_space<hbm>>) target(%arg12 : memref<64x768xf32, #tpu.memory_space<vmem>>) offsets(%arg15 : memref<64xi32, #tpu.memory_space<vmem>>) semaphore(%arg18 : memref<!tpu.dma_semaphore, #tpu.memory_space<semaphore_mem>>)
    %dma_wait3A_89 = arith.constant 0 : i32
    %dma_wait3A_90 = arith.constant 0 : i32
    %dma_wait3A_91 = tpu.memref_slice %arg3[%dma_wait3A_89, %dma_wait3A_90] : memref<32768x768xf32, #tpu.memory_space<hbm>> -> memref<32768x768xf32, #tpu.memory_space<hbm>>
    tpu.wait_indirect_dma semaphore(%arg17 : memref<!tpu.dma_semaphore, #tpu.memory_space<semaphore_mem>>) src(%dma_wait3A_91 : memref<32768x768xf32, #tpu.memory_space<hbm>>) dst(%arg11 : memref<64x768xf32, #tpu.memory_space<vmem>>)
    %dma_wait3A_92 = arith.constant 0 : i32
    %dma_wait3A_93 = arith.constant 0 : i32
    %dma_wait3A_94 = tpu.memref_slice %arg5[%dma_wait3A_92, %dma_wait3A_93] : memref<512x768xf32, #tpu.memory_space<hbm>> -> memref<512x768xf32, #tpu.memory_space<hbm>>
    tpu.wait_indirect_dma semaphore(%arg18 : memref<!tpu.dma_semaphore, #tpu.memory_space<semaphore_mem>>) src(%dma_wait3A_94 : memref<512x768xf32, #tpu.memory_space<hbm>>) dst(%arg12 : memref<64x768xf32, #tpu.memory_space<vmem>>)
    %scan3A_95 = arith.constant 0 : i32
    %scan3A_96 = arith.constant 0 : i32
    %scan3A_97 = arith.constant 3072 : i32
    %scan3A_98 = arith.addi %scan3A_96, %scan3A_97 : i32
    %scan3A_99 = arith.constant 1 : i32
    scf.for %scan3A_306 = %scan3A_96 to %scan3A_98 step %scan3A_99  : i32 {
      %jit3A = arith.constant 48 : i32
      %div3A = arith.divsi %scan3A_306, %jit3A : i32
      %sign3A = arith.constant 0 : i32
      %sign3A_307 = arith.cmpi sgt, %scan3A_306, %sign3A : i32
      %sign3A_308 = arith.extui %sign3A_307 : i1 to i32
      %sign3A_309 = arith.constant 0 : i32
      %sign3A_310 = arith.cmpi slt, %scan3A_306, %sign3A_309 : i32
      %sign3A_311 = arith.extui %sign3A_310 : i1 to i32
      %sign3A_312 = arith.subi %sign3A_308, %sign3A_311 : i32
      %sign3A_313 = arith.constant 0 : i32
      %sign3A_314 = arith.cmpi sgt, %jit3A, %sign3A_313 : i32
      %sign3A_315 = arith.extui %sign3A_314 : i1 to i32
      %sign3A_316 = arith.constant 0 : i32
      %sign3A_317 = arith.cmpi slt, %jit3A, %sign3A_316 : i32
      %sign3A_318 = arith.extui %sign3A_317 : i1 to i32
      %sign3A_319 = arith.subi %sign3A_315, %sign3A_318 : i32
      %ne3A = arith.cmpi ne, %sign3A_312, %sign3A_319 : i32
      %rem3A = arith.remsi %scan3A_306, %jit3A : i32
      %ne3A_320 = arith.constant 0 : i32
      %ne3A_321 = arith.cmpi ne, %rem3A, %ne3A_320 : i32
      %and3A = arith.andi %ne3A, %ne3A_321 : i1
      %sub3A = arith.constant 1 : i32
      %sub3A_322 = arith.subi %div3A, %sub3A : i32
      %select_n3A = arith.select %and3A, %sub3A_322, %div3A : i32
      %jit3A_323 = arith.constant 48 : i32
      %eq3A = arith.constant 0 : i32
      %eq3A_324 = arith.cmpi eq, %jit3A_323, %eq3A : i32
      %jit3A_325 = arith.constant 1 : i32
      %select_n3A_326 = arith.select %eq3A_324, %jit3A_325, %jit3A_323 : i32
      %rem3A_327 = arith.remsi %scan3A_306, %select_n3A_326 : i32
      %ne3A_328 = arith.constant 0 : i32
      %ne3A_329 = arith.cmpi ne, %rem3A_327, %ne3A_328 : i32
      %lt3A_330 = arith.constant 0 : i32
      %lt3A_331 = arith.cmpi slt, %rem3A_327, %lt3A_330 : i32
      %lt3A_332 = arith.constant 0 : i32
      %lt3A_333 = arith.cmpi slt, %select_n3A_326, %lt3A_332 : i32
      %ne3A_334 = arith.xori %lt3A_331, %lt3A_333 : i1
      %and3A_335 = arith.andi %ne3A_334, %ne3A_329 : i1
      %add3A_336 = arith.addi %rem3A_327, %select_n3A_326 : i32
      %select_n3A_337 = arith.select %and3A_335, %add3A_336, %rem3A_327 : i32
      %mul3A_338 = arith.constant 16 : i32
      %mul3A_339 = arith.muli %select_n3A_337, %mul3A_338 : i32
      %get3A_340 = arith.index_cast %select_n3A : i32 to index
      %get3A_341 = arith.index_cast %mul3A_339 : i32 to index
      %get3A_342 = tpu.vector_load %arg11[%get3A_340, %get3A_341] {strides = array<i32>} : memref<64x768xf32, #tpu.memory_space<vmem>>, vector<1x16xf32>,
      %get3A_343 = vector.shape_cast %get3A_342 : vector<1x16xf32> to vector<16xf32>
      %get3A_344 = arith.index_cast %select_n3A : i32 to index
      %get3A_345 = arith.index_cast %mul3A_339 : i32 to index
      %get3A_346 = tpu.vector_load %arg12[%get3A_344, %get3A_345] {strides = array<i32>} : memref<64x768xf32, #tpu.memory_space<vmem>>, vector<1x16xf32>,
      %get3A_347 = vector.shape_cast %get3A_346 : vector<1x16xf32> to vector<16xf32>
      %add3A_348 = arith.addf %get3A_343, %get3A_347 : vector<16xf32>
      %swap3A_349 = arith.index_cast %select_n3A : i32 to index
      %swap3A_350 = arith.index_cast %mul3A_339 : i32 to index
      %swap3A_351 = tpu.vector_load %arg11[%swap3A_349, %swap3A_350] {strides = array<i32>} : memref<64x768xf32, #tpu.memory_space<vmem>>, vector<1x16xf32>,
      %swap3A_352 = vector.shape_cast %swap3A_351 : vector<1x16xf32> to vector<16xf32>
      %swap3A_353 = vector.shape_cast %add3A_348 : vector<16xf32> to vector<1x16xf32>
      tpu.vector_store %arg11[%swap3A_349, %swap3A_350], %swap3A_353 {strides = array<i32>} : memref<64x768xf32, #tpu.memory_space<vmem>>, vector<1x16xf32>,
    }
    %scan3A_100 = arith.constant 3072 : i32
    "tpu.region"() ({
      %run_scoped3A = tpu.sem_alloc : memref<!tpu.dma_semaphore, #tpu.memory_space<semaphore_mem>>
      %dma_start3A_306 = arith.constant 0 : i32
      %dma_start3A_307 = tpu.memref_slice %arg10[%multiple_of3A_40, %dma_start3A_306] : memref<8192x768xf32, #tpu.memory_space<hbm>> -> memref<64x768xf32, #tpu.memory_space<hbm>>
      %dma_start3A_308 = arith.constant 0 : i32
      %dma_start3A_309 = tpu.memref_slice %arg10[%multiple_of3A_40, %dma_start3A_308] : memref<8192x768xf32, #tpu.memory_space<hbm>> -> memref<64x768xf32, #tpu.memory_space<hbm>>
      tpu.enqueue_dma source(%arg11 : memref<64x768xf32, #tpu.memory_space<vmem>>) target(%dma_start3A_309 : memref<64x768xf32, #tpu.memory_space<hbm>>) target_semaphore(%run_scoped3A : memref<!tpu.dma_semaphore, #tpu.memory_space<semaphore_mem>>)
      %dma_wait3A_310 = arith.constant 0 : i32
      %dma_wait3A_311 = tpu.memref_slice %arg10[%multiple_of3A_40, %dma_wait3A_310] : memref<8192x768xf32, #tpu.memory_space<hbm>> -> memref<64x768xf32, #tpu.memory_space<hbm>>
      %dma_wait3A_312 = arith.constant 0 : i32
      %dma_wait3A_313 = tpu.memref_slice %arg10[%multiple_of3A_40, %dma_wait3A_312] : memref<8192x768xf32, #tpu.memory_space<hbm>> -> memref<64x768xf32, #tpu.memory_space<hbm>>
      tpu.wait_dma2 semaphore(%run_scoped3A : memref<!tpu.dma_semaphore, #tpu.memory_space<semaphore_mem>>) src(%arg11 : memref<64x768xf32, #tpu.memory_space<vmem>>) dst(%dma_wait3A_313 : memref<64x768xf32, #tpu.memory_space<hbm>>)
      tpu.yield
    }) : () -> ()
    %mul3A_101 = arith.constant 128 : i32
    %mul3A_102 = arith.muli %add3A_35, %mul3A_101 : i32
    %add3A_103 = arith.constant 64 : i32
    %add3A_104 = arith.addi %mul3A_102, %add3A_103 : i32
    %multiple_of3A_105 = tpu.assume_multiple %add3A_104, 64 : i32
    "tpu.region"() ({
      %run_scoped3A = tpu.sem_alloc : memref<!tpu.dma_semaphore, #tpu.memory_space<semaphore_mem>>
      %dma_start3A_306 = tpu.memref_slice %arg6[%multiple_of3A_105] : memref<8192xi32, #tpu.memory_space<hbm>> -> memref<64xi32, #tpu.memory_space<hbm>>
      %dma_start3A_307 = tpu.memref_slice %arg6[%multiple_of3A_105] : memref<8192xi32, #tpu.memory_space<hbm>> -> memref<64xi32, #tpu.memory_space<hbm>>
      tpu.enqueue_dma source(%dma_start3A_307 : memref<64xi32, #tpu.memory_space<hbm>>) target(%arg15 : memref<64xi32, #tpu.memory_space<vmem>>) target_semaphore(%run_scoped3A : memref<!tpu.dma_semaphore, #tpu.memory_space<semaphore_mem>>)
      %dma_wait3A_308 = tpu.memref_slice %arg6[%multiple_of3A_105] : memref<8192xi32, #tpu.memory_space<hbm>> -> memref<64xi32, #tpu.memory_space<hbm>>
      %dma_wait3A_309 = tpu.memref_slice %arg6[%multiple_of3A_105] : memref<8192xi32, #tpu.memory_space<hbm>> -> memref<64xi32, #tpu.memory_space<hbm>>
      tpu.wait_dma2 semaphore(%run_scoped3A : memref<!tpu.dma_semaphore, #tpu.memory_space<semaphore_mem>>) src(%dma_wait3A_309 : memref<64xi32, #tpu.memory_space<hbm>>) dst(%arg15 : memref<64xi32, #tpu.memory_space<vmem>>)
      tpu.yield
    }) : () -> ()
    %get3A_106 = arith.constant 0 : index
    %get3A_107 = tpu.vector_load %arg15[%get3A_106] {strides = array<i32>} : memref<64xi32, #tpu.memory_space<vmem>>, vector<16xi32>,
    %get3A_108 = vector.shape_cast %get3A_107 : vector<16xi32> to vector<16xi32>
    %mul3A_109 = arith.constant 512 : i32
    %mul3A_110 = arith.muli %add3A_35, %mul3A_109 : i32
    %add3A_111 = vector.broadcast %mul3A_110 : i32 to vector<16xi32>
    %add3A_112 = arith.addi %get3A_108, %add3A_111 : vector<16xi32>
    %swap3A_113 = arith.constant 0 : index
    %swap3A_114 = tpu.vector_load %arg16[%swap3A_113] {strides = array<i32>} : memref<64xi32, #tpu.memory_space<vmem>>, vector<16xi32>,
    %swap3A_115 = vector.shape_cast %swap3A_114 : vector<16xi32> to vector<16xi32>
    %swap3A_116 = vector.shape_cast %add3A_112 : vector<16xi32> to vector<16xi32>
    tpu.vector_store %arg16[%swap3A_113], %swap3A_116 {strides = array<i32>} : memref<64xi32, #tpu.memory_space<vmem>>, vector<16xi32>,
    %get3A_117 = arith.constant 16 : index
    %get3A_118 = tpu.vector_load %arg15[%get3A_117] {strides = array<i32>} : memref<64xi32, #tpu.memory_space<vmem>>, vector<16xi32>,
    %get3A_119 = vector.shape_cast %get3A_118 : vector<16xi32> to vector<16xi32>
    %mul3A_120 = arith.constant 512 : i32
    %mul3A_121 = arith.muli %add3A_35, %mul3A_120 : i32
    %add3A_122 = vector.broadcast %mul3A_121 : i32 to vector<16xi32>
    %add3A_123 = arith.addi %get3A_119, %add3A_122 : vector<16xi32>
    %swap3A_124 = arith.constant 16 : index
    %swap3A_125 = tpu.vector_load %arg16[%swap3A_124] {strides = array<i32>} : memref<64xi32, #tpu.memory_space<vmem>>, vector<16xi32>,
    %swap3A_126 = vector.shape_cast %swap3A_125 : vector<16xi32> to vector<16xi32>
    %swap3A_127 = vector.shape_cast %add3A_123 : vector<16xi32> to vector<16xi32>
    tpu.vector_store %arg16[%swap3A_124], %swap3A_127 {strides = array<i32>} : memref<64xi32, #tpu.memory_space<vmem>>, vector<16xi32>,
    %get3A_128 = arith.constant 32 : index
    %get3A_129 = tpu.vector_load %arg15[%get3A_128] {strides = array<i32>} : memref<64xi32, #tpu.memory_space<vmem>>, vector<16xi32>,
    %get3A_130 = vector.shape_cast %get3A_129 : vector<16xi32> to vector<16xi32>
    %mul3A_131 = arith.constant 512 : i32
    %mul3A_132 = arith.muli %add3A_35, %mul3A_131 : i32
    %add3A_133 = vector.broadcast %mul3A_132 : i32 to vector<16xi32>
    %add3A_134 = arith.addi %get3A_130, %add3A_133 : vector<16xi32>
    %swap3A_135 = arith.constant 32 : index
    %swap3A_136 = tpu.vector_load %arg16[%swap3A_135] {strides = array<i32>} : memref<64xi32, #tpu.memory_space<vmem>>, vector<16xi32>,
    %swap3A_137 = vector.shape_cast %swap3A_136 : vector<16xi32> to vector<16xi32>
    %swap3A_138 = vector.shape_cast %add3A_134 : vector<16xi32> to vector<16xi32>
    tpu.vector_store %arg16[%swap3A_135], %swap3A_138 {strides = array<i32>} : memref<64xi32, #tpu.memory_space<vmem>>, vector<16xi32>,
    %get3A_139 = arith.constant 48 : index
    %get3A_140 = tpu.vector_load %arg15[%get3A_139] {strides = array<i32>} : memref<64xi32, #tpu.memory_space<vmem>>, vector<16xi32>,
    %get3A_141 = vector.shape_cast %get3A_140 : vector<16xi32> to vector<16xi32>
    %mul3A_142 = arith.constant 512 : i32
    %mul3A_143 = arith.muli %add3A_35, %mul3A_142 : i32
    %add3A_144 = vector.broadcast %mul3A_143 : i32 to vector<16xi32>
    %add3A_145 = arith.addi %get3A_141, %add3A_144 : vector<16xi32>
    %swap3A_146 = arith.constant 48 : index
    %swap3A_147 = tpu.vector_load %arg16[%swap3A_146] {strides = array<i32>} : memref<64xi32, #tpu.memory_space<vmem>>, vector<16xi32>,
    %swap3A_148 = vector.shape_cast %swap3A_147 : vector<16xi32> to vector<16xi32>
    %swap3A_149 = vector.shape_cast %add3A_145 : vector<16xi32> to vector<16xi32>
    tpu.vector_store %arg16[%swap3A_146], %swap3A_149 {strides = array<i32>} : memref<64xi32, #tpu.memory_space<vmem>>, vector<16xi32>,
    %dma_start3A_150 = arith.constant 0 : i32
    %dma_start3A_151 = arith.constant 0 : i32
    %dma_start3A_152 = tpu.memref_slice %arg3[%dma_start3A_150, %dma_start3A_151] : memref<32768x768xf32, #tpu.memory_space<hbm>> -> memref<32768x768xf32, #tpu.memory_space<hbm>>
    tpu.enqueue_indirect_dma source(%dma_start3A_152 : memref<32768x768xf32, #tpu.memory_space<hbm>>) target(%arg11 : memref<64x768xf32, #tpu.memory_space<vmem>>) offsets(%arg16 : memref<64xi32, #tpu.memory_space<vmem>>) semaphore(%arg17 : memref<!tpu.dma_semaphore, #tpu.memory_space<semaphore_mem>>)
    %dma_start3A_153 = arith.constant 0 : i32
    %dma_start3A_154 = arith.constant 0 : i32
    %dma_start3A_155 = tpu.memref_slice %arg5[%dma_start3A_153, %dma_start3A_154] : memref<512x768xf32, #tpu.memory_space<hbm>> -> memref<512x768xf32, #tpu.memory_space<hbm>>
    tpu.enqueue_indirect_dma source(%dma_start3A_155 : memref<512x768xf32, #tpu.memory_space<hbm>>) target(%arg12 : memref<64x768xf32, #tpu.memory_space<vmem>>) offsets(%arg15 : memref<64xi32, #tpu.memory_space<vmem>>) semaphore(%arg18 : memref<!tpu.dma_semaphore, #tpu.memory_space<semaphore_mem>>)
    %dma_wait3A_156 = arith.constant 0 : i32
    %dma_wait3A_157 = arith.constant 0 : i32
    %dma_wait3A_158 = tpu.memref_slice %arg3[%dma_wait3A_156, %dma_wait3A_157] : memref<32768x768xf32, #tpu.memory_space<hbm>> -> memref<32768x768xf32, #tpu.memory_space<hbm>>
    tpu.wait_indirect_dma semaphore(%arg17 : memref<!tpu.dma_semaphore, #tpu.memory_space<semaphore_mem>>) src(%dma_wait3A_158 : memref<32768x768xf32, #tpu.memory_space<hbm>>) dst(%arg11 : memref<64x768xf32, #tpu.memory_space<vmem>>)
    %dma_wait3A_159 = arith.constant 0 : i32
    %dma_wait3A_160 = arith.constant 0 : i32
    %dma_wait3A_161 = tpu.memref_slice %arg5[%dma_wait3A_159, %dma_wait3A_160] : memref<512x768xf32, #tpu.memory_space<hbm>> -> memref<512x768xf32, #tpu.memory_space<hbm>>
    tpu.wait_indirect_dma semaphore(%arg18 : memref<!tpu.dma_semaphore, #tpu.memory_space<semaphore_mem>>) src(%dma_wait3A_161 : memref<512x768xf32, #tpu.memory_space<hbm>>) dst(%arg12 : memref<64x768xf32, #tpu.memory_space<vmem>>)
    %scan3A_162 = arith.constant 0 : i32
    %scan3A_163 = arith.constant 0 : i32
    %scan3A_164 = arith.constant 3072 : i32
    %scan3A_165 = arith.addi %scan3A_163, %scan3A_164 : i32
    %scan3A_166 = arith.constant 1 : i32
    scf.for %scan3A_306 = %scan3A_163 to %scan3A_165 step %scan3A_166  : i32 {
      %jit3A = arith.constant 48 : i32
      %div3A = arith.divsi %scan3A_306, %jit3A : i32
      %sign3A = arith.constant 0 : i32
      %sign3A_307 = arith.cmpi sgt, %scan3A_306, %sign3A : i32
      %sign3A_308 = arith.extui %sign3A_307 : i1 to i32
      %sign3A_309 = arith.constant 0 : i32
      %sign3A_310 = arith.cmpi slt, %scan3A_306, %sign3A_309 : i32
      %sign3A_311 = arith.extui %sign3A_310 : i1 to i32
      %sign3A_312 = arith.subi %sign3A_308, %sign3A_311 : i32
      %sign3A_313 = arith.constant 0 : i32
      %sign3A_314 = arith.cmpi sgt, %jit3A, %sign3A_313 : i32
      %sign3A_315 = arith.extui %sign3A_314 : i1 to i32
      %sign3A_316 = arith.constant 0 : i32
      %sign3A_317 = arith.cmpi slt, %jit3A, %sign3A_316 : i32
      %sign3A_318 = arith.extui %sign3A_317 : i1 to i32
      %sign3A_319 = arith.subi %sign3A_315, %sign3A_318 : i32
      %ne3A = arith.cmpi ne, %sign3A_312, %sign3A_319 : i32
      %rem3A = arith.remsi %scan3A_306, %jit3A : i32
      %ne3A_320 = arith.constant 0 : i32
      %ne3A_321 = arith.cmpi ne, %rem3A, %ne3A_320 : i32
      %and3A = arith.andi %ne3A, %ne3A_321 : i1
      %sub3A = arith.constant 1 : i32
      %sub3A_322 = arith.subi %div3A, %sub3A : i32
      %select_n3A = arith.select %and3A, %sub3A_322, %div3A : i32
      %jit3A_323 = arith.constant 48 : i32
      %eq3A = arith.constant 0 : i32
      %eq3A_324 = arith.cmpi eq, %jit3A_323, %eq3A : i32
      %jit3A_325 = arith.constant 1 : i32
      %select_n3A_326 = arith.select %eq3A_324, %jit3A_325, %jit3A_323 : i32
      %rem3A_327 = arith.remsi %scan3A_306, %select_n3A_326 : i32
      %ne3A_328 = arith.constant 0 : i32
      %ne3A_329 = arith.cmpi ne, %rem3A_327, %ne3A_328 : i32
      %lt3A_330 = arith.constant 0 : i32
      %lt3A_331 = arith.cmpi slt, %rem3A_327, %lt3A_330 : i32
      %lt3A_332 = arith.constant 0 : i32
      %lt3A_333 = arith.cmpi slt, %select_n3A_326, %lt3A_332 : i32
      %ne3A_334 = arith.xori %lt3A_331, %lt3A_333 : i1
      %and3A_335 = arith.andi %ne3A_334, %ne3A_329 : i1
      %add3A_336 = arith.addi %rem3A_327, %select_n3A_326 : i32
      %select_n3A_337 = arith.select %and3A_335, %add3A_336, %rem3A_327 : i32
      %mul3A_338 = arith.constant 16 : i32
      %mul3A_339 = arith.muli %select_n3A_337, %mul3A_338 : i32
      %get3A_340 = arith.index_cast %select_n3A : i32 to index
      %get3A_341 = arith.index_cast %mul3A_339 : i32 to index
      %get3A_342 = tpu.vector_load %arg11[%get3A_340, %get3A_341] {strides = array<i32>} : memref<64x768xf32, #tpu.memory_space<vmem>>, vector<1x16xf32>,
      %get3A_343 = vector.shape_cast %get3A_342 : vector<1x16xf32> to vector<16xf32>
      %get3A_344 = arith.index_cast %select_n3A : i32 to index
      %get3A_345 = arith.index_cast %mul3A_339 : i32 to index
      %get3A_346 = tpu.vector_load %arg12[%get3A_344, %get3A_345] {strides = array<i32>} : memref<64x768xf32, #tpu.memory_space<vmem>>, vector<1x16xf32>,
      %get3A_347 = vector.shape_cast %get3A_346 : vector<1x16xf32> to vector<16xf32>
      %add3A_348 = arith.addf %get3A_343, %get3A_347 : vector<16xf32>
      %swap3A_349 = arith.index_cast %select_n3A : i32 to index
      %swap3A_350 = arith.index_cast %mul3A_339 : i32 to index
      %swap3A_351 = tpu.vector_load %arg11[%swap3A_349, %swap3A_350] {strides = array<i32>} : memref<64x768xf32, #tpu.memory_space<vmem>>, vector<1x16xf32>,
      %swap3A_352 = vector.shape_cast %swap3A_351 : vector<1x16xf32> to vector<16xf32>
      %swap3A_353 = vector.shape_cast %add3A_348 : vector<16xf32> to vector<1x16xf32>
      tpu.vector_store %arg11[%swap3A_349, %swap3A_350], %swap3A_353 {strides = array<i32>} : memref<64x768xf32, #tpu.memory_space<vmem>>, vector<1x16xf32>,
    }
    %scan3A_167 = arith.constant 3072 : i32
    "tpu.region"() ({
      %run_scoped3A = tpu.sem_alloc : memref<!tpu.dma_semaphore, #tpu.memory_space<semaphore_mem>>
      %dma_start3A_306 = arith.constant 0 : i32
      %dma_start3A_307 = tpu.memref_slice %arg10[%multiple_of3A_105, %dma_start3A_306] : memref<8192x768xf32, #tpu.memory_space<hbm>> -> memref<64x768xf32, #tpu.memory_space<hbm>>
      %dma_start3A_308 = arith.constant 0 : i32
      %dma_start3A_309 = tpu.memref_slice %arg10[%multiple_of3A_105, %dma_start3A_308] : memref<8192x768xf32, #tpu.memory_space<hbm>> -> memref<64x768xf32, #tpu.memory_space<hbm>>
      tpu.enqueue_dma source(%arg11 : memref<64x768xf32, #tpu.memory_space<vmem>>) target(%dma_start3A_309 : memref<64x768xf32, #tpu.memory_space<hbm>>) target_semaphore(%run_scoped3A : memref<!tpu.dma_semaphore, #tpu.memory_space<semaphore_mem>>)
      %dma_wait3A_310 = arith.constant 0 : i32
      %dma_wait3A_311 = tpu.memref_slice %arg10[%multiple_of3A_105, %dma_wait3A_310] : memref<8192x768xf32, #tpu.memory_space<hbm>> -> memref<64x768xf32, #tpu.memory_space<hbm>>
      %dma_wait3A_312 = arith.constant 0 : i32
      %dma_wait3A_313 = tpu.memref_slice %arg10[%multiple_of3A_105, %dma_wait3A_312] : memref<8192x768xf32, #tpu.memory_space<hbm>> -> memref<64x768xf32, #tpu.memory_space<hbm>>
      tpu.wait_dma2 semaphore(%run_scoped3A : memref<!tpu.dma_semaphore, #tpu.memory_space<semaphore_mem>>) src(%arg11 : memref<64x768xf32, #tpu.memory_space<vmem>>) dst(%dma_wait3A_313 : memref<64x768xf32, #tpu.memory_space<hbm>>)
      tpu.yield
    }) : () -> ()
    %mul3A_168 = arith.constant 2 : i32
    %mul3A_169 = arith.muli %add3A, %mul3A_168 : i32
    %add3A_170 = arith.constant 1 : i32
    %add3A_171 = arith.addi %mul3A_169, %add3A_170 : i32
    %mul3A_172 = arith.constant 128 : i32
    %mul3A_173 = arith.muli %add3A_171, %mul3A_172 : i32
    %add3A_174 = arith.constant 0 : i32
    %add3A_175 = arith.addi %mul3A_173, %add3A_174 : i32
    %multiple_of3A_176 = tpu.assume_multiple %add3A_175, 64 : i32
    "tpu.region"() ({
      %run_scoped3A = tpu.sem_alloc : memref<!tpu.dma_semaphore, #tpu.memory_space<semaphore_mem>>
      %dma_start3A_306 = tpu.memref_slice %arg6[%multiple_of3A_176] : memref<8192xi32, #tpu.memory_space<hbm>> -> memref<64xi32, #tpu.memory_space<hbm>>
      %dma_start3A_307 = tpu.memref_slice %arg6[%multiple_of3A_176] : memref<8192xi32, #tpu.memory_space<hbm>> -> memref<64xi32, #tpu.memory_space<hbm>>
      tpu.enqueue_dma source(%dma_start3A_307 : memref<64xi32, #tpu.memory_space<hbm>>) target(%arg15 : memref<64xi32, #tpu.memory_space<vmem>>) target_semaphore(%run_scoped3A : memref<!tpu.dma_semaphore, #tpu.memory_space<semaphore_mem>>)
      %dma_wait3A_308 = tpu.memref_slice %arg6[%multiple_of3A_176] : memref<8192xi32, #tpu.memory_space<hbm>> -> memref<64xi32, #tpu.memory_space<hbm>>
      %dma_wait3A_309 = tpu.memref_slice %arg6[%multiple_of3A_176] : memref<8192xi32, #tpu.memory_space<hbm>> -> memref<64xi32, #tpu.memory_space<hbm>>
      tpu.wait_dma2 semaphore(%run_scoped3A : memref<!tpu.dma_semaphore, #tpu.memory_space<semaphore_mem>>) src(%dma_wait3A_309 : memref<64xi32, #tpu.memory_space<hbm>>) dst(%arg15 : memref<64xi32, #tpu.memory_space<vmem>>)
      tpu.yield
    }) : () -> ()
    %get3A_177 = arith.constant 0 : index
    %get3A_178 = tpu.vector_load %arg15[%get3A_177] {strides = array<i32>} : memref<64xi32, #tpu.memory_space<vmem>>, vector<16xi32>,
    %get3A_179 = vector.shape_cast %get3A_178 : vector<16xi32> to vector<16xi32>
    %mul3A_180 = arith.constant 512 : i32
    %mul3A_181 = arith.muli %add3A_171, %mul3A_180 : i32
    %add3A_182 = vector.broadcast %mul3A_181 : i32 to vector<16xi32>
    %add3A_183 = arith.addi %get3A_179, %add3A_182 : vector<16xi32>
    %swap3A_184 = arith.constant 0 : index
    %swap3A_185 = tpu.vector_load %arg16[%swap3A_184] {strides = array<i32>} : memref<64xi32, #tpu.memory_space<vmem>>, vector<16xi32>,
    %swap3A_186 = vector.shape_cast %swap3A_185 : vector<16xi32> to vector<16xi32>
    %swap3A_187 = vector.shape_cast %add3A_183 : vector<16xi32> to vector<16xi32>
    tpu.vector_store %arg16[%swap3A_184], %swap3A_187 {strides = array<i32>} : memref<64xi32, #tpu.memory_space<vmem>>, vector<16xi32>,
    %get3A_188 = arith.constant 16 : index
    %get3A_189 = tpu.vector_load %arg15[%get3A_188] {strides = array<i32>} : memref<64xi32, #tpu.memory_space<vmem>>, vector<16xi32>,
    %get3A_190 = vector.shape_cast %get3A_189 : vector<16xi32> to vector<16xi32>
    %mul3A_191 = arith.constant 512 : i32
    %mul3A_192 = arith.muli %add3A_171, %mul3A_191 : i32
    %add3A_193 = vector.broadcast %mul3A_192 : i32 to vector<16xi32>
    %add3A_194 = arith.addi %get3A_190, %add3A_193 : vector<16xi32>
    %swap3A_195 = arith.constant 16 : index
    %swap3A_196 = tpu.vector_load %arg16[%swap3A_195] {strides = array<i32>} : memref<64xi32, #tpu.memory_space<vmem>>, vector<16xi32>,
    %swap3A_197 = vector.shape_cast %swap3A_196 : vector<16xi32> to vector<16xi32>
    %swap3A_198 = vector.shape_cast %add3A_194 : vector<16xi32> to vector<16xi32>
    tpu.vector_store %arg16[%swap3A_195], %swap3A_198 {strides = array<i32>} : memref<64xi32, #tpu.memory_space<vmem>>, vector<16xi32>,
    %get3A_199 = arith.constant 32 : index
    %get3A_200 = tpu.vector_load %arg15[%get3A_199] {strides = array<i32>} : memref<64xi32, #tpu.memory_space<vmem>>, vector<16xi32>,
    %get3A_201 = vector.shape_cast %get3A_200 : vector<16xi32> to vector<16xi32>
    %mul3A_202 = arith.constant 512 : i32
    %mul3A_203 = arith.muli %add3A_171, %mul3A_202 : i32
    %add3A_204 = vector.broadcast %mul3A_203 : i32 to vector<16xi32>
    %add3A_205 = arith.addi %get3A_201, %add3A_204 : vector<16xi32>
    %swap3A_206 = arith.constant 32 : index
    %swap3A_207 = tpu.vector_load %arg16[%swap3A_206] {strides = array<i32>} : memref<64xi32, #tpu.memory_space<vmem>>, vector<16xi32>,
    %swap3A_208 = vector.shape_cast %swap3A_207 : vector<16xi32> to vector<16xi32>
    %swap3A_209 = vector.shape_cast %add3A_205 : vector<16xi32> to vector<16xi32>
    tpu.vector_store %arg16[%swap3A_206], %swap3A_209 {strides = array<i32>} : memref<64xi32, #tpu.memory_space<vmem>>, vector<16xi32>,
    %get3A_210 = arith.constant 48 : index
    %get3A_211 = tpu.vector_load %arg15[%get3A_210] {strides = array<i32>} : memref<64xi32, #tpu.memory_space<vmem>>, vector<16xi32>,
    %get3A_212 = vector.shape_cast %get3A_211 : vector<16xi32> to vector<16xi32>
    %mul3A_213 = arith.constant 512 : i32
    %mul3A_214 = arith.muli %add3A_171, %mul3A_213 : i32
    %add3A_215 = vector.broadcast %mul3A_214 : i32 to vector<16xi32>
    %add3A_216 = arith.addi %get3A_212, %add3A_215 : vector<16xi32>
    %swap3A_217 = arith.constant 48 : index
    %swap3A_218 = tpu.vector_load %arg16[%swap3A_217] {strides = array<i32>} : memref<64xi32, #tpu.memory_space<vmem>>, vector<16xi32>,
    %swap3A_219 = vector.shape_cast %swap3A_218 : vector<16xi32> to vector<16xi32>
    %swap3A_220 = vector.shape_cast %add3A_216 : vector<16xi32> to vector<16xi32>
    tpu.vector_store %arg16[%swap3A_217], %swap3A_220 {strides = array<i32>} : memref<64xi32, #tpu.memory_space<vmem>>, vector<16xi32>,
    %dma_start3A_221 = arith.constant 0 : i32
    %dma_start3A_222 = arith.constant 0 : i32
    %dma_start3A_223 = tpu.memref_slice %arg3[%dma_start3A_221, %dma_start3A_222] : memref<32768x768xf32, #tpu.memory_space<hbm>> -> memref<32768x768xf32, #tpu.memory_space<hbm>>
    tpu.enqueue_indirect_dma source(%dma_start3A_223 : memref<32768x768xf32, #tpu.memory_space<hbm>>) target(%arg11 : memref<64x768xf32, #tpu.memory_space<vmem>>) offsets(%arg16 : memref<64xi32, #tpu.memory_space<vmem>>) semaphore(%arg17 : memref<!tpu.dma_semaphore, #tpu.memory_space<semaphore_mem>>)
    %dma_start3A_224 = arith.constant 0 : i32
    %dma_start3A_225 = arith.constant 0 : i32
    %dma_start3A_226 = tpu.memref_slice %arg5[%dma_start3A_224, %dma_start3A_225] : memref<512x768xf32, #tpu.memory_space<hbm>> -> memref<512x768xf32, #tpu.memory_space<hbm>>
    tpu.enqueue_indirect_dma source(%dma_start3A_226 : memref<512x768xf32, #tpu.memory_space<hbm>>) target(%arg12 : memref<64x768xf32, #tpu.memory_space<vmem>>) offsets(%arg15 : memref<64xi32, #tpu.memory_space<vmem>>) semaphore(%arg18 : memref<!tpu.dma_semaphore, #tpu.memory_space<semaphore_mem>>)
    %dma_wait3A_227 = arith.constant 0 : i32
    %dma_wait3A_228 = arith.constant 0 : i32
    %dma_wait3A_229 = tpu.memref_slice %arg3[%dma_wait3A_227, %dma_wait3A_228] : memref<32768x768xf32, #tpu.memory_space<hbm>> -> memref<32768x768xf32, #tpu.memory_space<hbm>>
    tpu.wait_indirect_dma semaphore(%arg17 : memref<!tpu.dma_semaphore, #tpu.memory_space<semaphore_mem>>) src(%dma_wait3A_229 : memref<32768x768xf32, #tpu.memory_space<hbm>>) dst(%arg11 : memref<64x768xf32, #tpu.memory_space<vmem>>)
    %dma_wait3A_230 = arith.constant 0 : i32
    %dma_wait3A_231 = arith.constant 0 : i32
    %dma_wait3A_232 = tpu.memref_slice %arg5[%dma_wait3A_230, %dma_wait3A_231] : memref<512x768xf32, #tpu.memory_space<hbm>> -> memref<512x768xf32, #tpu.memory_space<hbm>>
    tpu.wait_indirect_dma semaphore(%arg18 : memref<!tpu.dma_semaphore, #tpu.memory_space<semaphore_mem>>) src(%dma_wait3A_232 : memref<512x768xf32, #tpu.memory_space<hbm>>) dst(%arg12 : memref<64x768xf32, #tpu.memory_space<vmem>>)
    %scan3A_233 = arith.constant 0 : i32
    %scan3A_234 = arith.constant 0 : i32
    %scan3A_235 = arith.constant 3072 : i32
    %scan3A_236 = arith.addi %scan3A_234, %scan3A_235 : i32
    %scan3A_237 = arith.constant 1 : i32
    scf.for %scan3A_306 = %scan3A_234 to %scan3A_236 step %scan3A_237  : i32 {
      %jit3A = arith.constant 48 : i32
      %div3A = arith.divsi %scan3A_306, %jit3A : i32
      %sign3A = arith.constant 0 : i32
      %sign3A_307 = arith.cmpi sgt, %scan3A_306, %sign3A : i32
      %sign3A_308 = arith.extui %sign3A_307 : i1 to i32
      %sign3A_309 = arith.constant 0 : i32
      %sign3A_310 = arith.cmpi slt, %scan3A_306, %sign3A_309 : i32
      %sign3A_311 = arith.extui %sign3A_310 : i1 to i32
      %sign3A_312 = arith.subi %sign3A_308, %sign3A_311 : i32
      %sign3A_313 = arith.constant 0 : i32
      %sign3A_314 = arith.cmpi sgt, %jit3A, %sign3A_313 : i32
      %sign3A_315 = arith.extui %sign3A_314 : i1 to i32
      %sign3A_316 = arith.constant 0 : i32
      %sign3A_317 = arith.cmpi slt, %jit3A, %sign3A_316 : i32
      %sign3A_318 = arith.extui %sign3A_317 : i1 to i32
      %sign3A_319 = arith.subi %sign3A_315, %sign3A_318 : i32
      %ne3A = arith.cmpi ne, %sign3A_312, %sign3A_319 : i32
      %rem3A = arith.remsi %scan3A_306, %jit3A : i32
      %ne3A_320 = arith.constant 0 : i32
      %ne3A_321 = arith.cmpi ne, %rem3A, %ne3A_320 : i32
      %and3A = arith.andi %ne3A, %ne3A_321 : i1
      %sub3A = arith.constant 1 : i32
      %sub3A_322 = arith.subi %div3A, %sub3A : i32
      %select_n3A = arith.select %and3A, %sub3A_322, %div3A : i32
      %jit3A_323 = arith.constant 48 : i32
      %eq3A = arith.constant 0 : i32
      %eq3A_324 = arith.cmpi eq, %jit3A_323, %eq3A : i32
      %jit3A_325 = arith.constant 1 : i32
      %select_n3A_326 = arith.select %eq3A_324, %jit3A_325, %jit3A_323 : i32
      %rem3A_327 = arith.remsi %scan3A_306, %select_n3A_326 : i32
      %ne3A_328 = arith.constant 0 : i32
      %ne3A_329 = arith.cmpi ne, %rem3A_327, %ne3A_328 : i32
      %lt3A_330 = arith.constant 0 : i32
      %lt3A_331 = arith.cmpi slt, %rem3A_327, %lt3A_330 : i32
      %lt3A_332 = arith.constant 0 : i32
      %lt3A_333 = arith.cmpi slt, %select_n3A_326, %lt3A_332 : i32
      %ne3A_334 = arith.xori %lt3A_331, %lt3A_333 : i1
      %and3A_335 = arith.andi %ne3A_334, %ne3A_329 : i1
      %add3A_336 = arith.addi %rem3A_327, %select_n3A_326 : i32
      %select_n3A_337 = arith.select %and3A_335, %add3A_336, %rem3A_327 : i32
      %mul3A_338 = arith.constant 16 : i32
      %mul3A_339 = arith.muli %select_n3A_337, %mul3A_338 : i32
      %get3A_340 = arith.index_cast %select_n3A : i32 to index
      %get3A_341 = arith.index_cast %mul3A_339 : i32 to index
      %get3A_342 = tpu.vector_load %arg11[%get3A_340, %get3A_341] {strides = array<i32>} : memref<64x768xf32, #tpu.memory_space<vmem>>, vector<1x16xf32>,
      %get3A_343 = vector.shape_cast %get3A_342 : vector<1x16xf32> to vector<16xf32>
      %get3A_344 = arith.index_cast %select_n3A : i32 to index
      %get3A_345 = arith.index_cast %mul3A_339 : i32 to index
      %get3A_346 = tpu.vector_load %arg12[%get3A_344, %get3A_345] {strides = array<i32>} : memref<64x768xf32, #tpu.memory_space<vmem>>, vector<1x16xf32>,
      %get3A_347 = vector.shape_cast %get3A_346 : vector<1x16xf32> to vector<16xf32>
      %add3A_348 = arith.addf %get3A_343, %get3A_347 : vector<16xf32>
      %swap3A_349 = arith.index_cast %select_n3A : i32 to index
      %swap3A_350 = arith.index_cast %mul3A_339 : i32 to index
      %swap3A_351 = tpu.vector_load %arg11[%swap3A_349, %swap3A_350] {strides = array<i32>} : memref<64x768xf32, #tpu.memory_space<vmem>>, vector<1x16xf32>,
      %swap3A_352 = vector.shape_cast %swap3A_351 : vector<1x16xf32> to vector<16xf32>
      %swap3A_353 = vector.shape_cast %add3A_348 : vector<16xf32> to vector<1x16xf32>
      tpu.vector_store %arg11[%swap3A_349, %swap3A_350], %swap3A_353 {strides = array<i32>} : memref<64x768xf32, #tpu.memory_space<vmem>>, vector<1x16xf32>,
    }
    %scan3A_238 = arith.constant 3072 : i32
    "tpu.region"() ({
      %run_scoped3A = tpu.sem_alloc : memref<!tpu.dma_semaphore, #tpu.memory_space<semaphore_mem>>
      %dma_start3A_306 = arith.constant 0 : i32
      %dma_start3A_307 = tpu.memref_slice %arg10[%multiple_of3A_176, %dma_start3A_306] : memref<8192x768xf32, #tpu.memory_space<hbm>> -> memref<64x768xf32, #tpu.memory_space<hbm>>
      %dma_start3A_308 = arith.constant 0 : i32
      %dma_start3A_309 = tpu.memref_slice %arg10[%multiple_of3A_176, %dma_start3A_308] : memref<8192x768xf32, #tpu.memory_space<hbm>> -> memref<64x768xf32, #tpu.memory_space<hbm>>
      tpu.enqueue_dma source(%arg11 : memref<64x768xf32, #tpu.memory_space<vmem>>) target(%dma_start3A_309 : memref<64x768xf32, #tpu.memory_space<hbm>>) target_semaphore(%run_scoped3A : memref<!tpu.dma_semaphore, #tpu.memory_space<semaphore_mem>>)
      %dma_wait3A_310 = arith.constant 0 : i32
      %dma_wait3A_311 = tpu.memref_slice %arg10[%multiple_of3A_176, %dma_wait3A_310] : memref<8192x768xf32, #tpu.memory_space<hbm>> -> memref<64x768xf32, #tpu.memory_space<hbm>>
      %dma_wait3A_312 = arith.constant 0 : i32
      %dma_wait3A_313 = tpu.memref_slice %arg10[%multiple_of3A_176, %dma_wait3A_312] : memref<8192x768xf32, #tpu.memory_space<hbm>> -> memref<64x768xf32, #tpu.memory_space<hbm>>
      tpu.wait_dma2 semaphore(%run_scoped3A : memref<!tpu.dma_semaphore, #tpu.memory_space<semaphore_mem>>) src(%arg11 : memref<64x768xf32, #tpu.memory_space<vmem>>) dst(%dma_wait3A_313 : memref<64x768xf32, #tpu.memory_space<hbm>>)
      tpu.yield
    }) : () -> ()
    %mul3A_239 = arith.constant 128 : i32
    %mul3A_240 = arith.muli %add3A_171, %mul3A_239 : i32
    %add3A_241 = arith.constant 64 : i32
    %add3A_242 = arith.addi %mul3A_240, %add3A_241 : i32
    %multiple_of3A_243 = tpu.assume_multiple %add3A_242, 64 : i32
    "tpu.region"() ({
      %run_scoped3A = tpu.sem_alloc : memref<!tpu.dma_semaphore, #tpu.memory_space<semaphore_mem>>
      %dma_start3A_306 = tpu.memref_slice %arg6[%multiple_of3A_243] : memref<8192xi32, #tpu.memory_space<hbm>> -> memref<64xi32, #tpu.memory_space<hbm>>
      %dma_start3A_307 = tpu.memref_slice %arg6[%multiple_of3A_243] : memref<8192xi32, #tpu.memory_space<hbm>> -> memref<64xi32, #tpu.memory_space<hbm>>
      tpu.enqueue_dma source(%dma_start3A_307 : memref<64xi32, #tpu.memory_space<hbm>>) target(%arg15 : memref<64xi32, #tpu.memory_space<vmem>>) target_semaphore(%run_scoped3A : memref<!tpu.dma_semaphore, #tpu.memory_space<semaphore_mem>>)
      %dma_wait3A_308 = tpu.memref_slice %arg6[%multiple_of3A_243] : memref<8192xi32, #tpu.memory_space<hbm>> -> memref<64xi32, #tpu.memory_space<hbm>>
      %dma_wait3A_309 = tpu.memref_slice %arg6[%multiple_of3A_243] : memref<8192xi32, #tpu.memory_space<hbm>> -> memref<64xi32, #tpu.memory_space<hbm>>
      tpu.wait_dma2 semaphore(%run_scoped3A : memref<!tpu.dma_semaphore, #tpu.memory_space<semaphore_mem>>) src(%dma_wait3A_309 : memref<64xi32, #tpu.memory_space<hbm>>) dst(%arg15 : memref<64xi32, #tpu.memory_space<vmem>>)
      tpu.yield
    }) : () -> ()
    %get3A_244 = arith.constant 0 : index
    %get3A_245 = tpu.vector_load %arg15[%get3A_244] {strides = array<i32>} : memref<64xi32, #tpu.memory_space<vmem>>, vector<16xi32>,
    %get3A_246 = vector.shape_cast %get3A_245 : vector<16xi32> to vector<16xi32>
    %mul3A_247 = arith.constant 512 : i32
    %mul3A_248 = arith.muli %add3A_171, %mul3A_247 : i32
    %add3A_249 = vector.broadcast %mul3A_248 : i32 to vector<16xi32>
    %add3A_250 = arith.addi %get3A_246, %add3A_249 : vector<16xi32>
    %swap3A_251 = arith.constant 0 : index
    %swap3A_252 = tpu.vector_load %arg16[%swap3A_251] {strides = array<i32>} : memref<64xi32, #tpu.memory_space<vmem>>, vector<16xi32>,
    %swap3A_253 = vector.shape_cast %swap3A_252 : vector<16xi32> to vector<16xi32>
    %swap3A_254 = vector.shape_cast %add3A_250 : vector<16xi32> to vector<16xi32>
    tpu.vector_store %arg16[%swap3A_251], %swap3A_254 {strides = array<i32>} : memref<64xi32, #tpu.memory_space<vmem>>, vector<16xi32>,
    %get3A_255 = arith.constant 16 : index
    %get3A_256 = tpu.vector_load %arg15[%get3A_255] {strides = array<i32>} : memref<64xi32, #tpu.memory_space<vmem>>, vector<16xi32>,
    %get3A_257 = vector.shape_cast %get3A_256 : vector<16xi32> to vector<16xi32>
    %mul3A_258 = arith.constant 512 : i32
    %mul3A_259 = arith.muli %add3A_171, %mul3A_258 : i32
    %add3A_260 = vector.broadcast %mul3A_259 : i32 to vector<16xi32>
    %add3A_261 = arith.addi %get3A_257, %add3A_260 : vector<16xi32>
    %swap3A_262 = arith.constant 16 : index
    %swap3A_263 = tpu.vector_load %arg16[%swap3A_262] {strides = array<i32>} : memref<64xi32, #tpu.memory_space<vmem>>, vector<16xi32>,
    %swap3A_264 = vector.shape_cast %swap3A_263 : vector<16xi32> to vector<16xi32>
    %swap3A_265 = vector.shape_cast %add3A_261 : vector<16xi32> to vector<16xi32>
    tpu.vector_store %arg16[%swap3A_262], %swap3A_265 {strides = array<i32>} : memref<64xi32, #tpu.memory_space<vmem>>, vector<16xi32>,
    %get3A_266 = arith.constant 32 : index
    %get3A_267 = tpu.vector_load %arg15[%get3A_266] {strides = array<i32>} : memref<64xi32, #tpu.memory_space<vmem>>, vector<16xi32>,
    %get3A_268 = vector.shape_cast %get3A_267 : vector<16xi32> to vector<16xi32>
    %mul3A_269 = arith.constant 512 : i32
    %mul3A_270 = arith.muli %add3A_171, %mul3A_269 : i32
    %add3A_271 = vector.broadcast %mul3A_270 : i32 to vector<16xi32>
    %add3A_272 = arith.addi %get3A_268, %add3A_271 : vector<16xi32>
    %swap3A_273 = arith.constant 32 : index
    %swap3A_274 = tpu.vector_load %arg16[%swap3A_273] {strides = array<i32>} : memref<64xi32, #tpu.memory_space<vmem>>, vector<16xi32>,
    %swap3A_275 = vector.shape_cast %swap3A_274 : vector<16xi32> to vector<16xi32>
    %swap3A_276 = vector.shape_cast %add3A_272 : vector<16xi32> to vector<16xi32>
    tpu.vector_store %arg16[%swap3A_273], %swap3A_276 {strides = array<i32>} : memref<64xi32, #tpu.memory_space<vmem>>, vector<16xi32>,
    %get3A_277 = arith.constant 48 : index
    %get3A_278 = tpu.vector_load %arg15[%get3A_277] {strides = array<i32>} : memref<64xi32, #tpu.memory_space<vmem>>, vector<16xi32>,
    %get3A_279 = vector.shape_cast %get3A_278 : vector<16xi32> to vector<16xi32>
    %mul3A_280 = arith.constant 512 : i32
    %mul3A_281 = arith.muli %add3A_171, %mul3A_280 : i32
    %add3A_282 = vector.broadcast %mul3A_281 : i32 to vector<16xi32>
    %add3A_283 = arith.addi %get3A_279, %add3A_282 : vector<16xi32>
    %swap3A_284 = arith.constant 48 : index
    %swap3A_285 = tpu.vector_load %arg16[%swap3A_284] {strides = array<i32>} : memref<64xi32, #tpu.memory_space<vmem>>, vector<16xi32>,
    %swap3A_286 = vector.shape_cast %swap3A_285 : vector<16xi32> to vector<16xi32>
    %swap3A_287 = vector.shape_cast %add3A_283 : vector<16xi32> to vector<16xi32>
    tpu.vector_store %arg16[%swap3A_284], %swap3A_287 {strides = array<i32>} : memref<64xi32, #tpu.memory_space<vmem>>, vector<16xi32>,
    %dma_start3A_288 = arith.constant 0 : i32
    %dma_start3A_289 = arith.constant 0 : i32
    %dma_start3A_290 = tpu.memref_slice %arg3[%dma_start3A_288, %dma_start3A_289] : memref<32768x768xf32, #tpu.memory_space<hbm>> -> memref<32768x768xf32, #tpu.memory_space<hbm>>
    tpu.enqueue_indirect_dma source(%dma_start3A_290 : memref<32768x768xf32, #tpu.memory_space<hbm>>) target(%arg11 : memref<64x768xf32, #tpu.memory_space<vmem>>) offsets(%arg16 : memref<64xi32, #tpu.memory_space<vmem>>) semaphore(%arg17 : memref<!tpu.dma_semaphore, #tpu.memory_space<semaphore_mem>>)
    %dma_start3A_291 = arith.constant 0 : i32
    %dma_start3A_292 = arith.constant 0 : i32
    %dma_start3A_293 = tpu.memref_slice %arg5[%dma_start3A_291, %dma_start3A_292] : memref<512x768xf32, #tpu.memory_space<hbm>> -> memref<512x768xf32, #tpu.memory_space<hbm>>
    tpu.enqueue_indirect_dma source(%dma_start3A_293 : memref<512x768xf32, #tpu.memory_space<hbm>>) target(%arg12 : memref<64x768xf32, #tpu.memory_space<vmem>>) offsets(%arg15 : memref<64xi32, #tpu.memory_space<vmem>>) semaphore(%arg18 : memref<!tpu.dma_semaphore, #tpu.memory_space<semaphore_mem>>)
    %dma_wait3A_294 = arith.constant 0 : i32
    %dma_wait3A_295 = arith.constant 0 : i32
    %dma_wait3A_296 = tpu.memref_slice %arg3[%dma_wait3A_294, %dma_wait3A_295] : memref<32768x768xf32, #tpu.memory_space<hbm>> -> memref<32768x768xf32, #tpu.memory_space<hbm>>
    tpu.wait_indirect_dma semaphore(%arg17 : memref<!tpu.dma_semaphore, #tpu.memory_space<semaphore_mem>>) src(%dma_wait3A_296 : memref<32768x768xf32, #tpu.memory_space<hbm>>) dst(%arg11 : memref<64x768xf32, #tpu.memory_space<vmem>>)
    %dma_wait3A_297 = arith.constant 0 : i32
    %dma_wait3A_298 = arith.constant 0 : i32
    %dma_wait3A_299 = tpu.memref_slice %arg5[%dma_wait3A_297, %dma_wait3A_298] : memref<512x768xf32, #tpu.memory_space<hbm>> -> memref<512x768xf32, #tpu.memory_space<hbm>>
    tpu.wait_indirect_dma semaphore(%arg18 : memref<!tpu.dma_semaphore, #tpu.memory_space<semaphore_mem>>) src(%dma_wait3A_299 : memref<512x768xf32, #tpu.memory_space<hbm>>) dst(%arg12 : memref<64x768xf32, #tpu.memory_space<vmem>>)
    %scan3A_300 = arith.constant 0 : i32
    %scan3A_301 = arith.constant 0 : i32
    %scan3A_302 = arith.constant 3072 : i32
    %scan3A_303 = arith.addi %scan3A_301, %scan3A_302 : i32
    %scan3A_304 = arith.constant 1 : i32
    scf.for %scan3A_306 = %scan3A_301 to %scan3A_303 step %scan3A_304  : i32 {
      %jit3A = arith.constant 48 : i32
      %div3A = arith.divsi %scan3A_306, %jit3A : i32
      %sign3A = arith.constant 0 : i32
      %sign3A_307 = arith.cmpi sgt, %scan3A_306, %sign3A : i32
      %sign3A_308 = arith.extui %sign3A_307 : i1 to i32
      %sign3A_309 = arith.constant 0 : i32
      %sign3A_310 = arith.cmpi slt, %scan3A_306, %sign3A_309 : i32
      %sign3A_311 = arith.extui %sign3A_310 : i1 to i32
      %sign3A_312 = arith.subi %sign3A_308, %sign3A_311 : i32
      %sign3A_313 = arith.constant 0 : i32
      %sign3A_314 = arith.cmpi sgt, %jit3A, %sign3A_313 : i32
      %sign3A_315 = arith.extui %sign3A_314 : i1 to i32
      %sign3A_316 = arith.constant 0 : i32
      %sign3A_317 = arith.cmpi slt, %jit3A, %sign3A_316 : i32
      %sign3A_318 = arith.extui %sign3A_317 : i1 to i32
      %sign3A_319 = arith.subi %sign3A_315, %sign3A_318 : i32
      %ne3A = arith.cmpi ne, %sign3A_312, %sign3A_319 : i32
      %rem3A = arith.remsi %scan3A_306, %jit3A : i32
      %ne3A_320 = arith.constant 0 : i32
      %ne3A_321 = arith.cmpi ne, %rem3A, %ne3A_320 : i32
      %and3A = arith.andi %ne3A, %ne3A_321 : i1
      %sub3A = arith.constant 1 : i32
      %sub3A_322 = arith.subi %div3A, %sub3A : i32
      %select_n3A = arith.select %and3A, %sub3A_322, %div3A : i32
      %jit3A_323 = arith.constant 48 : i32
      %eq3A = arith.constant 0 : i32
      %eq3A_324 = arith.cmpi eq, %jit3A_323, %eq3A : i32
      %jit3A_325 = arith.constant 1 : i32
      %select_n3A_326 = arith.select %eq3A_324, %jit3A_325, %jit3A_323 : i32
      %rem3A_327 = arith.remsi %scan3A_306, %select_n3A_326 : i32
      %ne3A_328 = arith.constant 0 : i32
      %ne3A_329 = arith.cmpi ne, %rem3A_327, %ne3A_328 : i32
      %lt3A_330 = arith.constant 0 : i32
      %lt3A_331 = arith.cmpi slt, %rem3A_327, %lt3A_330 : i32
      %lt3A_332 = arith.constant 0 : i32
      %lt3A_333 = arith.cmpi slt, %select_n3A_326, %lt3A_332 : i32
      %ne3A_334 = arith.xori %lt3A_331, %lt3A_333 : i1
      %and3A_335 = arith.andi %ne3A_334, %ne3A_329 : i1
      %add3A_336 = arith.addi %rem3A_327, %select_n3A_326 : i32
      %select_n3A_337 = arith.select %and3A_335, %add3A_336, %rem3A_327 : i32
      %mul3A_338 = arith.constant 16 : i32
      %mul3A_339 = arith.muli %select_n3A_337, %mul3A_338 : i32
      %get3A_340 = arith.index_cast %select_n3A : i32 to index
      %get3A_341 = arith.index_cast %mul3A_339 : i32 to index
      %get3A_342 = tpu.vector_load %arg11[%get3A_340, %get3A_341] {strides = array<i32>} : memref<64x768xf32, #tpu.memory_space<vmem>>, vector<1x16xf32>,
      %get3A_343 = vector.shape_cast %get3A_342 : vector<1x16xf32> to vector<16xf32>
      %get3A_344 = arith.index_cast %select_n3A : i32 to index
      %get3A_345 = arith.index_cast %mul3A_339 : i32 to index
      %get3A_346 = tpu.vector_load %arg12[%get3A_344, %get3A_345] {strides = array<i32>} : memref<64x768xf32, #tpu.memory_space<vmem>>, vector<1x16xf32>,
      %get3A_347 = vector.shape_cast %get3A_346 : vector<1x16xf32> to vector<16xf32>
      %add3A_348 = arith.addf %get3A_343, %get3A_347 : vector<16xf32>
      %swap3A_349 = arith.index_cast %select_n3A : i32 to index
      %swap3A_350 = arith.index_cast %mul3A_339 : i32 to index
      %swap3A_351 = tpu.vector_load %arg11[%swap3A_349, %swap3A_350] {strides = array<i32>} : memref<64x768xf32, #tpu.memory_space<vmem>>, vector<1x16xf32>,
      %swap3A_352 = vector.shape_cast %swap3A_351 : vector<1x16xf32> to vector<16xf32>
      %swap3A_353 = vector.shape_cast %add3A_348 : vector<16xf32> to vector<1x16xf32>
      tpu.vector_store %arg11[%swap3A_349, %swap3A_350], %swap3A_353 {strides = array<i32>} : memref<64x768xf32, #tpu.memory_space<vmem>>, vector<1x16xf32>,
    }
    %scan3A_305 = arith.constant 3072 : i32
    "tpu.region"() ({
      %run_scoped3A = tpu.sem_alloc : memref<!tpu.dma_semaphore, #tpu.memory_space<semaphore_mem>>
      %dma_start3A_306 = arith.constant 0 : i32
      %dma_start3A_307 = tpu.memref_slice %arg10[%multiple_of3A_243, %dma_start3A_306] : memref<8192x768xf32, #tpu.memory_space<hbm>> -> memref<64x768xf32, #tpu.memory_space<hbm>>
      %dma_start3A_308 = arith.constant 0 : i32
      %dma_start3A_309 = tpu.memref_slice %arg10[%multiple_of3A_243, %dma_start3A_308] : memref<8192x768xf32, #tpu.memory_space<hbm>> -> memref<64x768xf32, #tpu.memory_space<hbm>>
      tpu.enqueue_dma source(%arg11 : memref<64x768xf32, #tpu.memory_space<vmem>>) target(%dma_start3A_309 : memref<64x768xf32, #tpu.memory_space<hbm>>) target_semaphore(%run_scoped3A : memref<!tpu.dma_semaphore, #tpu.memory_space<semaphore_mem>>)
      %dma_wait3A_310 = arith.constant 0 : i32
      %dma_wait3A_311 = tpu.memref_slice %arg10[%multiple_of3A_243, %dma_wait3A_310] : memref<8192x768xf32, #tpu.memory_space<hbm>> -> memref<64x768xf32, #tpu.memory_space<hbm>>
      %dma_wait3A_312 = arith.constant 0 : i32
      %dma_wait3A_313 = tpu.memref_slice %arg10[%multiple_of3A_243, %dma_wait3A_312] : memref<8192x768xf32, #tpu.memory_space<hbm>> -> memref<64x768xf32, #tpu.memory_space<hbm>>
      tpu.wait_dma2 semaphore(%run_scoped3A : memref<!tpu.dma_semaphore, #tpu.memory_space<semaphore_mem>>) src(%arg11 : memref<64x768xf32, #tpu.memory_space<vmem>>) dst(%dma_wait3A_313 : memref<64x768xf32, #tpu.memory_space<hbm>>)
      tpu.yield
    }) : () -> ()
    return
  }
}

</mosaic_0001>

<sc_bundles>
// kernel: kernel.3.cloned.1.call-start
scs
__scs_entry_jumppad:
0x0: {  	(pc) =	sbr.rel $0x88, $3  }
0x1: {  	(tag) =	ssettag $0x0;
	lr =	simm.s32 $0x1  }
0x2: {  	[smem:$0x3F9D] =	sst lr;
	_ =	strace $0xD0000000  }
0x3: {  	_ = 	snop  }
0x4: {  	_ = 	snop  }
0x5: {  	_ = 	snop  }
0x6: {  	_ = 	snop  }
0x7: {  	_ = 	snop  }
__scs_overlays_trampoline_lowered:
0x8: {  	[smem:$0x3FAC] =	sst s0  }
0x9: {  	[smem:$0x3FAD] =	sst s1  }
0xa: {  	[smem:$0x3FAE] =	sst s2  }
0xb: {  	[smem:$0x3FAF] =	sst s3  }
0xc: {  	[smem:$0x3FB0] =	sst s4  }
0xd: {  	[smem:$0x3FB1] =	sst s5  }
0xe: {  	[smem:$0x3FB2] =	sst s6  }
0xf: {  	[smem:$0x3FB3] =	sst s7  }
0x10: {  	[smem:$0x3FB4] =	sst s8  }
0x11: {  	[smem:$0x3FB5] =	sst s9;
	s0 =	simm.s32 @!p0 $0x0  }
0x12: {  	s1 =	sld [smem:$0x3F9B];
	s0 =	simm.s32 @p0 $0x1  }
0x13: {  	[smem:$0x3FB6] =	sst s0;
	s0 =	simm.s32 @!p1 $0x0  }
0x14: {  	s2 =	sld [smem:$0x3F9A];
	s0 =	simm.s32 @p1 $0x1  }
0x15: {  	[smem:$0x3FB7] =	sst s0;
	s0 =	simm.s32 @!p2 $0x0  }
0x16: {  	s3 =	sld [smem:$0x3FDB];
	s0 =	simm.s32 @p2 $0x1  }
0x17: {  	s4 =	simm.s32 $0x1BF5;
	[smem:$0x3FB9] =	sst s0  }
0x18: {  	s0 =	sld [smem:$0x3F9C];
	_ =	swait.ge [sflag:s4], $0x0  }
0x19: {  	s7 =	sld [smem:$0x3F9D]  }
0x1a: {  	s8 =	sadd.s32 $0xFFFFE003, lr  }
0x1b: {  	s9 =	sadd.s32 $0xFFFFFEF7, lr;
	s5 =	simm.s32 $0xFFFFFFFF;
	p2 =	slt.u32 s8, $0xFFFFF086  }
0x1c: {  	p1 =	slt.u32 s9, $0xF7A;
	s5 =	simm.s32 @!p2 $0x0  }
0x1d: {  	s5 =	simm.s32 @p1 $0x1;
	p0 =	seq.s32 s7, s2  }
0x1e: {  	s7 =	smul.u32 @!p0 $0xF7A, s2;
	p2 =	seq.s32 @!p0 s5, $0x0  }
0x1f: {  	s9 =	smul.u32 $0xF7A, s1;
	s8 =	simm.s32 @!p0 $0x1BF5;
	p2 =	por !p2, p0  }
0x20: {  	[sflag:s8] =	ssyncset.s32 @!p0 $0xFFFFF086;
	s6 =	sadd.s32 @!p0 s3, s7;
	s7 =	simm.s32 @!p0 $0x108  }
0x21: {  	s3 =	sadd.s32 s3, s9;
	s6 =	sadd.s32 @!p0 $0x88, s6;
	s7 =	simm.s32 @p2 $0x1082  }
0x22: {  	[simem:s7], [sflag:s8] =	dma.local @!p0 [hbm:s6], $0xF7A  }
0x23: {  	s9 =	sor.u32 $0xD0000000, s2;
	s6 =	simm.s32 $0x108;
	_ =	swait.ge @!p0 [sflag:s8], $0x0  }
0x24: {  	s3 =	sadd.s32 $0x88, s3;
	s6 =	simm.s32 @!p1 $0x1082;
	[sflag:s4] =	ssyncset.s32 $0xFFFFF086  }
0x25: {  	[simem:s6], [sflag:s4] =	dma.local [hbm:s3], $0xF7A  }
0x26: {  	[smem:$0x3F9D] =	sst s1;
	(tag) =	ssettag s2;
	_ =	strace s9  }
0x27: {  	s1 =	sld [smem:$0x3FAD]  }
0x28: {  	s2 =	sld [smem:$0x3FAE]  }
0x29: {  	s4 =	sld [smem:$0x3FB0]  }
0x2a: {  	p0 =	seq.s32 s5, $0x0;
	s5 =	sld [smem:$0x3FB1]  }
0x2b: {  	s6 =	sld [smem:$0x3FB2]  }
0x2c: {  	s7 =	sld [smem:$0x3FB3]  }
0x2d: {  	s3 =	simm.s32 $0x108;
	s8 =	sld [smem:$0x3FB4]  }
0x2e: {  	s3 =	simm.s32 @!p0 $0x1082;
	s9 =	sld [smem:$0x3FB5]  }
0x2f: {  	lr =	sadd.s32 s0, s3;
	s0 =	sld [smem:$0x3FAC]  }
0x30: {  	s3 =	sld [smem:$0x3FAF]  }
0x31: {  	[smem:$0x3FB8] =	sst s10  }
0x32: {  	s10 =	sld [smem:$0x3FB6];
	_ =	sdelay $0x3  }
0x33: {  	p0 =	seq.s32 s10, $0x1;
	s10 =	sld [smem:$0x3FB8];
	_ =	sdelay $0x3  }
0x34: {  	[smem:$0x3FB8] =	sst s10  }
0x35: {  	s10 =	sld [smem:$0x3FB7];
	_ =	sdelay $0x3  }
0x36: {  	p1 =	seq.s32 s10, $0x1;
	s10 =	sld [smem:$0x3FB8];
	_ =	sdelay $0x3  }
0x37: {  	[smem:$0x3FB8] =	sst s10  }
0x38: {  	s10 =	sld [smem:$0x3FB9]  }
0x39: {  	_ = 	snop;
	(pc) =	sbr.ind lr, $3  }
0x3a: {  	_ = 	snop  }
0x3b: {  	_ = 	snop  }
0x3c: {  	p2 =	seq.s32 s10, $0x1;
	s10 =	sld [smem:$0x3FB8]  }
0x3d: {  	_ =	shalt  }
0x3e: {  	_ =	shalt  }
0x3f: {  	_ =	shalt  }
0x40: {  	_ =	shalt  }
0x41: {  	_ =	shalt  }
0x42: {  	_ =	shalt  }
0x43: {  	_ =	shalt  }
0x44: {  	_ =	shalt  }
0x45: {  	_ =	shalt  }
0x46: {  	_ =	shalt  }
0x47: {  	_ =	shalt  }
0x48: {  	_ =	shalt  }
0x49: {  	_ =	shalt  }
0x4a: {  	_ =	shalt  }
0x4b: {  	_ =	shalt  }
0x4c: {  	_ =	shalt  }
0x4d: {  	_ =	shalt  }
0x4e: {  	_ =	shalt  }
0x4f: {  	_ =	shalt  }
0x50: {  	_ =	shalt  }
0x51: {  	_ =	shalt  }
0x52: {  	_ =	shalt  }
0x53: {  	_ =	shalt  }
0x54: {  	_ =	shalt  }
0x55: {  	_ =	shalt  }
0x56: {  	_ =	shalt  }
0x57: {  	_ =	shalt  }
0x58: {  	_ =	shalt  }
0x59: {  	_ =	shalt  }
0x5a: {  	_ =	shalt  }
0x5b: {  	_ =	shalt  }
0x5c: {  	_ =	shalt  }
0x5d: {  	_ =	shalt  }
0x5e: {  	_ =	shalt  }
0x5f: {  	_ =	shalt  }
0x60: {  	_ =	shalt  }
0x61: {  	_ =	shalt  }
0x62: {  	_ =	shalt  }
0x63: {  	_ =	shalt  }
0x64: {  	_ =	shalt  }
0x65: {  	_ =	shalt  }
0x66: {  	_ =	shalt  }
0x67: {  	_ =	shalt  }
0x68: {  	_ =	shalt  }
0x69: {  	_ =	shalt  }
0x6a: {  	_ =	shalt  }
0x6b: {  	_ =	shalt  }
0x6c: {  	_ =	shalt  }
0x6d: {  	_ =	shalt  }
0x6e: {  	_ =	shalt  }
0x6f: {  	_ =	shalt  }
0x70: {  	_ =	shalt  }
0x71: {  	_ =	shalt  }
0x72: {  	_ =	shalt  }
0x73: {  	_ =	shalt  }
0x74: {  	_ =	shalt  }
0x75: {  	_ =	shalt  }
0x76: {  	_ =	shalt  }
0x77: {  	_ =	shalt  }
0x78: {  	_ =	shalt  }
0x79: {  	_ =	shalt  }
0x7a: {  	_ =	shalt  }
0x7b: {  	_ =	shalt  }
0x7c: {  	_ =	shalt  }
0x7d: {  	_ =	shalt  }
0x7e: {  	_ =	shalt  }
0x7f: {  	_ =	shalt  }
0x80: {  	_ =	shalt  }
0x81: {  	_ =	shalt  }
0x82: {  	_ =	shalt  }
0x83: {  	_ =	shalt  }
0x84: {  	_ =	shalt  }
0x85: {  	_ =	shalt  }
0x86: {  	_ =	shalt  }
0x87: {  	_ =	shalt  }
.Lfunc_end0:
.L_simem_size_0:
called_computation_lowered:
.L_overlay_start_0:
0x88: {  	s2 =	sld [smem:$0x3FD9]  }
0x89: {  	s3 =	sld [smem:$0x3FFE];
	_ =	sdelay $0x1  }
0x8a: {  	s1 =	srdreg.scid  }
0x8b: {  	s0 =	sand.u32 $0x1, s1  }
0x8c: {  	s14 =	sshll.u32 s0, $0xA;
	s2 =	sadd.s32 s3, s2  }
0x8d: {  	s2 =	sadd.s32 s2, s14  }
0x8e: {  	[smem:$0x3FC4] =	sst s2  }
0x8f: {  	_ = 	snop  }
0x90: {  	s2 =	sld [smem:$0x3FD0]  }
0x91: {  	s15 =	sld [smem:$0x3FC8]  }
0x92: {  	s4 =	sld [smem:$0x3FC7]  }
0x93: {  	s6 =	simm.s32 $0xA;
	s7 =	simm.s32 $0x10;
	s5 =	sld [smem:$0x3FC6]  }
0x94: {  	[smem:s7], [sflag:s6] =	dma.local [hbm:s2], $0x1  }
0x95: {  	_ =	swait.eq [sflag:s6], $0x1  }
0x96: {  	s16 =	sld [smem:$0x10]  }
0x97: {  	s17 =	sld [smem:$0x11];
	[sflag:s6] =	ssyncset.done $0x0  }
0x98: {  	s8 =	sld [smem:$0x14];
	[sflag:s6] =	ssyncadd.s32 $0xFFFFFFFF  }
0x99: {  	s18 =	sld [smem:$0x16];
	(tm) =	ssettm $0x1  }
0x9a: {  	s9 =	sld [smem:$0x3FFB];
	_ =	sdelay $0x3  }
0x9b: {  	_ =	strace s9  }
0x9c: {  	s9 =	sld [smem:$0x3FFC];
	_ =	sdelay $0x3  }
0x9d: {  	_ =	strace s9  }
0x9e: {  	s9 =	sld [smem:$0x3FFD];
	_ =	sdelay $0x3  }
0x9f: {  	_ =	strace s9  }
0xa0: {  	_ =	strace $0x8FFFFFFF  }
0xa1: {  	s19 =	sld [smem:$0x3FDB];
	_ =	sdelay $0x1  }
0xa2: {  	s10 =	simm.s32 $_scs_section_size  }
0xa3: {  	s11 =	simm.s32 $_size__tile_overlayer_lowered;
	s12 =	simm.s32 $_tile_overlayer_lowered  }
0xa4: {  	s22 =	simm.s32 $0x1BFF;
	s21 =	sshll.u32 s12, $0x1;
	s9 =	sadd.s32 s10, s19  }
0xa5: {  	s13 =	simm.s32 $0x0;
	s20 =	sshll.u32 s11, $0x1;
	s11 =	sadd.s32 s21, s9  }
0xa6: {  	[timem:s13], [sflag:s22] =	dma.local [hbm:s11], s20  }
0xa7: {  	_ =	swait.ge [sflag:s22], s20  }
0xa8: {  	s10 =	ssub.s32 $0x0, s20;
	[sflag:s22] =	ssyncset.done $0x0  }
0xa9: {  	[sflag:s22] =	ssyncadd.s32 s10;
	_ =	sdelay $0x1  }
0xaa: {  	s23 =	simm.s32 $0x1B8B  }
0xab: {  	_ =	swait.ge [sflag:s23], $0x1  }
0xac: {  	[sflag:s23] =	ssyncset.done $0x0  }
0xad: {  	s25 =	simm.s32 $0x1B8E;
	s24 =	sld [smem:$0x3FFE];
	[sflag:s23] =	ssyncadd.s32 $0xFFFFFFFF  }
0xae: {  	s26 =	simm.s32 $execute0_lowered;
	[smem:$0x3FD2] =	sst s25  }
0xaf: {  	s11 =	sshll.u32 s26, $0x1;
	_ =	strace $0x80000046;
	[dreg:$0x1] =	wrdreg $0xFFFFFFFF  }
0xb0: {  	s28 =	simm.s32 $_size_execute0_lowered;
	s9 =	sadd.s32 s9, s11;
	[dreg:$0x0] =	wrdreg $0x0  }
0xb1: {  	s11 =	sshll.u32 s28, $0x1;
	[dreg:$0x2] =	wrdreg s9  }
0xb2: {  	[dreg:$0x3] =	wrdreg s11  }
0xb3: {  	[dreg:$0x4] =	wrdreg $0xC0  }
0xb4: {  	_ =	task [dreg:s13], $0x5FFFF  }
0xb5: {  	[dreg:$0x1] =	wrdreg $0xFFFFFFFF  }
0xb6: {  	[dreg:$0x0] =	wrdreg $0x60  }
0xb7: {  	[dreg:$0x2] =	wrdreg s24  }
0xb8: {  	[dreg:$0x3] =	wrdreg s15  }
0xb9: {  	[dreg:$0x4] =	wrdreg s4  }
0xba: {  	[dreg:$0x5] =	wrdreg s5  }
0xbb: {  	[dreg:$0x6] =	wrdreg s8  }
0xbc: {  	[dreg:$0x7] =	wrdreg s18  }
0xbd: {  	[dreg:$0x8] =	wrdreg s16  }
0xbe: {  	[dreg:$0x9] =	wrdreg s17  }
0xbf: {  	[dreg:$0xa] =	wrdreg $0x9  }
0xc0: {  	_ =	task.clear_ibuf [dreg:s13], $0xBFFFF;
	_ =	strace $0x90000046  }
0xc1: {  	s29 =	simm.s32 $0x9;
	_ =	strace $0x80000048  }
0xc2: {  	_ =	swait.ge [sflag:s29], $0x1  }
0xc3: {  	[sflag:s29] =	ssyncadd.s32 $0xFFFFFFFF  }
0xc4: {  	_ =	strace $0x90000048  }
0xc5: {  	_ =	sfence  }
0xc6: {  	s30 =	sld [smem:$0x0];
	_ =	sdelay $0x2  }
0xc7: {  	s31 =	sshll.u32 s1, $0xD;
	s1 =	sshrl.u32 s1, $0x2  }
0xc8: {  	s3 =	sand.u32 $0x4000, s31;
	s1 =	sadd.s32 s1, s30  }
0xc9: {  	s0 =	sor.u32 s3, s0;
	s1 =	sshll.u32 s1, $0x11  }
0xca: {  	s0 =	sor.u32 s1, s0  }
0xcb: {  	s0 =	sadd.s32 $0x8F2B, s0  }
0xcc: {  	[sflag:s0] =	ssyncadd.remote.s32 $0x1  }
0xcd: {  	_ =	sfence.sel $0xFFFF  }
0xce: {  	[dreg:$0x0] =	wrdreg $0xFFFFFFFF;
	(pc) =	sbr.abs _section_cstart, $3  }
0xcf: {  	[dreg:$0x1] =	wrdreg $0xFFFFFFFF  }
0xd0: {  	_ =	task.clear_ibuf [dreg:s13], $0x2FFFF;
	_ =	strace $0x9FFFFFFF  }
0xd1: {  	(tm) =	ssettm $0x7FFFFFFF  }
tec
execute0_lowered:
.L_overlay_start_1:
0x0: {  	(tag) =	ssettag $0x1  }
0x1: {  	s2 =	rddreg [dreg:$0x0]  }
0x2: {  	s0 =	rddreg [dreg:$0x1]  }
0x3: {  	s1 =	rddreg [dreg:$0x2]  }
0x4: {  	s3 =	rddreg [dreg:$0x3]  }
0x5: {  	s7 =	rddreg [dreg:$0x4]  }
0x6: {  	s8 =	rddreg [dreg:$0x5]  }
0x7: {  	s9 =	rddreg [dreg:$0x6];
	s4 =	srdreg.scid  }
0x8: {  	s17 =	stileid.u32;
	s10 =	rddreg [dreg:$0x7]  }
0x9: {  	s28 =	simm.s32 $0x14000;
	s31 =	simm.s32 $0x14800;
	s5 =	sand.u32 $0x1, s4  }
0xa: {  	s6 =	sshll.u32 s17, $0x1;
	s4 =	simm.s32 $0x0;
	p0 =	sgt.u32 s17, $0xB  }
0xb: {  	s29 =	sadd.s32 $0x100, s0;
	s30 =	sadd.s32 $0x200, s0;
	s11 =	sor.u32 s5, s6  }
0xc: {  	[smem:$0x7FF] =	sst s4;
	s12 =	ssub.s32 $0x2, s5;
	s5 =	sadd.s32 $0x12D200, s2  }
0xd: {  	s6 =	smul.u32 $0x38, s11;
	_ =	strace $0x80000047;
	s13 =	sshrl.u32 s12, $0x1  }
0xe: {  	s20 =	sshllo.u32 s11, $0x1;
	s12 =	ssub.s32 s12, s13;
	s13 =	sshll.u32 s11, $0x5  }
0xf: {  	s22 =	sshll.u32 s20, $0x4;
	s23 =	smul.u32 $0x3000, s20;
	s14 =	sshrl.u32 s6, $0x3  }
0x10: {  	s6 =	sadd.s32 $0x1200, s2;
	s19 =	sor.u32 $0x8, s13;
	s16 =	sor.u32 $0x8, s22  }
0x11: {  	s24 =	sadd.s32 s3, s22;
	s22 =	sadd.s32 $0x1300, s2;
	s25 =	smul.u32 $0x300, s14  }
0x12: {  	s15 =	sadd.s32 s7, s14;
	s26 =	sadd.s32 s8, s14;
	[dreg:$0x10] =	wrdreg s24  }
0x13: {  	s14 =	sadd.s32 $0xE0, s14;
	s21 =	smul.u32 $0x300, s19;
	[dreg:$0x9] =	wrdreg s15  }
0x14: {  	[dreg:$0xa] =	wrdreg s26;
	s7 =	sadd.s32 s7, s14;
	s15 =	smul.u32 $0x6000, s11  }
0x15: {  	s8 =	sadd.s32 s8, s14;
	s14 =	sshll.u32 s11, $0xA;
	[dreg:$0xc] =	wrdreg s7  }
0x16: {  	s11 =	simm.s32 $0x13800;
	s18 =	sadd.s32 s9, s25;
	[dreg:$0xd] =	wrdreg s8  }
0x17: {  	s7 =	sadd.s32 s3, s13;
	s13 =	sadd.s32 s3, s19;
	s25 =	smul.u32 $0x300, s16  }
0x18: {  	s3 =	sadd.s32 s3, s16;
	s16 =	sadd.s32 $0x12D300, s2;
	[dreg:$0xe] =	wrdreg s7  }
0x19: {  	s8 =	sadd.s32 s10, s21;
	s9 =	sadd.s32 s10, s23;
	[dreg:$0xf] =	wrdreg s13  }
0x1a: {  	s21 =	sadd.s32 $0x12D400, s2;
	s23 =	sadd.s32 $0x1400, s2;
	[dreg:$0x11] =	wrdreg s3  }
0x1b: {  	s19 =	sshll.u32 s20, $0x9;
	s20 =	smax.u32 s12, $0x1;
	[dreg:$0x13] =	wrdreg s8  }
0x1c: {  	s2 =	simm.s32 $0x15000;
	s12 =	simm.s32 $0x1;
	[dreg:$0x14] =	wrdreg s9  }
0x1d: {  	v0 =	vmov s14;
	s14 =	simm.s32 $0x0;
	s26 =	sadd.s32 s10, s15;
	[dreg:$0x16] =	wrdreg s20  }
0x1e: {  	[dreg:$0xb] =	wrdreg s18;
	s24 =	sadd.s32 $0x2A000, s18;
	s3 =	simm.s32 $0x3  }
0x1f: {  	v4 =	vlaneseq.u32;
	s7 =	simm.s32 $0x15800;
	s8 =	simm.s32 $0x16000;
	[dreg:$0x12] =	wrdreg s26  }
0x20: {  	vm0 =	vmmov $0xffff;
	v2 =	vand.u32 $0x7, v4;
	v3 =	vshrl.u32 v4, $0x3;
	s13 =	sadd.s32 s10, s25;
	s25 =	sadd.s32 $0x100, s1;
	[dreg:$0x17] =	wrdreg s24  }
0x21: {  	v4 =	vor.u32 $0x8, v4;
	v3 =	vmul.u32 $0x8, v3;
	v1 =	vmov s19;
	s26 =	sadd.s32 $0x200, s1;
	[dreg:$0x15] =	wrdreg s13;
	s13 =	simm.s32 $0x2  }
.LBB2_1:
0x22: {  	s9 =	rddreg [dreg:$0x9];
	s10 =	simm.s32 $0x18000  }
0x23: {  	[tilespmem:s10], [sflag:$0x3] =	stream.linear.gather [hbm4b:s9+s4], $0x38, $0x38;
	[tilespmem:$0x18200] =	vst v63  }
0x24: {  	_ =	swait.ge [sflag:s3], $0x38  }
0x25: {  	[sflag:s3] =	ssyncset.done $0x0  }
0x26: {  	s20 =	simm.s32 $0x18080;
	s19 =	rddreg [dreg:$0xa];
	[sflag:s3] =	ssyncadd.s32 $0xFFFFFFC8  }
0x27: {  	[tilespmem:s20], [sflag:$0x3] =	stream.linear.gather [hbm4b:s19+s4], $0x38, $0x38;
	[tilespmem:$0x18200] =	vst v63  }
0x28: {  	_ =	swait.ge [sflag:s3], $0x38  }
0x29: {  	[sflag:s3] =	ssyncset.done $0x0  }
0x2a: {  	[sflag:s3] =	ssyncadd.s32 $0xFFFFFFC8  }
0x2b: {  	v5 =	vld [tilespmem:$0x18000];
	_ =	sdelay $0x4  }
0x2c: {  	v6 =	vshrl.u32 v5, $0x3  }
0x2d: {  	v6 =	vmul.u32 $0x30, v6  }
0x2e: {  	v5 =	vand.u32 $0x7, v5  }
0x2f: {  	v5 =	vor.u32 v5, v6  }
0x30: {  	v6 =	vperm.xlane v5, v2;
	_ =	sdelay $0x1  }
0x31: {  	v6 =	vadd.s32 v3, v6;
	_ =	sdelay $0x3  }
0x32: {  	v5 =	vperm.xlane v5, v4  }
0x33: {  	[tilespmem:s4], [sflag:$0x1] =	stream.indirect_vreg.gather [hbm4b:s5+s4], $0x80, v6, vm0, $0xb8;
	[tilespmem:$0x18200] =	vst v63  }
0x34: {  	s24 =	simm.s32 $0x800;
	v5 =	vadd.s32 v3, v5  }
0x35: {  	[tilespmem:s24], [sflag:$0x1] =	stream.indirect_vreg.gather [hbm4b:s16+s4], $0x80, v6, vm0, $0xb8;
	[tilespmem:$0x18200] =	vst v63  }
0x36: {  	s10 =	simm.s32 $0x1000  }
0x37: {  	[tilespmem:s10], [sflag:$0x1] =	stream.indirect_vreg.gather [hbm4b:s21+s4], $0x80, v6, vm0, $0xb8;
	[tilespmem:$0x18200] =	vst v63  }
0x38: {  	s15 =	simm.s32 $0x1800  }
0x39: {  	[tilespmem:s15], [sflag:$0x1] =	stream.indirect_vreg.gather [hbm4b:s5+s4], $0x80, v5, vm0, $0xb8;
	[tilespmem:$0x18200] =	vst v63  }
0x3a: {  	s17 =	simm.s32 $0x2000  }
0x3b: {  	[tilespmem:s17], [sflag:$0x1] =	stream.indirect_vreg.gather [hbm4b:s16+s4], $0x80, v5, vm0, $0xb8;
	[tilespmem:$0x18200] =	vst v63  }
0x3c: {  	s18 =	simm.s32 $0x2800  }
0x3d: {  	[tilespmem:s18], [sflag:$0x1] =	stream.indirect_vreg.gather [hbm4b:s21+s4], $0x80, v5, vm0, $0xb8;
	[tilespmem:$0x18200] =	vst v63  }
0x3e: {  	v5 =	vld [tilespmem:$0x18010];
	_ =	sdelay $0x4  }
0x3f: {  	v6 =	vshrl.u32 v5, $0x3  }
0x40: {  	v6 =	vmul.u32 $0x30, v6  }
0x41: {  	v5 =	vand.u32 $0x7, v5  }
0x42: {  	v5 =	vor.u32 v5, v6  }
0x43: {  	v6 =	vperm.xlane v5, v2;
	_ =	sdelay $0x1  }
0x44: {  	v6 =	vadd.s32 v3, v6;
	_ =	sdelay $0x3  }
0x45: {  	s19 =	simm.s32 $0x3000;
	v5 =	vperm.xlane v5, v4  }
0x46: {  	[tilespmem:s19], [sflag:$0x1] =	stream.indirect_vreg.gather [hbm4b:s5+s4], $0x80, v6, vm0, $0xb8;
	[tilespmem:$0x18200] =	vst v63  }
0x47: {  	s20 =	simm.s32 $0x3800;
	v5 =	vadd.s32 v3, v5  }
0x48: {  	[tilespmem:s20], [sflag:$0x1] =	stream.indirect_vreg.gather [hbm4b:s16+s4], $0x80, v6, vm0, $0xb8;
	[tilespmem:$0x18200] =	vst v63  }
0x49: {  	s24 =	simm.s32 $0x4000  }
0x4a: {  	[tilespmem:s24], [sflag:$0x1] =	stream.indirect_vreg.gather [hbm4b:s21+s4], $0x80, v6, vm0, $0xb8;
	[tilespmem:$0x18200] =	vst v63  }
0x4b: {  	s10 =	simm.s32 $0x4800  }
0x4c: {  	[tilespmem:s10], [sflag:$0x1] =	stream.indirect_vreg.gather [hbm4b:s5+s4], $0x80, v5, vm0, $0xb8;
	[tilespmem:$0x18200] =	vst v63  }
0x4d: {  	s15 =	simm.s32 $0x5000  }
0x4e: {  	[tilespmem:s15], [sflag:$0x1] =	stream.indirect_vreg.gather [hbm4b:s16+s4], $0x80, v5, vm0, $0xb8;
	[tilespmem:$0x18200] =	vst v63  }
0x4f: {  	s17 =	simm.s32 $0x5800  }
0x50: {  	[tilespmem:s17], [sflag:$0x1] =	stream.indirect_vreg.gather [hbm4b:s21+s4], $0x80, v5, vm0, $0xb8;
	[tilespmem:$0x18200] =	vst v63  }
0x51: {  	v5 =	vld [tilespmem:$0x18020];
	_ =	sdelay $0x4  }
0x52: {  	v6 =	vshrl.u32 v5, $0x3  }
0x53: {  	v6 =	vmul.u32 $0x30, v6  }
0x54: {  	v5 =	vand.u32 $0x7, v5  }
0x55: {  	v5 =	vor.u32 v5, v6  }
0x56: {  	v6 =	vperm.xlane v5, v2;
	_ =	sdelay $0x1  }
0x57: {  	v6 =	vadd.s32 v3, v6;
	_ =	sdelay $0x3  }
0x58: {  	s18 =	simm.s32 $0x6000;
	v5 =	vperm.xlane v5, v4  }
0x59: {  	[tilespmem:s18], [sflag:$0x1] =	stream.indirect_vreg.gather [hbm4b:s5+s4], $0x80, v6, vm0, $0xb8;
	[tilespmem:$0x18200] =	vst v63  }
0x5a: {  	s19 =	simm.s32 $0x6800;
	v5 =	vadd.s32 v3, v5  }
0x5b: {  	[tilespmem:s19], [sflag:$0x1] =	stream.indirect_vreg.gather [hbm4b:s16+s4], $0x80, v6, vm0, $0xb8;
	[tilespmem:$0x18200] =	vst v63  }
0x5c: {  	s20 =	simm.s32 $0x7000  }
0x5d: {  	[tilespmem:s20], [sflag:$0x1] =	stream.indirect_vreg.gather [hbm4b:s21+s4], $0x80, v6, vm0, $0xb8;
	[tilespmem:$0x18200] =	vst v63  }
0x5e: {  	s24 =	simm.s32 $0x7800  }
0x5f: {  	[tilespmem:s24], [sflag:$0x1] =	stream.indirect_vreg.gather [hbm4b:s5+s4], $0x80, v5, vm0, $0xb8;
	[tilespmem:$0x18200] =	vst v63  }
0x60: {  	s10 =	simm.s32 $0x8000  }
0x61: {  	[tilespmem:s10], [sflag:$0x1] =	stream.indirect_vreg.gather [hbm4b:s16+s4], $0x80, v5, vm0, $0xb8;
	[tilespmem:$0x18200] =	vst v63  }
0x62: {  	s15 =	simm.s32 $0x8800  }
0x63: {  	[tilespmem:s15], [sflag:$0x1] =	stream.indirect_vreg.gather [hbm4b:s21+s4], $0x80, v5, vm0, $0xb8;
	[tilespmem:$0x18200] =	vst v63  }
0x64: {  	v5 =	vld.msk [tilespmem:$0x18030], $0xff;
	_ =	sdelay $0x4  }
0x65: {  	v6 =	vshrl.u32 v5, $0x3  }
0x66: {  	v6 =	vmul.u32 $0x30, v6  }
0x67: {  	v5 =	vand.u32 $0x7, v5  }
0x68: {  	v5 =	vor.u32 v5, v6  }
0x69: {  	v5 =	vperm.xlane v5, v2;
	_ =	sdelay $0x1  }
0x6a: {  	v5 =	vadd.s32 v3, v5;
	_ =	sdelay $0x3  }
0x6b: {  	s17 =	simm.s32 $0x9000  }
0x6c: {  	[tilespmem:s17], [sflag:$0x1] =	stream.indirect_vreg.gather [hbm4b:s5+s4], $0x80, v5, vm0, $0xb8;
	[tilespmem:$0x18200] =	vst v63  }
0x6d: {  	s18 =	simm.s32 $0x9800  }
0x6e: {  	[tilespmem:s18], [sflag:$0x1] =	stream.indirect_vreg.gather [hbm4b:s16+s4], $0x80, v5, vm0, $0xb8;
	[tilespmem:$0x18200] =	vst v63  }
0x6f: {  	s19 =	simm.s32 $0xA000  }
0x70: {  	[tilespmem:s19], [sflag:$0x1] =	stream.indirect_vreg.gather [hbm4b:s21+s4], $0x80, v5, vm0, $0xb8;
	[tilespmem:$0x18200] =	vst v63  }
0x71: {  	v5 =	vld [tilespmem:$0x18080];
	_ =	sdelay $0x4  }
0x72: {  	v6 =	vshrl.u32 v5, $0x3  }
0x73: {  	v6 =	vmul.u32 $0x30, v6  }
0x74: {  	v5 =	vand.u32 $0x7, v5  }
0x75: {  	v5 =	vor.u32 v5, v6  }
0x76: {  	v6 =	vperm.xlane v5, v2;
	_ =	sdelay $0x1  }
0x77: {  	v6 =	vadd.s32 v3, v6;
	_ =	sdelay $0x3  }
0x78: {  	s20 =	simm.s32 $0xC000;
	v5 =	vperm.xlane v5, v4  }
0x79: {  	[tilespmem:s20], [sflag:$0x2] =	stream.indirect_vreg.gather [hbm4b:s1+s4], $0x80, v6, vm0, $0xb8;
	[tilespmem:$0x18200] =	vst v63  }
0x7a: {  	s24 =	simm.s32 $0xC800;
	v5 =	vadd.s32 v3, v5  }
0x7b: {  	[tilespmem:s24], [sflag:$0x2] =	stream.indirect_vreg.gather [hbm4b:s25+s4], $0x80, v6, vm0, $0xb8;
	[tilespmem:$0x18200] =	vst v63  }
0x7c: {  	s10 =	simm.s32 $0xD000  }
0x7d: {  	[tilespmem:s10], [sflag:$0x2] =	stream.indirect_vreg.gather [hbm4b:s26+s4], $0x80, v6, vm0, $0xb8;
	[tilespmem:$0x18200] =	vst v63  }
0x7e: {  	s15 =	simm.s32 $0xD800  }
0x7f: {  	[tilespmem:s15], [sflag:$0x2] =	stream.indirect_vreg.gather [hbm4b:s1+s4], $0x80, v5, vm0, $0xb8;
	[tilespmem:$0x18200] =	vst v63  }
0x80: {  	s17 =	simm.s32 $0xE000  }
0x81: {  	[tilespmem:s17], [sflag:$0x2] =	stream.indirect_vreg.gather [hbm4b:s25+s4], $0x80, v5, vm0, $0xb8;
	[tilespmem:$0x18200] =	vst v63  }
0x82: {  	s18 =	simm.s32 $0xE800  }
0x83: {  	[tilespmem:s18], [sflag:$0x2] =	stream.indirect_vreg.gather [hbm4b:s26+s4], $0x80, v5, vm0, $0xb8;
	[tilespmem:$0x18200] =	vst v63  }
0x84: {  	v5 =	vld [tilespmem:$0x18090];
	_ =	sdelay $0x4  }
0x85: {  	v6 =	vshrl.u32 v5, $0x3  }
0x86: {  	v6 =	vmul.u32 $0x30, v6  }
0x87: {  	v5 =	vand.u32 $0x7, v5  }
0x88: {  	v5 =	vor.u32 v5, v6  }
0x89: {  	v6 =	vperm.xlane v5, v2;
	_ =	sdelay $0x1  }
0x8a: {  	v6 =	vadd.s32 v3, v6;
	_ =	sdelay $0x3  }
0x8b: {  	s19 =	simm.s32 $0xF000;
	v5 =	vperm.xlane v5, v4  }
0x8c: {  	[tilespmem:s19], [sflag:$0x2] =	stream.indirect_vreg.gather [hbm4b:s1+s4], $0x80, v6, vm0, $0xb8;
	[tilespmem:$0x18200] =	vst v63  }
0x8d: {  	s20 =	simm.s32 $0xF800;
	v5 =	vadd.s32 v3, v5  }
0x8e: {  	[tilespmem:s20], [sflag:$0x2] =	stream.indirect_vreg.gather [hbm4b:s25+s4], $0x80, v6, vm0, $0xb8;
	[tilespmem:$0x18200] =	vst v63  }
0x8f: {  	s24 =	simm.s32 $0x10000  }
0x90: {  	[tilespmem:s24], [sflag:$0x2] =	stream.indirect_vreg.gather [hbm4b:s26+s4], $0x80, v6, vm0, $0xb8;
	[tilespmem:$0x18200] =	vst v63  }
0x91: {  	s10 =	simm.s32 $0x10800  }
0x92: {  	[tilespmem:s10], [sflag:$0x2] =	stream.indirect_vreg.gather [hbm4b:s1+s4], $0x80, v5, vm0, $0xb8;
	[tilespmem:$0x18200] =	vst v63  }
0x93: {  	s15 =	simm.s32 $0x11000  }
0x94: {  	[tilespmem:s15], [sflag:$0x2] =	stream.indirect_vreg.gather [hbm4b:s25+s4], $0x80, v5, vm0, $0xb8;
	[tilespmem:$0x18200] =	vst v63  }
0x95: {  	s17 =	simm.s32 $0x11800  }
0x96: {  	[tilespmem:s17], [sflag:$0x2] =	stream.indirect_vreg.gather [hbm4b:s26+s4], $0x80, v5, vm0, $0xb8;
	[tilespmem:$0x18200] =	vst v63  }
0x97: {  	v5 =	vld [tilespmem:$0x180A0];
	_ =	sdelay $0x4  }
0x98: {  	v6 =	vshrl.u32 v5, $0x3  }
0x99: {  	v6 =	vmul.u32 $0x30, v6  }
0x9a: {  	v5 =	vand.u32 $0x7, v5  }
0x9b: {  	v5 =	vor.u32 v5, v6  }
0x9c: {  	v6 =	vperm.xlane v5, v2;
	_ =	sdelay $0x1  }
0x9d: {  	v6 =	vadd.s32 v3, v6;
	_ =	sdelay $0x3  }
0x9e: {  	s18 =	simm.s32 $0x12000;
	v5 =	vperm.xlane v5, v4  }
0x9f: {  	[tilespmem:s18], [sflag:$0x2] =	stream.indirect_vreg.gather [hbm4b:s1+s4], $0x80, v6, vm0, $0xb8;
	[tilespmem:$0x18200] =	vst v63  }
0xa0: {  	s19 =	simm.s32 $0x12800;
	v5 =	vadd.s32 v3, v5  }
0xa1: {  	[tilespmem:s19], [sflag:$0x2] =	stream.indirect_vreg.gather [hbm4b:s25+s4], $0x80, v6, vm0, $0xb8;
	[tilespmem:$0x18200] =	vst v63  }
0xa2: {  	s20 =	simm.s32 $0x13000  }
0xa3: {  	[tilespmem:s20], [sflag:$0x2] =	stream.indirect_vreg.gather [hbm4b:s26+s4], $0x80, v6, vm0, $0xb8;
	[tilespmem:$0x18200] =	vst v63  }
0xa4: {  	_ = 	snop  }
0xa5: {  	[tilespmem:s11], [sflag:$0x2] =	stream.indirect_vreg.gather [hbm4b:s1+s4], $0x80, v5, vm0, $0xb8;
	[tilespmem:$0x18200] =	vst v63  }
0xa6: {  	_ = 	snop  }
0xa7: {  	[tilespmem:s28], [sflag:$0x2] =	stream.indirect_vreg.gather [hbm4b:s25+s4], $0x80, v5, vm0, $0xb8;
	[tilespmem:$0x18200] =	vst v63  }
0xa8: {  	_ = 	snop  }
0xa9: {  	[tilespmem:s31], [sflag:$0x2] =	stream.indirect_vreg.gather [hbm4b:s26+s4], $0x80, v5, vm0, $0xb8;
	[tilespmem:$0x18200] =	vst v63  }
0xaa: {  	v5 =	vld.msk [tilespmem:$0x180B0], $0xff;
	_ =	sdelay $0x4  }
0xab: {  	v6 =	vshrl.u32 v5, $0x3  }
0xac: {  	v6 =	vmul.u32 $0x30, v6  }
0xad: {  	v5 =	vand.u32 $0x7, v5  }
0xae: {  	v5 =	vor.u32 v5, v6  }
0xaf: {  	v5 =	vperm.xlane v5, v2;
	_ =	sdelay $0x1  }
0xb0: {  	v5 =	vadd.s32 v3, v5;
	_ =	sdelay $0x1  }
0xb1: {  	s15 =	smul.u32 $0xAAAB, s4;
	_ =	sdelay $0x1  }
0xb2: {  	s17 =	sshrl.u32 s15, $0x15  }
0xb3: {  	[tilespmem:s2], [sflag:$0x2] =	stream.indirect_vreg.gather [hbm4b:s1+s4], $0x80, v5, vm0, $0xb8;
	[tilespmem:$0x18200] =	vst v63  }
0xb4: {  	s17 =	smul.u32 $0x30, s17  }
0xb5: {  	[tilespmem:s7], [sflag:$0x2] =	stream.indirect_vreg.gather [hbm4b:s25+s4], $0x80, v5, vm0, $0xb8;
	[tilespmem:$0x18200] =	vst v63  }
0xb6: {  	s17 =	ssub.s32 $0x0, s17;
	s18 =	sshrl.u32 s15, $0x18;
	s15 =	sshrl.u32 s15, $0xE  }
0xb7: {  	[tilespmem:s8], [sflag:$0x2] =	stream.indirect_vreg.gather [hbm4b:s26+s4], $0x80, v5, vm0, $0xb8;
	[tilespmem:$0x18200] =	vst v63  }
0xb8: {  	s18 =	smul.u32 $0x1800, s18;
	s15 =	sand.u32 $0x380, s15;
	_ =	swait.ge [sflag:s12], $0xA800  }
0xb9: {  	s19 =	simm.s32 $0x1;
	s20 =	sshll.u32 s17, $0x7;
	[sflag:s12] =	ssyncset.done $0x0  }
0xba: {  	s19 =	smul.u32 $0xAAAB, s19;
	s20 =	sand.u32 $0x1C00, s20;
	[sflag:s12] =	ssyncadd.s32 $0xFFFF5800  }
0xbb: {  	s17 =	sshll.u32 s17, $0x4;
	s18 =	sadd.s32 s20, s18;
	_ =	swait.ge [sflag:s13], $0xA800  }
0xbc: {  	s17 =	sand.u32 $0x70, s17;
	s15 =	sor.u32 s15, s18;
	[sflag:s13] =	ssyncset.done $0x0  }
0xbd: {  	s24 =	sshrl.u32 s19, $0x15;
	s15 =	sor.u32 s17, s15;
	[sflag:s13] =	ssyncadd.s32 $0xFFFF5800  }
0xbe: {  	s9 =	smul.u32 $0x30, s24;
	v5 =	vld [tilespmem:s15+$0xC000]  }
0xbf: {  	v6 =	vld [tilespmem:s15+$0x0]  }
0xc0: {  	s24 =	sshrl.u32 s19, $0x18;
	s10 =	ssub.s32 $0x1, s9  }
0xc1: {  	s19 =	sshrl.u32 s19, $0xE;
	s17 =	smul.u32 $0x1800, s24;
	s9 =	sshll.u32 s10, $0x7  }
0xc2: {  	s18 =	simm.s32 $0x2;
	s19 =	sand.u32 $0x380, s19;
	s24 =	sand.u32 $0x1C00, s9  }
0xc3: {  	s10 =	sshll.u32 s10, $0x4;
	s24 =	sadd.s32 s24, s17;
	s17 =	smul.u32 $0xAAAB, s18  }
0xc4: {  	s20 =	sor.u32 s19, s24;
	s19 =	simm.s32 $0x3;
	s24 =	sand.u32 $0x70, s10;
	v5 =	vadd.f32 v5, v6  }
.LBB2_2:
0xc5: {  	p1 =	sne.s32 s19, $0xA7F;
	s9 =	sshrl.u32 s17, $0x15;
	s20 =	sor.u32 s24, s20  }
0xc6: {  	s9 =	smul.u32 $0x30, s9;
	v6 =	vld [tilespmem:s20+$0xC000];
	[tilespmem:s15+$0x0] =	vst v5;
	s15 =	smov.u32 s20  }
0xc7: {  	v5 =	vld [tilespmem:s15+$0x0]  }
.Ltmp0:
0xc8: {  	s9 =	ssub.s32 s18, s9;
	s18 =	sshrl.u32 s17, $0x18;
	(pc) =	sbr.rel @p1 .LBB2_2-.Ltmp0, $4  }
0xc9: {  	s20 =	smul.u32 $0x1800, s18;
	s24 =	sshll.u32 s9, $0x7;
	s18 =	smov.u32 s19  }
0xca: {  	s10 =	sshrl.u32 s17, $0xE;
	s17 =	smul.u32 $0xAAAB, s19;
	s24 =	sand.u32 $0x1C00, s24  }
0xcb: {  	s10 =	sand.u32 $0x380, s10;
	s9 =	sshll.u32 s9, $0x4;
	s20 =	sadd.s32 s24, s20  }
0xcc: {  	s19 =	sadd.s32 $0x1, s19;
	s24 =	sand.u32 $0x70, s9;
	s20 =	sor.u32 s10, s20;
	v5 =	vadd.f32 v6, v5  }
0xcd: {  	s9 =	sshrl.u32 s17, $0x15;
	s10 =	sor.u32 s24, s20  }
0xce: {  	s9 =	smul.u32 $0x30, s9;
	v6 =	vld [tilespmem:s10+$0xC000];
	[tilespmem:s15+$0x0] =	vst v5  }
0xcf: {  	v5 =	vld [tilespmem:s10+$0x0]  }
0xd0: {  	s19 =	sshrl.u32 s17, $0x18;
	s9 =	ssub.s32 s18, s9  }
0xd1: {  	s15 =	smul.u32 $0x1800, s19;
	s18 =	sshll.u32 s9, $0x7  }
0xd2: {  	s20 =	sshrl.u32 s17, $0xE;
	s18 =	sand.u32 $0x1C00, s18  }
0xd3: {  	s17 =	sand.u32 $0x380, s20;
	s9 =	sshll.u32 s9, $0x4;
	s15 =	sadd.s32 s18, s15  }
0xd4: {  	s9 =	sand.u32 $0x70, s9;
	s15 =	sor.u32 s17, s15;
	v5 =	vadd.f32 v6, v5  }
0xd5: {  	s9 =	sor.u32 s9, s15  }
0xd6: {  	v6 =	vld [tilespmem:s9+$0xC000];
	[tilespmem:s10+$0x0] =	vst v5  }
0xd7: {  	v5 =	vld [tilespmem:s9+$0x0];
	_ =	sdelay $0x4  }
0xd8: {  	v5 =	vadd.f32 v6, v5;
	_ =	sdelay $0x1  }
.Ltmp1:
0xd9: {  	s24 =	rddreg [dreg:$0xb];
	[tilespmem:s9+$0x0] =	vst v5;
	(pc) =	sbr.rel @p0 .LBB2_7-.Ltmp1, $4  }
0xda: {  	[hbm4b:s24+s4] =	stream.linear.scatter [tilespmem:s4], [sflag:$0x3], $0xA800, $0x38;
	[tilespmem:$0x18200] =	vst v63  }
0xdb: {  	_ =	swait.ge [sflag:s3], $0xA800  }
0xdc: {  	[sflag:s3] =	ssyncset.done $0x0  }
0xdd: {  	[sflag:s3] =	ssyncadd.s32 $0xFFFF5800  }
0xde: {  	s15 =	simm.s32 $0x0;
	s9 =	rddreg [dreg:$0xc];
	s10 =	simm.s32 $0x18000  }
0xdf: {  	[tilespmem:s10], [sflag:$0x3] =	stream.linear.gather [hbm4b:s9+s15], $0x38, $0x38;
	[tilespmem:$0x18200] =	vst v63  }
0xe0: {  	_ =	swait.ge [sflag:s3], $0x38  }
0xe1: {  	[sflag:s3] =	ssyncset.done $0x0  }
0xe2: {  	s19 =	simm.s32 $0x18080;
	s18 =	rddreg [dreg:$0xd];
	[sflag:s3] =	ssyncadd.s32 $0xFFFFFFC8  }
0xe3: {  	[tilespmem:s19], [sflag:$0x3] =	stream.linear.gather [hbm4b:s18+s15], $0x38, $0x38;
	[tilespmem:$0x18200] =	vst v63  }
0xe4: {  	_ =	swait.ge [sflag:s3], $0x38  }
0xe5: {  	[sflag:s3] =	ssyncset.done $0x0  }
0xe6: {  	[sflag:s3] =	ssyncadd.s32 $0xFFFFFFC8  }
0xe7: {  	v5 =	vld [tilespmem:$0x18000];
	_ =	sdelay $0x4  }
0xe8: {  	v6 =	vshrl.u32 v5, $0x3  }
0xe9: {  	v6 =	vmul.u32 $0x30, v6  }
0xea: {  	v5 =	vand.u32 $0x7, v5  }
0xeb: {  	v5 =	vor.u32 v5, v6  }
0xec: {  	v6 =	vperm.xlane v5, v2;
	_ =	sdelay $0x1  }
0xed: {  	v6 =	vadd.s32 v3, v6;
	_ =	sdelay $0x3  }
0xee: {  	v5 =	vperm.xlane v5, v4  }
0xef: {  	[tilespmem:s15], [sflag:$0x1] =	stream.indirect_vreg.gather [hbm4b:s5+s15], $0x80, v6, vm0, $0xb8;
	[tilespmem:$0x18200] =	vst v63  }
0xf0: {  	s20 =	simm.s32 $0x800;
	v5 =	vadd.s32 v3, v5  }
0xf1: {  	[tilespmem:s20], [sflag:$0x1] =	stream.indirect_vreg.gather [hbm4b:s16+s15], $0x80, v6, vm0, $0xb8;
	[tilespmem:$0x18200] =	vst v63  }
0xf2: {  	s24 =	simm.s32 $0x1000  }
0xf3: {  	[tilespmem:s24], [sflag:$0x1] =	stream.indirect_vreg.gather [hbm4b:s21+s15], $0x80, v6, vm0, $0xb8;
	[tilespmem:$0x18200] =	vst v63  }
0xf4: {  	s10 =	simm.s32 $0x1800  }
0xf5: {  	[tilespmem:s10], [sflag:$0x1] =	stream.indirect_vreg.gather [hbm4b:s5+s15], $0x80, v5, vm0, $0xb8;
	[tilespmem:$0x18200] =	vst v63  }
0xf6: {  	s17 =	simm.s32 $0x2000  }
0xf7: {  	[tilespmem:s17], [sflag:$0x1] =	stream.indirect_vreg.gather [hbm4b:s16+s15], $0x80, v5, vm0, $0xb8;
	[tilespmem:$0x18200] =	vst v63  }
0xf8: {  	s18 =	simm.s32 $0x2800  }
0xf9: {  	[tilespmem:s18], [sflag:$0x1] =	stream.indirect_vreg.gather [hbm4b:s21+s15], $0x80, v5, vm0, $0xb8;
	[tilespmem:$0x18200] =	vst v63  }
0xfa: {  	v5 =	vld [tilespmem:$0x18010];
	_ =	sdelay $0x4  }
0xfb: {  	v6 =	vshrl.u32 v5, $0x3  }
0xfc: {  	v6 =	vmul.u32 $0x30, v6  }
0xfd: {  	v5 =	vand.u32 $0x7, v5  }
0xfe: {  	v5 =	vor.u32 v5, v6  }
0xff: {  	v6 =	vperm.xlane v5, v2;
	_ =	sdelay $0x1  }
0x100: {  	v6 =	vadd.s32 v3, v6;
	_ =	sdelay $0x3  }
0x101: {  	s19 =	simm.s32 $0x3000;
	v5 =	vperm.xlane v5, v4  }
0x102: {  	[tilespmem:s19], [sflag:$0x1] =	stream.indirect_vreg.gather [hbm4b:s5+s15], $0x80, v6, vm0, $0xb8;
	[tilespmem:$0x18200] =	vst v63  }
0x103: {  	s20 =	simm.s32 $0x3800;
	v5 =	vadd.s32 v3, v5  }
0x104: {  	[tilespmem:s20], [sflag:$0x1] =	stream.indirect_vreg.gather [hbm4b:s16+s15], $0x80, v6, vm0, $0xb8;
	[tilespmem:$0x18200] =	vst v63  }
0x105: {  	s24 =	simm.s32 $0x4000  }
0x106: {  	[tilespmem:s24], [sflag:$0x1] =	stream.indirect_vreg.gather [hbm4b:s21+s15], $0x80, v6, vm0, $0xb8;
	[tilespmem:$0x18200] =	vst v63  }
0x107: {  	s10 =	simm.s32 $0x4800  }
0x108: {  	[tilespmem:s10], [sflag:$0x1] =	stream.indirect_vreg.gather [hbm4b:s5+s15], $0x80, v5, vm0, $0xb8;
	[tilespmem:$0x18200] =	vst v63  }
0x109: {  	s17 =	simm.s32 $0x5000  }
0x10a: {  	[tilespmem:s17], [sflag:$0x1] =	stream.indirect_vreg.gather [hbm4b:s16+s15], $0x80, v5, vm0, $0xb8;
	[tilespmem:$0x18200] =	vst v63  }
0x10b: {  	s18 =	simm.s32 $0x5800  }
0x10c: {  	[tilespmem:s18], [sflag:$0x1] =	stream.indirect_vreg.gather [hbm4b:s21+s15], $0x80, v5, vm0, $0xb8;
	[tilespmem:$0x18200] =	vst v63  }
0x10d: {  	v5 =	vld [tilespmem:$0x18020];
	_ =	sdelay $0x4  }
0x10e: {  	v6 =	vshrl.u32 v5, $0x3  }
0x10f: {  	v6 =	vmul.u32 $0x30, v6  }
0x110: {  	v5 =	vand.u32 $0x7, v5  }
0x111: {  	v5 =	vor.u32 v5, v6  }
0x112: {  	v6 =	vperm.xlane v5, v2;
	_ =	sdelay $0x1  }
0x113: {  	v6 =	vadd.s32 v3, v6;
	_ =	sdelay $0x3  }
0x114: {  	s19 =	simm.s32 $0x6000;
	v5 =	vperm.xlane v5, v4  }
0x115: {  	[tilespmem:s19], [sflag:$0x1] =	stream.indirect_vreg.gather [hbm4b:s5+s15], $0x80, v6, vm0, $0xb8;
	[tilespmem:$0x18200] =	vst v63  }
0x116: {  	s20 =	simm.s32 $0x6800;
	v5 =	vadd.s32 v3, v5  }
0x117: {  	[tilespmem:s20], [sflag:$0x1] =	stream.indirect_vreg.gather [hbm4b:s16+s15], $0x80, v6, vm0, $0xb8;
	[tilespmem:$0x18200] =	vst v63  }
0x118: {  	s24 =	simm.s32 $0x7000  }
0x119: {  	[tilespmem:s24], [sflag:$0x1] =	stream.indirect_vreg.gather [hbm4b:s21+s15], $0x80, v6, vm0, $0xb8;
	[tilespmem:$0x18200] =	vst v63  }
0x11a: {  	s10 =	simm.s32 $0x7800  }
0x11b: {  	[tilespmem:s10], [sflag:$0x1] =	stream.indirect_vreg.gather [hbm4b:s5+s15], $0x80, v5, vm0, $0xb8;
	[tilespmem:$0x18200] =	vst v63  }
0x11c: {  	s17 =	simm.s32 $0x8000  }
0x11d: {  	[tilespmem:s17], [sflag:$0x1] =	stream.indirect_vreg.gather [hbm4b:s16+s15], $0x80, v5, vm0, $0xb8;
	[tilespmem:$0x18200] =	vst v63  }
0x11e: {  	s18 =	simm.s32 $0x8800  }
0x11f: {  	[tilespmem:s18], [sflag:$0x1] =	stream.indirect_vreg.gather [hbm4b:s21+s15], $0x80, v5, vm0, $0xb8;
	[tilespmem:$0x18200] =	vst v63  }
0x120: {  	v5 =	vld.msk [tilespmem:$0x18030], $0xff;
	_ =	sdelay $0x4  }
0x121: {  	v6 =	vshrl.u32 v5, $0x3  }
0x122: {  	v6 =	vmul.u32 $0x30, v6  }
0x123: {  	v5 =	vand.u32 $0x7, v5  }
0x124: {  	v5 =	vor.u32 v5, v6  }
0x125: {  	v5 =	vperm.xlane v5, v2;
	_ =	sdelay $0x1  }
0x126: {  	v5 =	vadd.s32 v3, v5;
	_ =	sdelay $0x3  }
0x127: {  	s19 =	simm.s32 $0x9000  }
0x128: {  	[tilespmem:s19], [sflag:$0x1] =	stream.indirect_vreg.gather [hbm4b:s5+s15], $0x80, v5, vm0, $0xb8;
	[tilespmem:$0x18200] =	vst v63  }
0x129: {  	s20 =	simm.s32 $0x9800  }
0x12a: {  	[tilespmem:s20], [sflag:$0x1] =	stream.indirect_vreg.gather [hbm4b:s16+s15], $0x80, v5, vm0, $0xb8;
	[tilespmem:$0x18200] =	vst v63  }
0x12b: {  	s24 =	simm.s32 $0xA000  }
0x12c: {  	[tilespmem:s24], [sflag:$0x1] =	stream.indirect_vreg.gather [hbm4b:s21+s15], $0x80, v5, vm0, $0xb8;
	[tilespmem:$0x18200] =	vst v63  }
0x12d: {  	v5 =	vld [tilespmem:$0x18080];
	_ =	sdelay $0x4  }
0x12e: {  	v6 =	vshrl.u32 v5, $0x3  }
0x12f: {  	v6 =	vmul.u32 $0x30, v6  }
0x130: {  	v5 =	vand.u32 $0x7, v5  }
0x131: {  	v5 =	vor.u32 v5, v6  }
0x132: {  	v6 =	vperm.xlane v5, v2;
	_ =	sdelay $0x1  }
0x133: {  	v6 =	vadd.s32 v3, v6;
	_ =	sdelay $0x3  }
0x134: {  	s10 =	simm.s32 $0xC000;
	v5 =	vperm.xlane v5, v4  }
0x135: {  	[tilespmem:s10], [sflag:$0x2] =	stream.indirect_vreg.gather [hbm4b:s1+s15], $0x80, v6, vm0, $0xb8;
	[tilespmem:$0x18200] =	vst v63  }
0x136: {  	s17 =	simm.s32 $0xC800;
	v5 =	vadd.s32 v3, v5  }
0x137: {  	[tilespmem:s17], [sflag:$0x2] =	stream.indirect_vreg.gather [hbm4b:s25+s15], $0x80, v6, vm0, $0xb8;
	[tilespmem:$0x18200] =	vst v63  }
0x138: {  	s18 =	simm.s32 $0xD000  }
0x139: {  	[tilespmem:s18], [sflag:$0x2] =	stream.indirect_vreg.gather [hbm4b:s26+s15], $0x80, v6, vm0, $0xb8;
	[tilespmem:$0x18200] =	vst v63  }
0x13a: {  	s19 =	simm.s32 $0xD800  }
0x13b: {  	[tilespmem:s19], [sflag:$0x2] =	stream.indirect_vreg.gather [hbm4b:s1+s15], $0x80, v5, vm0, $0xb8;
	[tilespmem:$0x18200] =	vst v63  }
0x13c: {  	s20 =	simm.s32 $0xE000  }
0x13d: {  	[tilespmem:s20], [sflag:$0x2] =	stream.indirect_vreg.gather [hbm4b:s25+s15], $0x80, v5, vm0, $0xb8;
	[tilespmem:$0x18200] =	vst v63  }
0x13e: {  	s24 =	simm.s32 $0xE800  }
0x13f: {  	[tilespmem:s24], [sflag:$0x2] =	stream.indirect_vreg.gather [hbm4b:s26+s15], $0x80, v5, vm0, $0xb8;
	[tilespmem:$0x18200] =	vst v63  }
0x140: {  	v5 =	vld [tilespmem:$0x18090];
	_ =	sdelay $0x4  }
0x141: {  	v6 =	vshrl.u32 v5, $0x3  }
0x142: {  	v6 =	vmul.u32 $0x30, v6  }
0x143: {  	v5 =	vand.u32 $0x7, v5  }
0x144: {  	v5 =	vor.u32 v5, v6  }
0x145: {  	v6 =	vperm.xlane v5, v2;
	_ =	sdelay $0x1  }
0x146: {  	v6 =	vadd.s32 v3, v6;
	_ =	sdelay $0x3  }
0x147: {  	s10 =	simm.s32 $0xF000;
	v5 =	vperm.xlane v5, v4  }
0x148: {  	[tilespmem:s10], [sflag:$0x2] =	stream.indirect_vreg.gather [hbm4b:s1+s15], $0x80, v6, vm0, $0xb8;
	[tilespmem:$0x18200] =	vst v63  }
0x149: {  	s17 =	simm.s32 $0xF800;
	v5 =	vadd.s32 v3, v5  }
0x14a: {  	[tilespmem:s17], [sflag:$0x2] =	stream.indirect_vreg.gather [hbm4b:s25+s15], $0x80, v6, vm0, $0xb8;
	[tilespmem:$0x18200] =	vst v63  }
0x14b: {  	s18 =	simm.s32 $0x10000  }
0x14c: {  	[tilespmem:s18], [sflag:$0x2] =	stream.indirect_vreg.gather [hbm4b:s26+s15], $0x80, v6, vm0, $0xb8;
	[tilespmem:$0x18200] =	vst v63  }
0x14d: {  	s19 =	simm.s32 $0x10800  }
0x14e: {  	[tilespmem:s19], [sflag:$0x2] =	stream.indirect_vreg.gather [hbm4b:s1+s15], $0x80, v5, vm0, $0xb8;
	[tilespmem:$0x18200] =	vst v63  }
0x14f: {  	s20 =	simm.s32 $0x11000  }
0x150: {  	[tilespmem:s20], [sflag:$0x2] =	stream.indirect_vreg.gather [hbm4b:s25+s15], $0x80, v5, vm0, $0xb8;
	[tilespmem:$0x18200] =	vst v63  }
0x151: {  	s24 =	simm.s32 $0x11800  }
0x152: {  	[tilespmem:s24], [sflag:$0x2] =	stream.indirect_vreg.gather [hbm4b:s26+s15], $0x80, v5, vm0, $0xb8;
	[tilespmem:$0x18200] =	vst v63  }
0x153: {  	v5 =	vld [tilespmem:$0x180A0];
	_ =	sdelay $0x4  }
0x154: {  	v6 =	vshrl.u32 v5, $0x3  }
0x155: {  	v6 =	vmul.u32 $0x30, v6  }
0x156: {  	v5 =	vand.u32 $0x7, v5  }
0x157: {  	v5 =	vor.u32 v5, v6  }
0x158: {  	v6 =	vperm.xlane v5, v2;
	_ =	sdelay $0x1  }
0x159: {  	v6 =	vadd.s32 v3, v6;
	_ =	sdelay $0x3  }
0x15a: {  	s10 =	simm.s32 $0x12000;
	v5 =	vperm.xlane v5, v4  }
0x15b: {  	[tilespmem:s10], [sflag:$0x2] =	stream.indirect_vreg.gather [hbm4b:s1+s15], $0x80, v6, vm0, $0xb8;
	[tilespmem:$0x18200] =	vst v63  }
0x15c: {  	s17 =	simm.s32 $0x12800;
	v5 =	vadd.s32 v3, v5  }
0x15d: {  	[tilespmem:s17], [sflag:$0x2] =	stream.indirect_vreg.gather [hbm4b:s25+s15], $0x80, v6, vm0, $0xb8;
	[tilespmem:$0x18200] =	vst v63  }
0x15e: {  	s18 =	simm.s32 $0x13000  }
0x15f: {  	[tilespmem:s18], [sflag:$0x2] =	stream.indirect_vreg.gather [hbm4b:s26+s15], $0x80, v6, vm0, $0xb8;
	[tilespmem:$0x18200] =	vst v63  }
0x160: {  	_ = 	snop  }
0x161: {  	[tilespmem:s11], [sflag:$0x2] =	stream.indirect_vreg.gather [hbm4b:s1+s15], $0x80, v5, vm0, $0xb8;
	[tilespmem:$0x18200] =	vst v63  }
0x162: {  	_ = 	snop  }
0x163: {  	[tilespmem:s28], [sflag:$0x2] =	stream.indirect_vreg.gather [hbm4b:s25+s15], $0x80, v5, vm0, $0xb8;
	[tilespmem:$0x18200] =	vst v63  }
0x164: {  	_ = 	snop  }
0x165: {  	[tilespmem:s31], [sflag:$0x2] =	stream.indirect_vreg.gather [hbm4b:s26+s15], $0x80, v5, vm0, $0xb8;
	[tilespmem:$0x18200] =	vst v63  }
0x166: {  	v5 =	vld.msk [tilespmem:$0x180B0], $0xff;
	_ =	sdelay $0x4  }
0x167: {  	v6 =	vshrl.u32 v5, $0x3  }
0x168: {  	v6 =	vmul.u32 $0x30, v6  }
0x169: {  	v5 =	vand.u32 $0x7, v5  }
0x16a: {  	v5 =	vor.u32 v5, v6  }
0x16b: {  	v5 =	vperm.xlane v5, v2;
	_ =	sdelay $0x1  }
0x16c: {  	v5 =	vadd.s32 v3, v5;
	_ =	sdelay $0x1  }
0x16d: {  	s19 =	smul.u32 $0xAAAB, s15;
	_ =	sdelay $0x1  }
0x16e: {  	s20 =	sshrl.u32 s19, $0x15  }
0x16f: {  	[tilespmem:s2], [sflag:$0x2] =	stream.indirect_vreg.gather [hbm4b:s1+s15], $0x80, v5, vm0, $0xb8;
	[tilespmem:$0x18200] =	vst v63  }
0x170: {  	s9 =	sshrl.u32 s19, $0xE;
	s10 =	smul.u32 $0x30, s20  }
0x171: {  	[tilespmem:s7], [sflag:$0x2] =	stream.indirect_vreg.gather [hbm4b:s25+s15], $0x80, v5, vm0, $0xb8;
	[tilespmem:$0x18200] =	vst v63  }
0x172: {  	s9 =	sand.u32 $0x380, s9;
	s10 =	ssub.s32 $0x0, s10  }
0x173: {  	[tilespmem:s8], [sflag:$0x2] =	stream.indirect_vreg.gather [hbm4b:s26+s15], $0x80, v5, vm0, $0xb8;
	[tilespmem:$0x18200] =	vst v63  }
0x174: {  	s17 =	simm.s32 $0x1;
	s15 =	sshrl.u32 s19, $0x18;
	_ =	swait.ge [sflag:s12], $0xA800  }
0x175: {  	s18 =	sshll.u32 s10, $0x7;
	s15 =	smul.u32 $0x1800, s15;
	[sflag:s12] =	ssyncset.done $0x0  }
0x176: {  	s17 =	smul.u32 $0xAAAB, s17;
	s18 =	sand.u32 $0x1C00, s18;
	[sflag:s12] =	ssyncadd.s32 $0xFFFF5800  }
0x177: {  	s10 =	sshll.u32 s10, $0x4;
	s15 =	sadd.s32 s18, s15;
	_ =	swait.ge [sflag:s13], $0xA800  }
0x178: {  	s10 =	sand.u32 $0x70, s10;
	s9 =	sor.u32 s9, s15;
	[sflag:s13] =	ssyncset.done $0x0  }
0x179: {  	s24 =	sshrl.u32 s17, $0x15;
	s15 =	sor.u32 s10, s9;
	[sflag:s13] =	ssyncadd.s32 $0xFFFF5800  }
0x17a: {  	s18 =	smul.u32 $0x30, s24;
	v5 =	vld [tilespmem:s15+$0xC000]  }
0x17b: {  	v6 =	vld [tilespmem:s15+$0x0]  }
0x17c: {  	s19 =	sshrl.u32 s17, $0x18;
	s9 =	ssub.s32 $0x1, s18  }
0x17d: {  	s10 =	smul.u32 $0x1800, s19;
	s18 =	simm.s32 $0x2;
	s20 =	sshll.u32 s9, $0x7  }
0x17e: {  	s9 =	sshll.u32 s9, $0x4;
	s19 =	sand.u32 $0x1C00, s20;
	s20 =	sshrl.u32 s17, $0xE  }
0x17f: {  	s17 =	smul.u32 $0xAAAB, s18;
	s10 =	sadd.s32 s19, s10;
	s24 =	sand.u32 $0x380, s20  }
0x180: {  	s19 =	simm.s32 $0x3;
	s20 =	sor.u32 s24, s10;
	s24 =	sand.u32 $0x70, s9;
	v5 =	vadd.f32 v5, v6  }
.LBB2_5:
0x181: {  	p1 =	sne.s32 s19, $0xA7F;
	s9 =	sshrl.u32 s17, $0x15;
	s10 =	sor.u32 s24, s20  }
0x182: {  	s9 =	smul.u32 $0x30, s9;
	v6 =	vld [tilespmem:s10+$0xC000];
	[tilespmem:s15+$0x0] =	vst v5;
	s15 =	smov.u32 s10  }
0x183: {  	v5 =	vld [tilespmem:s15+$0x0]  }
.Ltmp2:
0x184: {  	s10 =	sshrl.u32 s17, $0x18;
	s9 =	ssub.s32 s18, s9;
	(pc) =	sbr.rel @p1 .LBB2_5-.Ltmp2, $4  }
0x185: {  	s10 =	smul.u32 $0x1800, s10;
	s18 =	smov.u32 s19;
	s20 =	sshll.u32 s9, $0x7  }
0x186: {  	s24 =	sshrl.u32 s17, $0xE;
	s17 =	smul.u32 $0xAAAB, s19;
	s20 =	sand.u32 $0x1C00, s20  }
0x187: {  	s9 =	sshll.u32 s9, $0x4;
	s10 =	sadd.s32 s20, s10;
	s20 =	sand.u32 $0x380, s24  }
0x188: {  	s19 =	sadd.s32 $0x1, s19;
	s24 =	sand.u32 $0x70, s9;
	s20 =	sor.u32 s20, s10;
	v5 =	vadd.f32 v6, v5  }
0x189: {  	s9 =	sshrl.u32 s17, $0x15;
	s10 =	sor.u32 s24, s20  }
0x18a: {  	s9 =	smul.u32 $0x30, s9;
	v6 =	vld [tilespmem:s10+$0xC000];
	[tilespmem:s15+$0x0] =	vst v5  }
0x18b: {  	v5 =	vld [tilespmem:s10+$0x0]  }
0x18c: {  	s19 =	sshrl.u32 s17, $0x18;
	s9 =	ssub.s32 s18, s9  }
0x18d: {  	s15 =	smul.u32 $0x1800, s19;
	s18 =	sshll.u32 s9, $0x7  }
0x18e: {  	s20 =	sshrl.u32 s17, $0xE;
	s18 =	sand.u32 $0x1C00, s18  }
0x18f: {  	s17 =	sand.u32 $0x380, s20;
	s9 =	sshll.u32 s9, $0x4;
	s15 =	sadd.s32 s18, s15  }
0x190: {  	s9 =	sand.u32 $0x70, s9;
	s15 =	sor.u32 s17, s15;
	v5 =	vadd.f32 v6, v5  }
0x191: {  	s9 =	sor.u32 s9, s15  }
0x192: {  	v6 =	vld [tilespmem:s9+$0xC000];
	[tilespmem:s10+$0x0] =	vst v5  }
0x193: {  	v5 =	vld [tilespmem:s9+$0x0];
	_ =	sdelay $0x4  }
0x194: {  	v5 =	vadd.f32 v6, v5;
	_ =	sdelay $0x1  }
0x195: {  	s24 =	rddreg [dreg:$0x17];
	[tilespmem:s9+$0x0] =	vst v5  }
0x196: {  	[hbm4b:s24+s4] =	stream.linear.scatter [tilespmem:s4], [sflag:$0x3], $0xA800, $0x38;
	[tilespmem:$0x18200] =	vst v63  }
0x197: {  	_ =	swait.ge [sflag:s3], $0xA800  }
0x198: {  	[sflag:s3] =	ssyncset.done $0x0  }
0x199: {  	[sflag:s3] =	ssyncadd.s32 $0xFFFF5800  }
.LBB2_7:
0x19a: {  	s15 =	simm.s32 $0x0;
	s9 =	rddreg [dreg:$0xe];
	s10 =	simm.s32 $0x18100  }
0x19b: {  	[tilespmem:s10], [sflag:$0x3] =	stream.linear.gather [hbm4b:s9+s15], $0x40, $0x38;
	[tilespmem:$0x18200] =	vst v63  }
0x19c: {  	_ =	swait.ge [sflag:s3], $0x40  }
0x19d: {  	[sflag:s3] =	ssyncset.done $0x0  }
0x19e: {  	[sflag:s3] =	ssyncadd.s32 $0xFFFFFFC0  }
0x19f: {  	v5 =	vld [tilespmem:$0x18100];
	_ =	sdelay $0x4  }
0x1a0: {  	v6 =	vadd.s32 v0, v5  }
0x1a1: {  	v7 =	vshrl.u32 v6, $0x3  }
0x1a2: {  	v7 =	vmul.u32 $0x30, v7  }
0x1a3: {  	v8 =	vld [tilespmem:$0x18110];
	v5 =	vand.u32 $0x7, v5  }
0x1a4: {  	v9 =	vld [tilespmem:$0x18120];
	v5 =	vor.u32 v5, v7  }
0x1a5: {  	v7 =	vld [tilespmem:$0x18130];
	v10 =	vperm.xlane v5, v2;
	_ =	sdelay $0x1  }
0x1a6: {  	v10 =	vadd.s32 v3, v10  }
0x1a7: {  	[tilespmem:$0x18180] =	vst v6;
	v6 =	vadd.s32 v0, v8  }
0x1a8: {  	[tilespmem:$0x18190] =	vst v6;
	v6 =	vadd.s32 v0, v9  }
0x1a9: {  	[tilespmem:$0x181A0] =	vst v6;
	v6 =	vadd.s32 v0, v7  }
0x1aa: {  	v5 =	vperm.xlane v5, v4;
	[tilespmem:$0x181B0] =	vst v6  }
0x1ab: {  	[tilespmem:s15], [sflag:$0x1] =	stream.indirect_vreg.gather [hbm4b:s0+s15], $0x80, v10, vm0, $0xb8;
	[tilespmem:$0x18200] =	vst v63  }
0x1ac: {  	s20 =	simm.s32 $0x800;
	v5 =	vadd.s32 v3, v5  }
0x1ad: {  	[tilespmem:s20], [sflag:$0x1] =	stream.indirect_vreg.gather [hbm4b:s29+s15], $0x80, v10, vm0, $0xb8;
	[tilespmem:$0x18200] =	vst v63  }
0x1ae: {  	s24 =	simm.s32 $0x1000  }
0x1af: {  	[tilespmem:s24], [sflag:$0x1] =	stream.indirect_vreg.gather [hbm4b:s30+s15], $0x80, v10, vm0, $0xb8;
	[tilespmem:$0x18200] =	vst v63  }
0x1b0: {  	s10 =	simm.s32 $0x1800  }
0x1b1: {  	[tilespmem:s10], [sflag:$0x1] =	stream.indirect_vreg.gather [hbm4b:s0+s15], $0x80, v5, vm0, $0xb8;
	[tilespmem:$0x18200] =	vst v63  }
0x1b2: {  	s17 =	simm.s32 $0x2000  }
0x1b3: {  	[tilespmem:s17], [sflag:$0x1] =	stream.indirect_vreg.gather [hbm4b:s29+s15], $0x80, v5, vm0, $0xb8;
	[tilespmem:$0x18200] =	vst v63  }
0x1b4: {  	s18 =	simm.s32 $0x2800  }
0x1b5: {  	[tilespmem:s18], [sflag:$0x1] =	stream.indirect_vreg.gather [hbm4b:s30+s15], $0x80, v5, vm0, $0xb8;
	[tilespmem:$0x18200] =	vst v63  }
0x1b6: {  	v5 =	vld [tilespmem:$0x18190];
	_ =	sdelay $0x4  }
0x1b7: {  	v6 =	vshrl.u32 v5, $0x3  }
0x1b8: {  	v6 =	vmul.u32 $0x30, v6  }
0x1b9: {  	v5 =	vand.u32 $0x7, v5  }
0x1ba: {  	v5 =	vor.u32 v5, v6  }
0x1bb: {  	v6 =	vperm.xlane v5, v2;
	_ =	sdelay $0x1  }
0x1bc: {  	v6 =	vadd.s32 v3, v6;
	_ =	sdelay $0x3  }
0x1bd: {  	s19 =	simm.s32 $0x3000;
	v5 =	vperm.xlane v5, v4  }
0x1be: {  	[tilespmem:s19], [sflag:$0x1] =	stream.indirect_vreg.gather [hbm4b:s0+s15], $0x80, v6, vm0, $0xb8;
	[tilespmem:$0x18200] =	vst v63  }
0x1bf: {  	s20 =	simm.s32 $0x3800;
	v5 =	vadd.s32 v3, v5  }
0x1c0: {  	[tilespmem:s20], [sflag:$0x1] =	stream.indirect_vreg.gather [hbm4b:s29+s15], $0x80, v6, vm0, $0xb8;
	[tilespmem:$0x18200] =	vst v63  }
0x1c1: {  	s24 =	simm.s32 $0x4000  }
0x1c2: {  	[tilespmem:s24], [sflag:$0x1] =	stream.indirect_vreg.gather [hbm4b:s30+s15], $0x80, v6, vm0, $0xb8;
	[tilespmem:$0x18200] =	vst v63  }
0x1c3: {  	s10 =	simm.s32 $0x4800  }
0x1c4: {  	[tilespmem:s10], [sflag:$0x1] =	stream.indirect_vreg.gather [hbm4b:s0+s15], $0x80, v5, vm0, $0xb8;
	[tilespmem:$0x18200] =	vst v63  }
0x1c5: {  	s17 =	simm.s32 $0x5000  }
0x1c6: {  	[tilespmem:s17], [sflag:$0x1] =	stream.indirect_vreg.gather [hbm4b:s29+s15], $0x80, v5, vm0, $0xb8;
	[tilespmem:$0x18200] =	vst v63  }
0x1c7: {  	s18 =	simm.s32 $0x5800  }
0x1c8: {  	[tilespmem:s18], [sflag:$0x1] =	stream.indirect_vreg.gather [hbm4b:s30+s15], $0x80, v5, vm0, $0xb8;
	[tilespmem:$0x18200] =	vst v63  }
0x1c9: {  	v5 =	vld [tilespmem:$0x181A0];
	_ =	sdelay $0x4  }
0x1ca: {  	v6 =	vshrl.u32 v5, $0x3  }
0x1cb: {  	v6 =	vmul.u32 $0x30, v6  }
0x1cc: {  	v5 =	vand.u32 $0x7, v5  }
0x1cd: {  	v5 =	vor.u32 v5, v6  }
0x1ce: {  	v6 =	vperm.xlane v5, v2;
	_ =	sdelay $0x1  }
0x1cf: {  	v6 =	vadd.s32 v3, v6;
	_ =	sdelay $0x3  }
0x1d0: {  	s19 =	simm.s32 $0x6000;
	v5 =	vperm.xlane v5, v4  }
0x1d1: {  	[tilespmem:s19], [sflag:$0x1] =	stream.indirect_vreg.gather [hbm4b:s0+s15], $0x80, v6, vm0, $0xb8;
	[tilespmem:$0x18200] =	vst v63  }
0x1d2: {  	s20 =	simm.s32 $0x6800;
	v5 =	vadd.s32 v3, v5  }
0x1d3: {  	[tilespmem:s20], [sflag:$0x1] =	stream.indirect_vreg.gather [hbm4b:s29+s15], $0x80, v6, vm0, $0xb8;
	[tilespmem:$0x18200] =	vst v63  }
0x1d4: {  	s24 =	simm.s32 $0x7000  }
0x1d5: {  	[tilespmem:s24], [sflag:$0x1] =	stream.indirect_vreg.gather [hbm4b:s30+s15], $0x80, v6, vm0, $0xb8;
	[tilespmem:$0x18200] =	vst v63  }
0x1d6: {  	s10 =	simm.s32 $0x7800  }
0x1d7: {  	[tilespmem:s10], [sflag:$0x1] =	stream.indirect_vreg.gather [hbm4b:s0+s15], $0x80, v5, vm0, $0xb8;
	[tilespmem:$0x18200] =	vst v63  }
0x1d8: {  	s17 =	simm.s32 $0x8000  }
0x1d9: {  	[tilespmem:s17], [sflag:$0x1] =	stream.indirect_vreg.gather [hbm4b:s29+s15], $0x80, v5, vm0, $0xb8;
	[tilespmem:$0x18200] =	vst v63  }
0x1da: {  	s18 =	simm.s32 $0x8800  }
0x1db: {  	[tilespmem:s18], [sflag:$0x1] =	stream.indirect_vreg.gather [hbm4b:s30+s15], $0x80, v5, vm0, $0xb8;
	[tilespmem:$0x18200] =	vst v63  }
0x1dc: {  	v5 =	vld [tilespmem:$0x181B0];
	_ =	sdelay $0x4  }
0x1dd: {  	v6 =	vshrl.u32 v5, $0x3  }
0x1de: {  	v6 =	vmul.u32 $0x30, v6  }
0x1df: {  	v5 =	vand.u32 $0x7, v5  }
0x1e0: {  	v5 =	vor.u32 v5, v6  }
0x1e1: {  	v6 =	vperm.xlane v5, v2;
	_ =	sdelay $0x1  }
0x1e2: {  	v6 =	vadd.s32 v3, v6;
	_ =	sdelay $0x3  }
0x1e3: {  	s19 =	simm.s32 $0x9000;
	v5 =	vperm.xlane v5, v4  }
0x1e4: {  	[tilespmem:s19], [sflag:$0x1] =	stream.indirect_vreg.gather [hbm4b:s0+s15], $0x80, v6, vm0, $0xb8;
	[tilespmem:$0x18200] =	vst v63  }
0x1e5: {  	s20 =	simm.s32 $0x9800;
	v5 =	vadd.s32 v3, v5  }
0x1e6: {  	[tilespmem:s20], [sflag:$0x1] =	stream.indirect_vreg.gather [hbm4b:s29+s15], $0x80, v6, vm0, $0xb8;
	[tilespmem:$0x18200] =	vst v63  }
0x1e7: {  	s24 =	simm.s32 $0xA000  }
0x1e8: {  	[tilespmem:s24], [sflag:$0x1] =	stream.indirect_vreg.gather [hbm4b:s30+s15], $0x80, v6, vm0, $0xb8;
	[tilespmem:$0x18200] =	vst v63  }
0x1e9: {  	s10 =	simm.s32 $0xA800  }
0x1ea: {  	[tilespmem:s10], [sflag:$0x1] =	stream.indirect_vreg.gather [hbm4b:s0+s15], $0x80, v5, vm0, $0xb8;
	[tilespmem:$0x18200] =	vst v63  }
0x1eb: {  	s17 =	simm.s32 $0xB000  }
0x1ec: {  	[tilespmem:s17], [sflag:$0x1] =	stream.indirect_vreg.gather [hbm4b:s29+s15], $0x80, v5, vm0, $0xb8;
	[tilespmem:$0x18200] =	vst v63  }
0x1ed: {  	s18 =	simm.s32 $0xB800  }
0x1ee: {  	[tilespmem:s18], [sflag:$0x1] =	stream.indirect_vreg.gather [hbm4b:s30+s15], $0x80, v5, vm0, $0xb8;
	[tilespmem:$0x18200] =	vst v63  }
0x1ef: {  	v5 =	vld [tilespmem:$0x18100];
	_ =	sdelay $0x4  }
0x1f0: {  	v6 =	vshrl.u32 v5, $0x3  }
0x1f1: {  	v6 =	vmul.u32 $0x30, v6  }
0x1f2: {  	v5 =	vand.u32 $0x7, v5  }
0x1f3: {  	v5 =	vor.u32 v5, v6  }
0x1f4: {  	v6 =	vperm.xlane v5, v2;
	_ =	sdelay $0x1  }
0x1f5: {  	v6 =	vadd.s32 v3, v6;
	_ =	sdelay $0x3  }
0x1f6: {  	s19 =	simm.s32 $0xC000;
	v5 =	vperm.xlane v5, v4  }
0x1f7: {  	[tilespmem:s19], [sflag:$0x2] =	stream.indirect_vreg.gather [hbm4b:s6+s15], $0x80, v6, vm0, $0xb8;
	[tilespmem:$0x18200] =	vst v63  }
0x1f8: {  	s20 =	simm.s32 $0xC800;
	v5 =	vadd.s32 v3, v5  }
0x1f9: {  	[tilespmem:s20], [sflag:$0x2] =	stream.indirect_vreg.gather [hbm4b:s22+s15], $0x80, v6, vm0, $0xb8;
	[tilespmem:$0x18200] =	vst v63  }
0x1fa: {  	s24 =	simm.s32 $0xD000  }
0x1fb: {  	[tilespmem:s24], [sflag:$0x2] =	stream.indirect_vreg.gather [hbm4b:s23+s15], $0x80, v6, vm0, $0xb8;
	[tilespmem:$0x18200] =	vst v63  }
0x1fc: {  	s10 =	simm.s32 $0xD800  }
0x1fd: {  	[tilespmem:s10], [sflag:$0x2] =	stream.indirect_vreg.gather [hbm4b:s6+s15], $0x80, v5, vm0, $0xb8;
	[tilespmem:$0x18200] =	vst v63  }
0x1fe: {  	s17 =	simm.s32 $0xE000  }
0x1ff: {  	[tilespmem:s17], [sflag:$0x2] =	stream.indirect_vreg.gather [hbm4b:s22+s15], $0x80, v5, vm0, $0xb8;
	[tilespmem:$0x18200] =	vst v63  }
0x200: {  	s18 =	simm.s32 $0xE800  }
0x201: {  	[tilespmem:s18], [sflag:$0x2] =	stream.indirect_vreg.gather [hbm4b:s23+s15], $0x80, v5, vm0, $0xb8;
	[tilespmem:$0x18200] =	vst v63  }
0x202: {  	v5 =	vld [tilespmem:$0x18110];
	_ =	sdelay $0x4  }
0x203: {  	v6 =	vshrl.u32 v5, $0x3  }
0x204: {  	v6 =	vmul.u32 $0x30, v6  }
0x205: {  	v5 =	vand.u32 $0x7, v5  }
0x206: {  	v5 =	vor.u32 v5, v6  }
0x207: {  	v6 =	vperm.xlane v5, v2;
	_ =	sdelay $0x1  }
0x208: {  	v6 =	vadd.s32 v3, v6;
	_ =	sdelay $0x3  }
0x209: {  	s19 =	simm.s32 $0xF000;
	v5 =	vperm.xlane v5, v4  }
0x20a: {  	[tilespmem:s19], [sflag:$0x2] =	stream.indirect_vreg.gather [hbm4b:s6+s15], $0x80, v6, vm0, $0xb8;
	[tilespmem:$0x18200] =	vst v63  }
0x20b: {  	s20 =	simm.s32 $0xF800;
	v5 =	vadd.s32 v3, v5  }
0x20c: {  	[tilespmem:s20], [sflag:$0x2] =	stream.indirect_vreg.gather [hbm4b:s22+s15], $0x80, v6, vm0, $0xb8;
	[tilespmem:$0x18200] =	vst v63  }
0x20d: {  	s24 =	simm.s32 $0x10000  }
0x20e: {  	[tilespmem:s24], [sflag:$0x2] =	stream.indirect_vreg.gather [hbm4b:s23+s15], $0x80, v6, vm0, $0xb8;
	[tilespmem:$0x18200] =	vst v63  }
0x20f: {  	s10 =	simm.s32 $0x10800  }
0x210: {  	[tilespmem:s10], [sflag:$0x2] =	stream.indirect_vreg.gather [hbm4b:s6+s15], $0x80, v5, vm0, $0xb8;
	[tilespmem:$0x18200] =	vst v63  }
0x211: {  	s17 =	simm.s32 $0x11000  }
0x212: {  	[tilespmem:s17], [sflag:$0x2] =	stream.indirect_vreg.gather [hbm4b:s22+s15], $0x80, v5, vm0, $0xb8;
	[tilespmem:$0x18200] =	vst v63  }
0x213: {  	s18 =	simm.s32 $0x11800  }
0x214: {  	[tilespmem:s18], [sflag:$0x2] =	stream.indirect_vreg.gather [hbm4b:s23+s15], $0x80, v5, vm0, $0xb8;
	[tilespmem:$0x18200] =	vst v63  }
0x215: {  	v5 =	vld [tilespmem:$0x18120];
	_ =	sdelay $0x4  }
0x216: {  	v6 =	vshrl.u32 v5, $0x3  }
0x217: {  	v6 =	vmul.u32 $0x30, v6  }
0x218: {  	v5 =	vand.u32 $0x7, v5  }
0x219: {  	v5 =	vor.u32 v5, v6  }
0x21a: {  	v6 =	vperm.xlane v5, v2;
	_ =	sdelay $0x1  }
0x21b: {  	v6 =	vadd.s32 v3, v6;
	_ =	sdelay $0x3  }
0x21c: {  	s19 =	simm.s32 $0x12000;
	v5 =	vperm.xlane v5, v4  }
0x21d: {  	[tilespmem:s19], [sflag:$0x2] =	stream.indirect_vreg.gather [hbm4b:s6+s15], $0x80, v6, vm0, $0xb8;
	[tilespmem:$0x18200] =	vst v63  }
0x21e: {  	s20 =	simm.s32 $0x12800;
	v5 =	vadd.s32 v3, v5  }
0x21f: {  	[tilespmem:s20], [sflag:$0x2] =	stream.indirect_vreg.gather [hbm4b:s22+s15], $0x80, v6, vm0, $0xb8;
	[tilespmem:$0x18200] =	vst v63  }
0x220: {  	s24 =	simm.s32 $0x13000  }
0x221: {  	[tilespmem:s24], [sflag:$0x2] =	stream.indirect_vreg.gather [hbm4b:s23+s15], $0x80, v6, vm0, $0xb8;
	[tilespmem:$0x18200] =	vst v63  }
0x222: {  	_ = 	snop  }
0x223: {  	[tilespmem:s11], [sflag:$0x2] =	stream.indirect_vreg.gather [hbm4b:s6+s15], $0x80, v5, vm0, $0xb8;
	[tilespmem:$0x18200] =	vst v63  }
0x224: {  	_ = 	snop  }
0x225: {  	[tilespmem:s28], [sflag:$0x2] =	stream.indirect_vreg.gather [hbm4b:s22+s15], $0x80, v5, vm0, $0xb8;
	[tilespmem:$0x18200] =	vst v63  }
0x226: {  	_ = 	snop  }
0x227: {  	[tilespmem:s31], [sflag:$0x2] =	stream.indirect_vreg.gather [hbm4b:s23+s15], $0x80, v5, vm0, $0xb8;
	[tilespmem:$0x18200] =	vst v63  }
0x228: {  	v5 =	vld [tilespmem:$0x18130];
	_ =	sdelay $0x4  }
0x229: {  	v6 =	vshrl.u32 v5, $0x3  }
0x22a: {  	v6 =	vmul.u32 $0x30, v6  }
0x22b: {  	v5 =	vand.u32 $0x7, v5  }
0x22c: {  	v5 =	vor.u32 v5, v6  }
0x22d: {  	v6 =	vperm.xlane v5, v2;
	_ =	sdelay $0x1  }
0x22e: {  	v6 =	vadd.s32 v3, v6;
	_ =	sdelay $0x3  }
0x22f: {  	v5 =	vperm.xlane v5, v4  }
0x230: {  	[tilespmem:s2], [sflag:$0x2] =	stream.indirect_vreg.gather [hbm4b:s6+s15], $0x80, v6, vm0, $0xb8;
	[tilespmem:$0x18200] =	vst v63  }
0x231: {  	v5 =	vadd.s32 v3, v5  }
0x232: {  	[tilespmem:s7], [sflag:$0x2] =	stream.indirect_vreg.gather [hbm4b:s22+s15], $0x80, v6, vm0, $0xb8;
	[tilespmem:$0x18200] =	vst v63  }
0x233: {  	s19 =	smul.u32 $0xAAAB, s15  }
0x234: {  	[tilespmem:s8], [sflag:$0x2] =	stream.indirect_vreg.gather [hbm4b:s23+s15], $0x80, v6, vm0, $0xb8;
	[tilespmem:$0x18200] =	vst v63  }
0x235: {  	s10 =	simm.s32 $0x16800;
	s20 =	sshrl.u32 s19, $0x15  }
0x236: {  	[tilespmem:s10], [sflag:$0x2] =	stream.indirect_vreg.gather [hbm4b:s6+s15], $0x80, v5, vm0, $0xb8;
	[tilespmem:$0x18200] =	vst v63  }
0x237: {  	s17 =	simm.s32 $0x17000;
	s9 =	sshrl.u32 s19, $0xE;
	s10 =	smul.u32 $0x30, s20  }
0x238: {  	[tilespmem:s17], [sflag:$0x2] =	stream.indirect_vreg.gather [hbm4b:s22+s15], $0x80, v5, vm0, $0xb8;
	[tilespmem:$0x18200] =	vst v63  }
0x239: {  	s18 =	simm.s32 $0x17800;
	s9 =	sand.u32 $0x380, s9;
	s10 =	ssub.s32 $0x0, s10  }
0x23a: {  	[tilespmem:s18], [sflag:$0x2] =	stream.indirect_vreg.gather [hbm4b:s23+s15], $0x80, v5, vm0, $0xb8;
	[tilespmem:$0x18200] =	vst v63  }
0x23b: {  	s17 =	simm.s32 $0x1;
	s15 =	sshrl.u32 s19, $0x18;
	_ =	swait.ge [sflag:s12], $0xC000  }
0x23c: {  	s18 =	sshll.u32 s10, $0x7;
	s15 =	smul.u32 $0x1800, s15;
	[sflag:s12] =	ssyncset.done $0x0  }
0x23d: {  	s17 =	smul.u32 $0xAAAB, s17;
	s18 =	sand.u32 $0x1C00, s18;
	[sflag:s12] =	ssyncadd.s32 $0xFFFF4000  }
0x23e: {  	s10 =	sshll.u32 s10, $0x4;
	s15 =	sadd.s32 s18, s15;
	_ =	swait.ge [sflag:s13], $0xC000  }
0x23f: {  	s10 =	sand.u32 $0x70, s10;
	s9 =	sor.u32 s9, s15;
	[sflag:s13] =	ssyncset.done $0x0  }
0x240: {  	s24 =	sshrl.u32 s17, $0x15;
	s15 =	sor.u32 s10, s9;
	[sflag:s13] =	ssyncadd.s32 $0xFFFF4000  }
0x241: {  	s18 =	smul.u32 $0x30, s24;
	v5 =	vld [tilespmem:s15+$0xC000]  }
0x242: {  	v6 =	vld [tilespmem:s15+$0x0]  }
0x243: {  	s19 =	sshrl.u32 s17, $0x18;
	s9 =	ssub.s32 $0x1, s18  }
0x244: {  	s10 =	smul.u32 $0x1800, s19;
	s18 =	simm.s32 $0x2;
	s20 =	sshll.u32 s9, $0x7  }
0x245: {  	s9 =	sshll.u32 s9, $0x4;
	s19 =	sand.u32 $0x1C00, s20;
	s20 =	sshrl.u32 s17, $0xE  }
0x246: {  	s17 =	smul.u32 $0xAAAB, s18;
	s10 =	sadd.s32 s19, s10;
	s24 =	sand.u32 $0x380, s20  }
0x247: {  	s19 =	simm.s32 $0x3;
	s20 =	sor.u32 s24, s10;
	s24 =	sand.u32 $0x70, s9;
	v5 =	vadd.f32 v5, v6  }
.LBB2_8:
0x248: {  	p1 =	sne.s32 s19, $0xBFF;
	s9 =	sshrl.u32 s17, $0x15;
	s10 =	sor.u32 s24, s20  }
0x249: {  	s9 =	smul.u32 $0x30, s9;
	v6 =	vld [tilespmem:s10+$0xC000];
	[tilespmem:s15+$0x0] =	vst v5;
	s15 =	smov.u32 s10  }
0x24a: {  	v5 =	vld [tilespmem:s15+$0x0]  }
.Ltmp3:
0x24b: {  	s10 =	sshrl.u32 s17, $0x18;
	s9 =	ssub.s32 s18, s9;
	(pc) =	sbr.rel @p1 .LBB2_8-.Ltmp3, $4  }
0x24c: {  	s10 =	smul.u32 $0x1800, s10;
	s18 =	smov.u32 s19;
	s20 =	sshll.u32 s9, $0x7  }
0x24d: {  	s24 =	sshrl.u32 s17, $0xE;
	s17 =	smul.u32 $0xAAAB, s19;
	s20 =	sand.u32 $0x1C00, s20  }
0x24e: {  	s9 =	sshll.u32 s9, $0x4;
	s10 =	sadd.s32 s20, s10;
	s20 =	sand.u32 $0x380, s24  }
0x24f: {  	s19 =	sadd.s32 $0x1, s19;
	s24 =	sand.u32 $0x70, s9;
	s20 =	sor.u32 s20, s10;
	v5 =	vadd.f32 v6, v5  }
0x250: {  	s9 =	sshrl.u32 s17, $0x15;
	s10 =	sor.u32 s24, s20  }
0x251: {  	s9 =	smul.u32 $0x30, s9;
	v6 =	vld [tilespmem:s10+$0xC000];
	[tilespmem:s15+$0x0] =	vst v5  }
0x252: {  	v5 =	vld [tilespmem:s10+$0x0]  }
0x253: {  	s20 =	sshrl.u32 s17, $0x18;
	s9 =	ssub.s32 s18, s9  }
0x254: {  	s15 =	smul.u32 $0x1800, s20;
	s18 =	sshll.u32 s9, $0x7  }
0x255: {  	s24 =	sshrl.u32 s17, $0xE;
	s18 =	sand.u32 $0x1C00, s18  }
0x256: {  	s17 =	sand.u32 $0x380, s24;
	s9 =	sshll.u32 s9, $0x4;
	s15 =	sadd.s32 s18, s15  }
0x257: {  	s9 =	sand.u32 $0x70, s9;
	s15 =	sor.u32 s17, s15;
	v5 =	vadd.f32 v6, v5  }
0x258: {  	s9 =	sor.u32 s9, s15  }
0x259: {  	v6 =	vld [tilespmem:s9+$0xC000];
	[tilespmem:s10+$0x0] =	vst v5  }
0x25a: {  	v5 =	vld [tilespmem:s9+$0x0];
	_ =	sdelay $0x4  }
0x25b: {  	v5 =	vadd.f32 v6, v5;
	_ =	sdelay $0x1  }
0x25c: {  	s19 =	rddreg [dreg:$0x12];
	s15 =	simm.s32 $0x0;
	[tilespmem:s9+$0x0] =	vst v5  }
0x25d: {  	[hbm4b:s19+s15] =	stream.linear.scatter [tilespmem:s15], [sflag:$0x3], $0xC000, $0x38;
	[tilespmem:$0x18200] =	vst v63  }
0x25e: {  	_ =	swait.ge [sflag:s3], $0xC000  }
0x25f: {  	[sflag:s3] =	ssyncset.done $0x0  }
0x260: {  	s24 =	simm.s32 $0x18100;
	s20 =	rddreg [dreg:$0xf];
	[sflag:s3] =	ssyncadd.s32 $0xFFFF4000  }
0x261: {  	[tilespmem:s24], [sflag:$0x3] =	stream.linear.gather [hbm4b:s20+s15], $0x40, $0x38;
	[tilespmem:$0x18200] =	vst v63  }
0x262: {  	_ =	swait.ge [sflag:s3], $0x40  }
0x263: {  	[sflag:s3] =	ssyncset.done $0x0  }
0x264: {  	[sflag:s3] =	ssyncadd.s32 $0xFFFFFFC0  }
0x265: {  	v5 =	vld [tilespmem:$0x18100];
	_ =	sdelay $0x4  }
0x266: {  	v6 =	vadd.s32 v0, v5  }
0x267: {  	v7 =	vshrl.u32 v6, $0x3  }
0x268: {  	v7 =	vmul.u32 $0x30, v7  }
0x269: {  	v8 =	vld [tilespmem:$0x18110];
	v5 =	vand.u32 $0x7, v5  }
0x26a: {  	v9 =	vld [tilespmem:$0x18120];
	v5 =	vor.u32 v5, v7  }
0x26b: {  	v7 =	vld [tilespmem:$0x18130];
	v10 =	vperm.xlane v5, v2;
	_ =	sdelay $0x1  }
0x26c: {  	v10 =	vadd.s32 v3, v10  }
0x26d: {  	[tilespmem:$0x18180] =	vst v6;
	v6 =	vadd.s32 v0, v8  }
0x26e: {  	[tilespmem:$0x18190] =	vst v6;
	v6 =	vadd.s32 v0, v9  }
0x26f: {  	[tilespmem:$0x181A0] =	vst v6;
	v6 =	vadd.s32 v0, v7  }
0x270: {  	v5 =	vperm.xlane v5, v4;
	[tilespmem:$0x181B0] =	vst v6  }
0x271: {  	[tilespmem:s15], [sflag:$0x1] =	stream.indirect_vreg.gather [hbm4b:s0+s15], $0x80, v10, vm0, $0xb8;
	[tilespmem:$0x18200] =	vst v63  }
0x272: {  	s10 =	simm.s32 $0x800;
	v5 =	vadd.s32 v3, v5  }
0x273: {  	[tilespmem:s10], [sflag:$0x1] =	stream.indirect_vreg.gather [hbm4b:s29+s15], $0x80, v10, vm0, $0xb8;
	[tilespmem:$0x18200] =	vst v63  }
0x274: {  	s17 =	simm.s32 $0x1000  }
0x275: {  	[tilespmem:s17], [sflag:$0x1] =	stream.indirect_vreg.gather [hbm4b:s30+s15], $0x80, v10, vm0, $0xb8;
	[tilespmem:$0x18200] =	vst v63  }
0x276: {  	s18 =	simm.s32 $0x1800  }
0x277: {  	[tilespmem:s18], [sflag:$0x1] =	stream.indirect_vreg.gather [hbm4b:s0+s15], $0x80, v5, vm0, $0xb8;
	[tilespmem:$0x18200] =	vst v63  }
0x278: {  	s19 =	simm.s32 $0x2000  }
0x279: {  	[tilespmem:s19], [sflag:$0x1] =	stream.indirect_vreg.gather [hbm4b:s29+s15], $0x80, v5, vm0, $0xb8;
	[tilespmem:$0x18200] =	vst v63  }
0x27a: {  	s20 =	simm.s32 $0x2800  }
0x27b: {  	[tilespmem:s20], [sflag:$0x1] =	stream.indirect_vreg.gather [hbm4b:s30+s15], $0x80, v5, vm0, $0xb8;
	[tilespmem:$0x18200] =	vst v63  }
0x27c: {  	v5 =	vld [tilespmem:$0x18190];
	_ =	sdelay $0x4  }
0x27d: {  	v6 =	vshrl.u32 v5, $0x3  }
0x27e: {  	v6 =	vmul.u32 $0x30, v6  }
0x27f: {  	v5 =	vand.u32 $0x7, v5  }
0x280: {  	v5 =	vor.u32 v5, v6  }
0x281: {  	v6 =	vperm.xlane v5, v2;
	_ =	sdelay $0x1  }
0x282: {  	v6 =	vadd.s32 v3, v6;
	_ =	sdelay $0x3  }
0x283: {  	s24 =	simm.s32 $0x3000;
	v5 =	vperm.xlane v5, v4  }
0x284: {  	[tilespmem:s24], [sflag:$0x1] =	stream.indirect_vreg.gather [hbm4b:s0+s15], $0x80, v6, vm0, $0xb8;
	[tilespmem:$0x18200] =	vst v63  }
0x285: {  	s10 =	simm.s32 $0x3800;
	v5 =	vadd.s32 v3, v5  }
0x286: {  	[tilespmem:s10], [sflag:$0x1] =	stream.indirect_vreg.gather [hbm4b:s29+s15], $0x80, v6, vm0, $0xb8;
	[tilespmem:$0x18200] =	vst v63  }
0x287: {  	s17 =	simm.s32 $0x4000  }
0x288: {  	[tilespmem:s17], [sflag:$0x1] =	stream.indirect_vreg.gather [hbm4b:s30+s15], $0x80, v6, vm0, $0xb8;
	[tilespmem:$0x18200] =	vst v63  }
0x289: {  	s18 =	simm.s32 $0x4800  }
0x28a: {  	[tilespmem:s18], [sflag:$0x1] =	stream.indirect_vreg.gather [hbm4b:s0+s15], $0x80, v5, vm0, $0xb8;
	[tilespmem:$0x18200] =	vst v63  }
0x28b: {  	s19 =	simm.s32 $0x5000  }
0x28c: {  	[tilespmem:s19], [sflag:$0x1] =	stream.indirect_vreg.gather [hbm4b:s29+s15], $0x80, v5, vm0, $0xb8;
	[tilespmem:$0x18200] =	vst v63  }
0x28d: {  	s20 =	simm.s32 $0x5800  }
0x28e: {  	[tilespmem:s20], [sflag:$0x1] =	stream.indirect_vreg.gather [hbm4b:s30+s15], $0x80, v5, vm0, $0xb8;
	[tilespmem:$0x18200] =	vst v63  }
0x28f: {  	v5 =	vld [tilespmem:$0x181A0];
	_ =	sdelay $0x4  }
0x290: {  	v6 =	vshrl.u32 v5, $0x3  }
0x291: {  	v6 =	vmul.u32 $0x30, v6  }
0x292: {  	v5 =	vand.u32 $0x7, v5  }
0x293: {  	v5 =	vor.u32 v5, v6  }
0x294: {  	v6 =	vperm.xlane v5, v2;
	_ =	sdelay $0x1  }
0x295: {  	v6 =	vadd.s32 v3, v6;
	_ =	sdelay $0x3  }
0x296: {  	s24 =	simm.s32 $0x6000;
	v5 =	vperm.xlane v5, v4  }
0x297: {  	[tilespmem:s24], [sflag:$0x1] =	stream.indirect_vreg.gather [hbm4b:s0+s15], $0x80, v6, vm0, $0xb8;
	[tilespmem:$0x18200] =	vst v63  }
0x298: {  	s10 =	simm.s32 $0x6800;
	v5 =	vadd.s32 v3, v5  }
0x299: {  	[tilespmem:s10], [sflag:$0x1] =	stream.indirect_vreg.gather [hbm4b:s29+s15], $0x80, v6, vm0, $0xb8;
	[tilespmem:$0x18200] =	vst v63  }
0x29a: {  	s17 =	simm.s32 $0x7000  }
0x29b: {  	[tilespmem:s17], [sflag:$0x1] =	stream.indirect_vreg.gather [hbm4b:s30+s15], $0x80, v6, vm0, $0xb8;
	[tilespmem:$0x18200] =	vst v63  }
0x29c: {  	s18 =	simm.s32 $0x7800  }
0x29d: {  	[tilespmem:s18], [sflag:$0x1] =	stream.indirect_vreg.gather [hbm4b:s0+s15], $0x80, v5, vm0, $0xb8;
	[tilespmem:$0x18200] =	vst v63  }
0x29e: {  	s19 =	simm.s32 $0x8000  }
0x29f: {  	[tilespmem:s19], [sflag:$0x1] =	stream.indirect_vreg.gather [hbm4b:s29+s15], $0x80, v5, vm0, $0xb8;
	[tilespmem:$0x18200] =	vst v63  }
0x2a0: {  	s20 =	simm.s32 $0x8800  }
0x2a1: {  	[tilespmem:s20], [sflag:$0x1] =	stream.indirect_vreg.gather [hbm4b:s30+s15], $0x80, v5, vm0, $0xb8;
	[tilespmem:$0x18200] =	vst v63  }
0x2a2: {  	v5 =	vld [tilespmem:$0x181B0];
	_ =	sdelay $0x4  }
0x2a3: {  	v6 =	vshrl.u32 v5, $0x3  }
0x2a4: {  	v6 =	vmul.u32 $0x30, v6  }
0x2a5: {  	v5 =	vand.u32 $0x7, v5  }
0x2a6: {  	v5 =	vor.u32 v5, v6  }
0x2a7: {  	v6 =	vperm.xlane v5, v2;
	_ =	sdelay $0x1  }
0x2a8: {  	v6 =	vadd.s32 v3, v6;
	_ =	sdelay $0x3  }
0x2a9: {  	s24 =	simm.s32 $0x9000;
	v5 =	vperm.xlane v5, v4  }
0x2aa: {  	[tilespmem:s24], [sflag:$0x1] =	stream.indirect_vreg.gather [hbm4b:s0+s15], $0x80, v6, vm0, $0xb8;
	[tilespmem:$0x18200] =	vst v63  }
0x2ab: {  	s10 =	simm.s32 $0x9800;
	v5 =	vadd.s32 v3, v5  }
0x2ac: {  	[tilespmem:s10], [sflag:$0x1] =	stream.indirect_vreg.gather [hbm4b:s29+s15], $0x80, v6, vm0, $0xb8;
	[tilespmem:$0x18200] =	vst v63  }
0x2ad: {  	s17 =	simm.s32 $0xA000  }
0x2ae: {  	[tilespmem:s17], [sflag:$0x1] =	stream.indirect_vreg.gather [hbm4b:s30+s15], $0x80, v6, vm0, $0xb8;
	[tilespmem:$0x18200] =	vst v63  }
0x2af: {  	s18 =	simm.s32 $0xA800  }
0x2b0: {  	[tilespmem:s18], [sflag:$0x1] =	stream.indirect_vreg.gather [hbm4b:s0+s15], $0x80, v5, vm0, $0xb8;
	[tilespmem:$0x18200] =	vst v63  }
0x2b1: {  	s19 =	simm.s32 $0xB000  }
0x2b2: {  	[tilespmem:s19], [sflag:$0x1] =	stream.indirect_vreg.gather [hbm4b:s29+s15], $0x80, v5, vm0, $0xb8;
	[tilespmem:$0x18200] =	vst v63  }
0x2b3: {  	s20 =	simm.s32 $0xB800  }
0x2b4: {  	[tilespmem:s20], [sflag:$0x1] =	stream.indirect_vreg.gather [hbm4b:s30+s15], $0x80, v5, vm0, $0xb8;
	[tilespmem:$0x18200] =	vst v63  }
0x2b5: {  	v5 =	vld [tilespmem:$0x18100];
	_ =	sdelay $0x4  }
0x2b6: {  	v6 =	vshrl.u32 v5, $0x3  }
0x2b7: {  	v6 =	vmul.u32 $0x30, v6  }
0x2b8: {  	v5 =	vand.u32 $0x7, v5  }
0x2b9: {  	v5 =	vor.u32 v5, v6  }
0x2ba: {  	v6 =	vperm.xlane v5, v2;
	_ =	sdelay $0x1  }
0x2bb: {  	v6 =	vadd.s32 v3, v6;
	_ =	sdelay $0x3  }
0x2bc: {  	s24 =	simm.s32 $0xC000;
	v5 =	vperm.xlane v5, v4  }
0x2bd: {  	[tilespmem:s24], [sflag:$0x2] =	stream.indirect_vreg.gather [hbm4b:s6+s15], $0x80, v6, vm0, $0xb8;
	[tilespmem:$0x18200] =	vst v63  }
0x2be: {  	s10 =	simm.s32 $0xC800;
	v5 =	vadd.s32 v3, v5  }
0x2bf: {  	[tilespmem:s10], [sflag:$0x2] =	stream.indirect_vreg.gather [hbm4b:s22+s15], $0x80, v6, vm0, $0xb8;
	[tilespmem:$0x18200] =	vst v63  }
0x2c0: {  	s17 =	simm.s32 $0xD000  }
0x2c1: {  	[tilespmem:s17], [sflag:$0x2] =	stream.indirect_vreg.gather [hbm4b:s23+s15], $0x80, v6, vm0, $0xb8;
	[tilespmem:$0x18200] =	vst v63  }
0x2c2: {  	s18 =	simm.s32 $0xD800  }
0x2c3: {  	[tilespmem:s18], [sflag:$0x2] =	stream.indirect_vreg.gather [hbm4b:s6+s15], $0x80, v5, vm0, $0xb8;
	[tilespmem:$0x18200] =	vst v63  }
0x2c4: {  	s19 =	simm.s32 $0xE000  }
0x2c5: {  	[tilespmem:s19], [sflag:$0x2] =	stream.indirect_vreg.gather [hbm4b:s22+s15], $0x80, v5, vm0, $0xb8;
	[tilespmem:$0x18200] =	vst v63  }
0x2c6: {  	s20 =	simm.s32 $0xE800  }
0x2c7: {  	[tilespmem:s20], [sflag:$0x2] =	stream.indirect_vreg.gather [hbm4b:s23+s15], $0x80, v5, vm0, $0xb8;
	[tilespmem:$0x18200] =	vst v63  }
0x2c8: {  	v5 =	vld [tilespmem:$0x18110];
	_ =	sdelay $0x4  }
0x2c9: {  	v6 =	vshrl.u32 v5, $0x3  }
0x2ca: {  	v6 =	vmul.u32 $0x30, v6  }
0x2cb: {  	v5 =	vand.u32 $0x7, v5  }
0x2cc: {  	v5 =	vor.u32 v5, v6  }
0x2cd: {  	v6 =	vperm.xlane v5, v2;
	_ =	sdelay $0x1  }
0x2ce: {  	v6 =	vadd.s32 v3, v6;
	_ =	sdelay $0x3  }
0x2cf: {  	s24 =	simm.s32 $0xF000;
	v5 =	vperm.xlane v5, v4  }
0x2d0: {  	[tilespmem:s24], [sflag:$0x2] =	stream.indirect_vreg.gather [hbm4b:s6+s15], $0x80, v6, vm0, $0xb8;
	[tilespmem:$0x18200] =	vst v63  }
0x2d1: {  	s10 =	simm.s32 $0xF800;
	v5 =	vadd.s32 v3, v5  }
0x2d2: {  	[tilespmem:s10], [sflag:$0x2] =	stream.indirect_vreg.gather [hbm4b:s22+s15], $0x80, v6, vm0, $0xb8;
	[tilespmem:$0x18200] =	vst v63  }
0x2d3: {  	s17 =	simm.s32 $0x10000  }
0x2d4: {  	[tilespmem:s17], [sflag:$0x2] =	stream.indirect_vreg.gather [hbm4b:s23+s15], $0x80, v6, vm0, $0xb8;
	[tilespmem:$0x18200] =	vst v63  }
0x2d5: {  	s18 =	simm.s32 $0x10800  }
0x2d6: {  	[tilespmem:s18], [sflag:$0x2] =	stream.indirect_vreg.gather [hbm4b:s6+s15], $0x80, v5, vm0, $0xb8;
	[tilespmem:$0x18200] =	vst v63  }
0x2d7: {  	s19 =	simm.s32 $0x11000  }
0x2d8: {  	[tilespmem:s19], [sflag:$0x2] =	stream.indirect_vreg.gather [hbm4b:s22+s15], $0x80, v5, vm0, $0xb8;
	[tilespmem:$0x18200] =	vst v63  }
0x2d9: {  	s20 =	simm.s32 $0x11800  }
0x2da: {  	[tilespmem:s20], [sflag:$0x2] =	stream.indirect_vreg.gather [hbm4b:s23+s15], $0x80, v5, vm0, $0xb8;
	[tilespmem:$0x18200] =	vst v63  }
0x2db: {  	v5 =	vld [tilespmem:$0x18120];
	_ =	sdelay $0x4  }
0x2dc: {  	v6 =	vshrl.u32 v5, $0x3  }
0x2dd: {  	v6 =	vmul.u32 $0x30, v6  }
0x2de: {  	v5 =	vand.u32 $0x7, v5  }
0x2df: {  	v5 =	vor.u32 v5, v6  }
0x2e0: {  	v6 =	vperm.xlane v5, v2;
	_ =	sdelay $0x1  }
0x2e1: {  	v6 =	vadd.s32 v3, v6;
	_ =	sdelay $0x3  }
0x2e2: {  	s24 =	simm.s32 $0x12000;
	v5 =	vperm.xlane v5, v4  }
0x2e3: {  	[tilespmem:s24], [sflag:$0x2] =	stream.indirect_vreg.gather [hbm4b:s6+s15], $0x80, v6, vm0, $0xb8;
	[tilespmem:$0x18200] =	vst v63  }
0x2e4: {  	s10 =	simm.s32 $0x12800;
	v5 =	vadd.s32 v3, v5  }
0x2e5: {  	[tilespmem:s10], [sflag:$0x2] =	stream.indirect_vreg.gather [hbm4b:s22+s15], $0x80, v6, vm0, $0xb8;
	[tilespmem:$0x18200] =	vst v63  }
0x2e6: {  	s17 =	simm.s32 $0x13000  }
0x2e7: {  	[tilespmem:s17], [sflag:$0x2] =	stream.indirect_vreg.gather [hbm4b:s23+s15], $0x80, v6, vm0, $0xb8;
	[tilespmem:$0x18200] =	vst v63  }
0x2e8: {  	_ = 	snop  }
0x2e9: {  	[tilespmem:s11], [sflag:$0x2] =	stream.indirect_vreg.gather [hbm4b:s6+s15], $0x80, v5, vm0, $0xb8;
	[tilespmem:$0x18200] =	vst v63  }
0x2ea: {  	_ = 	snop  }
0x2eb: {  	[tilespmem:s28], [sflag:$0x2] =	stream.indirect_vreg.gather [hbm4b:s22+s15], $0x80, v5, vm0, $0xb8;
	[tilespmem:$0x18200] =	vst v63  }
0x2ec: {  	_ = 	snop  }
0x2ed: {  	[tilespmem:s31], [sflag:$0x2] =	stream.indirect_vreg.gather [hbm4b:s23+s15], $0x80, v5, vm0, $0xb8;
	[tilespmem:$0x18200] =	vst v63  }
0x2ee: {  	v5 =	vld [tilespmem:$0x18130];
	_ =	sdelay $0x4  }
0x2ef: {  	v6 =	vshrl.u32 v5, $0x3  }
0x2f0: {  	v6 =	vmul.u32 $0x30, v6  }
0x2f1: {  	v5 =	vand.u32 $0x7, v5  }
0x2f2: {  	v5 =	vor.u32 v5, v6  }
0x2f3: {  	v6 =	vperm.xlane v5, v2;
	_ =	sdelay $0x1  }
0x2f4: {  	v6 =	vadd.s32 v3, v6;
	_ =	sdelay $0x3  }
0x2f5: {  	v5 =	vperm.xlane v5, v4  }
0x2f6: {  	[tilespmem:s2], [sflag:$0x2] =	stream.indirect_vreg.gather [hbm4b:s6+s15], $0x80, v6, vm0, $0xb8;
	[tilespmem:$0x18200] =	vst v63  }
0x2f7: {  	v5 =	vadd.s32 v3, v5  }
0x2f8: {  	[tilespmem:s7], [sflag:$0x2] =	stream.indirect_vreg.gather [hbm4b:s22+s15], $0x80, v6, vm0, $0xb8;
	[tilespmem:$0x18200] =	vst v63  }
0x2f9: {  	_ = 	snop  }
0x2fa: {  	[tilespmem:s8], [sflag:$0x2] =	stream.indirect_vreg.gather [hbm4b:s23+s15], $0x80, v6, vm0, $0xb8;
	[tilespmem:$0x18200] =	vst v63  }
0x2fb: {  	s18 =	simm.s32 $0x16800;
	s19 =	simm.s32 $0x17000;
	s24 =	smul.u32 $0xAAAB, s15  }
0x2fc: {  	[tilespmem:s18], [sflag:$0x2] =	stream.indirect_vreg.gather [hbm4b:s6+s15], $0x80, v5, vm0, $0xb8;
	[tilespmem:$0x18200] =	vst v63  }
0x2fd: {  	s20 =	simm.s32 $0x17800;
	s9 =	sshrl.u32 s24, $0xE;
	s18 =	sshrl.u32 s24, $0x15  }
0x2fe: {  	[tilespmem:s19], [sflag:$0x2] =	stream.indirect_vreg.gather [hbm4b:s22+s15], $0x80, v5, vm0, $0xb8;
	[tilespmem:$0x18200] =	vst v63  }
0x2ff: {  	s9 =	sand.u32 $0x380, s9;
	s10 =	smul.u32 $0x30, s18;
	s19 =	simm.s32 $0x1  }
0x300: {  	[tilespmem:s20], [sflag:$0x2] =	stream.indirect_vreg.gather [hbm4b:s23+s15], $0x80, v5, vm0, $0xb8;
	[tilespmem:$0x18200] =	vst v63  }
0x301: {  	s10 =	ssub.s32 $0x0, s10;
	s15 =	sshrl.u32 s24, $0x18;
	_ =	swait.ge [sflag:s12], $0xC000  }
0x302: {  	s20 =	sshll.u32 s10, $0x7;
	s15 =	smul.u32 $0x1800, s15;
	[sflag:s12] =	ssyncset.done $0x0  }
0x303: {  	s17 =	smul.u32 $0xAAAB, s19;
	s18 =	sand.u32 $0x1C00, s20;
	[sflag:s12] =	ssyncadd.s32 $0xFFFF4000  }
0x304: {  	s10 =	sshll.u32 s10, $0x4;
	s15 =	sadd.s32 s18, s15;
	_ =	swait.ge [sflag:s13], $0xC000  }
0x305: {  	s10 =	sand.u32 $0x70, s10;
	s9 =	sor.u32 s9, s15;
	[sflag:s13] =	ssyncset.done $0x0  }
0x306: {  	s24 =	sshrl.u32 s17, $0x15;
	s15 =	sor.u32 s10, s9;
	[sflag:s13] =	ssyncadd.s32 $0xFFFF4000  }
0x307: {  	s18 =	smul.u32 $0x30, s24;
	v5 =	vld [tilespmem:s15+$0xC000]  }
0x308: {  	v6 =	vld [tilespmem:s15+$0x0]  }
0x309: {  	s19 =	sshrl.u32 s17, $0x18;
	s9 =	ssub.s32 $0x1, s18  }
0x30a: {  	s24 =	sshrl.u32 s17, $0xE;
	s10 =	smul.u32 $0x1800, s19;
	s20 =	sshll.u32 s9, $0x7  }
0x30b: {  	s24 =	sand.u32 $0x380, s24;
	s18 =	simm.s32 $0x2;
	s19 =	sand.u32 $0x1C00, s20  }
0x30c: {  	s17 =	smul.u32 $0xAAAB, s18;
	s9 =	sshll.u32 s9, $0x4;
	s10 =	sadd.s32 s19, s10  }
0x30d: {  	s19 =	simm.s32 $0x3;
	s20 =	sor.u32 s24, s10;
	s24 =	sand.u32 $0x70, s9;
	v5 =	vadd.f32 v5, v6  }
.LBB2_10:
0x30e: {  	p1 =	sne.s32 s19, $0xBFF;
	s9 =	sshrl.u32 s17, $0x15;
	s10 =	sor.u32 s24, s20  }
0x30f: {  	s9 =	smul.u32 $0x30, s9;
	v6 =	vld [tilespmem:s10+$0xC000];
	[tilespmem:s15+$0x0] =	vst v5;
	s15 =	smov.u32 s10  }
0x310: {  	v5 =	vld [tilespmem:s15+$0x0]  }
.Ltmp4:
0x311: {  	s10 =	sshrl.u32 s17, $0x18;
	s9 =	ssub.s32 s18, s9;
	(pc) =	sbr.rel @p1 .LBB2_10-.Ltmp4, $4  }
0x312: {  	s10 =	smul.u32 $0x1800, s10;
	s18 =	smov.u32 s19;
	s20 =	sshll.u32 s9, $0x7  }
0x313: {  	s24 =	sshrl.u32 s17, $0xE;
	s17 =	smul.u32 $0xAAAB, s19;
	s20 =	sand.u32 $0x1C00, s20  }
0x314: {  	s9 =	sshll.u32 s9, $0x4;
	s10 =	sadd.s32 s20, s10;
	s20 =	sand.u32 $0x380, s24  }
0x315: {  	s19 =	sadd.s32 $0x1, s19;
	s24 =	sand.u32 $0x70, s9;
	s20 =	sor.u32 s20, s10;
	v5 =	vadd.f32 v6, v5  }
0x316: {  	s9 =	sshrl.u32 s17, $0x15;
	s10 =	sor.u32 s24, s20  }
0x317: {  	s9 =	smul.u32 $0x30, s9;
	v6 =	vld [tilespmem:s10+$0xC000];
	[tilespmem:s15+$0x0] =	vst v5  }
0x318: {  	v5 =	vld [tilespmem:s10+$0x0]  }
0x319: {  	s20 =	sshrl.u32 s17, $0x18;
	s9 =	ssub.s32 s18, s9  }
0x31a: {  	s15 =	smul.u32 $0x1800, s20;
	s18 =	sshll.u32 s9, $0x7  }
0x31b: {  	s24 =	sshrl.u32 s17, $0xE;
	s18 =	sand.u32 $0x1C00, s18  }
0x31c: {  	s17 =	sand.u32 $0x380, s24;
	s9 =	sshll.u32 s9, $0x4;
	s15 =	sadd.s32 s18, s15  }
0x31d: {  	s9 =	sand.u32 $0x70, s9;
	s15 =	sor.u32 s17, s15;
	v5 =	vadd.f32 v6, v5  }
0x31e: {  	s9 =	sor.u32 s9, s15  }
0x31f: {  	v6 =	vld [tilespmem:s9+$0xC000];
	[tilespmem:s10+$0x0] =	vst v5  }
0x320: {  	v5 =	vld [tilespmem:s9+$0x0];
	_ =	sdelay $0x4  }
0x321: {  	v5 =	vadd.f32 v6, v5;
	_ =	sdelay $0x1  }
0x322: {  	s19 =	rddreg [dreg:$0x13];
	s15 =	simm.s32 $0x0;
	[tilespmem:s9+$0x0] =	vst v5  }
0x323: {  	[hbm4b:s19+s15] =	stream.linear.scatter [tilespmem:s15], [sflag:$0x3], $0xC000, $0x38;
	[tilespmem:$0x18200] =	vst v63  }
0x324: {  	_ =	swait.ge [sflag:s3], $0xC000  }
0x325: {  	[sflag:s3] =	ssyncset.done $0x0  }
0x326: {  	s24 =	simm.s32 $0x18100;
	s20 =	rddreg [dreg:$0x10];
	[sflag:s3] =	ssyncadd.s32 $0xFFFF4000  }
0x327: {  	[tilespmem:s24], [sflag:$0x3] =	stream.linear.gather [hbm4b:s20+s15], $0x40, $0x38;
	[tilespmem:$0x18200] =	vst v63  }
0x328: {  	_ =	swait.ge [sflag:s3], $0x40  }
0x329: {  	[sflag:s3] =	ssyncset.done $0x0  }
0x32a: {  	[sflag:s3] =	ssyncadd.s32 $0xFFFFFFC0  }
0x32b: {  	v5 =	vld [tilespmem:$0x18100];
	_ =	sdelay $0x4  }
0x32c: {  	v6 =	vadd.s32 v1, v5  }
0x32d: {  	v7 =	vshrl.u32 v6, $0x3  }
0x32e: {  	v7 =	vmul.u32 $0x30, v7  }
0x32f: {  	v8 =	vld [tilespmem:$0x18110];
	v5 =	vand.u32 $0x7, v5  }
0x330: {  	v9 =	vld [tilespmem:$0x18120];
	v5 =	vor.u32 v5, v7  }
0x331: {  	v7 =	vld [tilespmem:$0x18130];
	v10 =	vperm.xlane v5, v2;
	_ =	sdelay $0x1  }
0x332: {  	v10 =	vadd.s32 v3, v10  }
0x333: {  	[tilespmem:$0x18180] =	vst v6;
	v6 =	vadd.s32 v1, v8  }
0x334: {  	[tilespmem:$0x18190] =	vst v6;
	v6 =	vadd.s32 v1, v9  }
0x335: {  	[tilespmem:$0x181A0] =	vst v6;
	v6 =	vadd.s32 v1, v7  }
0x336: {  	v5 =	vperm.xlane v5, v4;
	[tilespmem:$0x181B0] =	vst v6  }
0x337: {  	[tilespmem:s15], [sflag:$0x1] =	stream.indirect_vreg.gather [hbm4b:s0+s15], $0x80, v10, vm0, $0xb8;
	[tilespmem:$0x18200] =	vst v63  }
0x338: {  	s10 =	simm.s32 $0x800;
	v5 =	vadd.s32 v3, v5  }
0x339: {  	[tilespmem:s10], [sflag:$0x1] =	stream.indirect_vreg.gather [hbm4b:s29+s15], $0x80, v10, vm0, $0xb8;
	[tilespmem:$0x18200] =	vst v63  }
0x33a: {  	s17 =	simm.s32 $0x1000  }
0x33b: {  	[tilespmem:s17], [sflag:$0x1] =	stream.indirect_vreg.gather [hbm4b:s30+s15], $0x80, v10, vm0, $0xb8;
	[tilespmem:$0x18200] =	vst v63  }
0x33c: {  	s18 =	simm.s32 $0x1800  }
0x33d: {  	[tilespmem:s18], [sflag:$0x1] =	stream.indirect_vreg.gather [hbm4b:s0+s15], $0x80, v5, vm0, $0xb8;
	[tilespmem:$0x18200] =	vst v63  }
0x33e: {  	s19 =	simm.s32 $0x2000  }
0x33f: {  	[tilespmem:s19], [sflag:$0x1] =	stream.indirect_vreg.gather [hbm4b:s29+s15], $0x80, v5, vm0, $0xb8;
	[tilespmem:$0x18200] =	vst v63  }
0x340: {  	s20 =	simm.s32 $0x2800  }
0x341: {  	[tilespmem:s20], [sflag:$0x1] =	stream.indirect_vreg.gather [hbm4b:s30+s15], $0x80, v5, vm0, $0xb8;
	[tilespmem:$0x18200] =	vst v63  }
0x342: {  	v5 =	vld [tilespmem:$0x18190];
	_ =	sdelay $0x4  }
0x343: {  	v6 =	vshrl.u32 v5, $0x3  }
0x344: {  	v6 =	vmul.u32 $0x30, v6  }
0x345: {  	v5 =	vand.u32 $0x7, v5  }
0x346: {  	v5 =	vor.u32 v5, v6  }
0x347: {  	v6 =	vperm.xlane v5, v2;
	_ =	sdelay $0x1  }
0x348: {  	v6 =	vadd.s32 v3, v6;
	_ =	sdelay $0x3  }
0x349: {  	s24 =	simm.s32 $0x3000;
	v5 =	vperm.xlane v5, v4  }
0x34a: {  	[tilespmem:s24], [sflag:$0x1] =	stream.indirect_vreg.gather [hbm4b:s0+s15], $0x80, v6, vm0, $0xb8;
	[tilespmem:$0x18200] =	vst v63  }
0x34b: {  	s10 =	simm.s32 $0x3800;
	v5 =	vadd.s32 v3, v5  }
0x34c: {  	[tilespmem:s10], [sflag:$0x1] =	stream.indirect_vreg.gather [hbm4b:s29+s15], $0x80, v6, vm0, $0xb8;
	[tilespmem:$0x18200] =	vst v63  }
0x34d: {  	s17 =	simm.s32 $0x4000  }
0x34e: {  	[tilespmem:s17], [sflag:$0x1] =	stream.indirect_vreg.gather [hbm4b:s30+s15], $0x80, v6, vm0, $0xb8;
	[tilespmem:$0x18200] =	vst v63  }
0x34f: {  	s18 =	simm.s32 $0x4800  }
0x350: {  	[tilespmem:s18], [sflag:$0x1] =	stream.indirect_vreg.gather [hbm4b:s0+s15], $0x80, v5, vm0, $0xb8;
	[tilespmem:$0x18200] =	vst v63  }
0x351: {  	s19 =	simm.s32 $0x5000  }
0x352: {  	[tilespmem:s19], [sflag:$0x1] =	stream.indirect_vreg.gather [hbm4b:s29+s15], $0x80, v5, vm0, $0xb8;
	[tilespmem:$0x18200] =	vst v63  }
0x353: {  	s20 =	simm.s32 $0x5800  }
0x354: {  	[tilespmem:s20], [sflag:$0x1] =	stream.indirect_vreg.gather [hbm4b:s30+s15], $0x80, v5, vm0, $0xb8;
	[tilespmem:$0x18200] =	vst v63  }
0x355: {  	v5 =	vld [tilespmem:$0x181A0];
	_ =	sdelay $0x4  }
0x356: {  	v6 =	vshrl.u32 v5, $0x3  }
0x357: {  	v6 =	vmul.u32 $0x30, v6  }
0x358: {  	v5 =	vand.u32 $0x7, v5  }
0x359: {  	v5 =	vor.u32 v5, v6  }
0x35a: {  	v6 =	vperm.xlane v5, v2;
	_ =	sdelay $0x1  }
0x35b: {  	v6 =	vadd.s32 v3, v6;
	_ =	sdelay $0x3  }
0x35c: {  	s24 =	simm.s32 $0x6000;
	v5 =	vperm.xlane v5, v4  }
0x35d: {  	[tilespmem:s24], [sflag:$0x1] =	stream.indirect_vreg.gather [hbm4b:s0+s15], $0x80, v6, vm0, $0xb8;
	[tilespmem:$0x18200] =	vst v63  }
0x35e: {  	s10 =	simm.s32 $0x6800;
	v5 =	vadd.s32 v3, v5  }
0x35f: {  	[tilespmem:s10], [sflag:$0x1] =	stream.indirect_vreg.gather [hbm4b:s29+s15], $0x80, v6, vm0, $0xb8;
	[tilespmem:$0x18200] =	vst v63  }
0x360: {  	s17 =	simm.s32 $0x7000  }
0x361: {  	[tilespmem:s17], [sflag:$0x1] =	stream.indirect_vreg.gather [hbm4b:s30+s15], $0x80, v6, vm0, $0xb8;
	[tilespmem:$0x18200] =	vst v63  }
0x362: {  	s18 =	simm.s32 $0x7800  }
0x363: {  	[tilespmem:s18], [sflag:$0x1] =	stream.indirect_vreg.gather [hbm4b:s0+s15], $0x80, v5, vm0, $0xb8;
	[tilespmem:$0x18200] =	vst v63  }
0x364: {  	s19 =	simm.s32 $0x8000  }
0x365: {  	[tilespmem:s19], [sflag:$0x1] =	stream.indirect_vreg.gather [hbm4b:s29+s15], $0x80, v5, vm0, $0xb8;
	[tilespmem:$0x18200] =	vst v63  }
0x366: {  	s20 =	simm.s32 $0x8800  }
0x367: {  	[tilespmem:s20], [sflag:$0x1] =	stream.indirect_vreg.gather [hbm4b:s30+s15], $0x80, v5, vm0, $0xb8;
	[tilespmem:$0x18200] =	vst v63  }
0x368: {  	v5 =	vld [tilespmem:$0x181B0];
	_ =	sdelay $0x4  }
0x369: {  	v6 =	vshrl.u32 v5, $0x3  }
0x36a: {  	v6 =	vmul.u32 $0x30, v6  }
0x36b: {  	v5 =	vand.u32 $0x7, v5  }
0x36c: {  	v5 =	vor.u32 v5, v6  }
0x36d: {  	v6 =	vperm.xlane v5, v2;
	_ =	sdelay $0x1  }
0x36e: {  	v6 =	vadd.s32 v3, v6;
	_ =	sdelay $0x3  }
0x36f: {  	s24 =	simm.s32 $0x9000;
	v5 =	vperm.xlane v5, v4  }
0x370: {  	[tilespmem:s24], [sflag:$0x1] =	stream.indirect_vreg.gather [hbm4b:s0+s15], $0x80, v6, vm0, $0xb8;
	[tilespmem:$0x18200] =	vst v63  }
0x371: {  	s10 =	simm.s32 $0x9800;
	v5 =	vadd.s32 v3, v5  }
0x372: {  	[tilespmem:s10], [sflag:$0x1] =	stream.indirect_vreg.gather [hbm4b:s29+s15], $0x80, v6, vm0, $0xb8;
	[tilespmem:$0x18200] =	vst v63  }
0x373: {  	s17 =	simm.s32 $0xA000  }
0x374: {  	[tilespmem:s17], [sflag:$0x1] =	stream.indirect_vreg.gather [hbm4b:s30+s15], $0x80, v6, vm0, $0xb8;
	[tilespmem:$0x18200] =	vst v63  }
0x375: {  	s18 =	simm.s32 $0xA800  }
0x376: {  	[tilespmem:s18], [sflag:$0x1] =	stream.indirect_vreg.gather [hbm4b:s0+s15], $0x80, v5, vm0, $0xb8;
	[tilespmem:$0x18200] =	vst v63  }
0x377: {  	s19 =	simm.s32 $0xB000  }
0x378: {  	[tilespmem:s19], [sflag:$0x1] =	stream.indirect_vreg.gather [hbm4b:s29+s15], $0x80, v5, vm0, $0xb8;
	[tilespmem:$0x18200] =	vst v63  }
0x379: {  	s20 =	simm.s32 $0xB800  }
0x37a: {  	[tilespmem:s20], [sflag:$0x1] =	stream.indirect_vreg.gather [hbm4b:s30+s15], $0x80, v5, vm0, $0xb8;
	[tilespmem:$0x18200] =	vst v63  }
0x37b: {  	v5 =	vld [tilespmem:$0x18100];
	_ =	sdelay $0x4  }
0x37c: {  	v6 =	vshrl.u32 v5, $0x3  }
0x37d: {  	v6 =	vmul.u32 $0x30, v6  }
0x37e: {  	v5 =	vand.u32 $0x7, v5  }
0x37f: {  	v5 =	vor.u32 v5, v6  }
0x380: {  	v6 =	vperm.xlane v5, v2;
	_ =	sdelay $0x1  }
0x381: {  	v6 =	vadd.s32 v3, v6;
	_ =	sdelay $0x3  }
0x382: {  	s24 =	simm.s32 $0xC000;
	v5 =	vperm.xlane v5, v4  }
0x383: {  	[tilespmem:s24], [sflag:$0x2] =	stream.indirect_vreg.gather [hbm4b:s6+s15], $0x80, v6, vm0, $0xb8;
	[tilespmem:$0x18200] =	vst v63  }
0x384: {  	s10 =	simm.s32 $0xC800;
	v5 =	vadd.s32 v3, v5  }
0x385: {  	[tilespmem:s10], [sflag:$0x2] =	stream.indirect_vreg.gather [hbm4b:s22+s15], $0x80, v6, vm0, $0xb8;
	[tilespmem:$0x18200] =	vst v63  }
0x386: {  	s17 =	simm.s32 $0xD000  }
0x387: {  	[tilespmem:s17], [sflag:$0x2] =	stream.indirect_vreg.gather [hbm4b:s23+s15], $0x80, v6, vm0, $0xb8;
	[tilespmem:$0x18200] =	vst v63  }
0x388: {  	s18 =	simm.s32 $0xD800  }
0x389: {  	[tilespmem:s18], [sflag:$0x2] =	stream.indirect_vreg.gather [hbm4b:s6+s15], $0x80, v5, vm0, $0xb8;
	[tilespmem:$0x18200] =	vst v63  }
0x38a: {  	s19 =	simm.s32 $0xE000  }
0x38b: {  	[tilespmem:s19], [sflag:$0x2] =	stream.indirect_vreg.gather [hbm4b:s22+s15], $0x80, v5, vm0, $0xb8;
	[tilespmem:$0x18200] =	vst v63  }
0x38c: {  	s20 =	simm.s32 $0xE800  }
0x38d: {  	[tilespmem:s20], [sflag:$0x2] =	stream.indirect_vreg.gather [hbm4b:s23+s15], $0x80, v5, vm0, $0xb8;
	[tilespmem:$0x18200] =	vst v63  }
0x38e: {  	v5 =	vld [tilespmem:$0x18110];
	_ =	sdelay $0x4  }
0x38f: {  	v6 =	vshrl.u32 v5, $0x3  }
0x390: {  	v6 =	vmul.u32 $0x30, v6  }
0x391: {  	v5 =	vand.u32 $0x7, v5  }
0x392: {  	v5 =	vor.u32 v5, v6  }
0x393: {  	v6 =	vperm.xlane v5, v2;
	_ =	sdelay $0x1  }
0x394: {  	v6 =	vadd.s32 v3, v6;
	_ =	sdelay $0x3  }
0x395: {  	s24 =	simm.s32 $0xF000;
	v5 =	vperm.xlane v5, v4  }
0x396: {  	[tilespmem:s24], [sflag:$0x2] =	stream.indirect_vreg.gather [hbm4b:s6+s15], $0x80, v6, vm0, $0xb8;
	[tilespmem:$0x18200] =	vst v63  }
0x397: {  	s10 =	simm.s32 $0xF800;
	v5 =	vadd.s32 v3, v5  }
0x398: {  	[tilespmem:s10], [sflag:$0x2] =	stream.indirect_vreg.gather [hbm4b:s22+s15], $0x80, v6, vm0, $0xb8;
	[tilespmem:$0x18200] =	vst v63  }
0x399: {  	s17 =	simm.s32 $0x10000  }
0x39a: {  	[tilespmem:s17], [sflag:$0x2] =	stream.indirect_vreg.gather [hbm4b:s23+s15], $0x80, v6, vm0, $0xb8;
	[tilespmem:$0x18200] =	vst v63  }
0x39b: {  	s18 =	simm.s32 $0x10800  }
0x39c: {  	[tilespmem:s18], [sflag:$0x2] =	stream.indirect_vreg.gather [hbm4b:s6+s15], $0x80, v5, vm0, $0xb8;
	[tilespmem:$0x18200] =	vst v63  }
0x39d: {  	s19 =	simm.s32 $0x11000  }
0x39e: {  	[tilespmem:s19], [sflag:$0x2] =	stream.indirect_vreg.gather [hbm4b:s22+s15], $0x80, v5, vm0, $0xb8;
	[tilespmem:$0x18200] =	vst v63  }
0x39f: {  	s20 =	simm.s32 $0x11800  }
0x3a0: {  	[tilespmem:s20], [sflag:$0x2] =	stream.indirect_vreg.gather [hbm4b:s23+s15], $0x80, v5, vm0, $0xb8;
	[tilespmem:$0x18200] =	vst v63  }
0x3a1: {  	v5 =	vld [tilespmem:$0x18120];
	_ =	sdelay $0x4  }
0x3a2: {  	v6 =	vshrl.u32 v5, $0x3  }
0x3a3: {  	v6 =	vmul.u32 $0x30, v6  }
0x3a4: {  	v5 =	vand.u32 $0x7, v5  }
0x3a5: {  	v5 =	vor.u32 v5, v6  }
0x3a6: {  	v6 =	vperm.xlane v5, v2;
	_ =	sdelay $0x1  }
0x3a7: {  	v6 =	vadd.s32 v3, v6;
	_ =	sdelay $0x3  }
0x3a8: {  	s24 =	simm.s32 $0x12000;
	v5 =	vperm.xlane v5, v4  }
0x3a9: {  	[tilespmem:s24], [sflag:$0x2] =	stream.indirect_vreg.gather [hbm4b:s6+s15], $0x80, v6, vm0, $0xb8;
	[tilespmem:$0x18200] =	vst v63  }
0x3aa: {  	s10 =	simm.s32 $0x12800;
	v5 =	vadd.s32 v3, v5  }
0x3ab: {  	[tilespmem:s10], [sflag:$0x2] =	stream.indirect_vreg.gather [hbm4b:s22+s15], $0x80, v6, vm0, $0xb8;
	[tilespmem:$0x18200] =	vst v63  }
0x3ac: {  	s17 =	simm.s32 $0x13000  }
0x3ad: {  	[tilespmem:s17], [sflag:$0x2] =	stream.indirect_vreg.gather [hbm4b:s23+s15], $0x80, v6, vm0, $0xb8;
	[tilespmem:$0x18200] =	vst v63  }
0x3ae: {  	_ = 	snop  }
0x3af: {  	[tilespmem:s11], [sflag:$0x2] =	stream.indirect_vreg.gather [hbm4b:s6+s15], $0x80, v5, vm0, $0xb8;
	[tilespmem:$0x18200] =	vst v63  }
0x3b0: {  	_ = 	snop  }
0x3b1: {  	[tilespmem:s28], [sflag:$0x2] =	stream.indirect_vreg.gather [hbm4b:s22+s15], $0x80, v5, vm0, $0xb8;
	[tilespmem:$0x18200] =	vst v63  }
0x3b2: {  	_ = 	snop  }
0x3b3: {  	[tilespmem:s31], [sflag:$0x2] =	stream.indirect_vreg.gather [hbm4b:s23+s15], $0x80, v5, vm0, $0xb8;
	[tilespmem:$0x18200] =	vst v63  }
0x3b4: {  	v5 =	vld [tilespmem:$0x18130];
	_ =	sdelay $0x4  }
0x3b5: {  	v6 =	vshrl.u32 v5, $0x3  }
0x3b6: {  	v6 =	vmul.u32 $0x30, v6  }
0x3b7: {  	v5 =	vand.u32 $0x7, v5  }
0x3b8: {  	v5 =	vor.u32 v5, v6  }
0x3b9: {  	v6 =	vperm.xlane v5, v2;
	_ =	sdelay $0x1  }
0x3ba: {  	v6 =	vadd.s32 v3, v6;
	_ =	sdelay $0x3  }
0x3bb: {  	v5 =	vperm.xlane v5, v4  }
0x3bc: {  	[tilespmem:s2], [sflag:$0x2] =	stream.indirect_vreg.gather [hbm4b:s6+s15], $0x80, v6, vm0, $0xb8;
	[tilespmem:$0x18200] =	vst v63  }
0x3bd: {  	v5 =	vadd.s32 v3, v5  }
0x3be: {  	[tilespmem:s7], [sflag:$0x2] =	stream.indirect_vreg.gather [hbm4b:s22+s15], $0x80, v6, vm0, $0xb8;
	[tilespmem:$0x18200] =	vst v63  }
0x3bf: {  	_ = 	snop  }
0x3c0: {  	[tilespmem:s8], [sflag:$0x2] =	stream.indirect_vreg.gather [hbm4b:s23+s15], $0x80, v6, vm0, $0xb8;
	[tilespmem:$0x18200] =	vst v63  }
0x3c1: {  	s18 =	simm.s32 $0x16800;
	s19 =	simm.s32 $0x17000;
	s24 =	smul.u32 $0xAAAB, s15  }
0x3c2: {  	[tilespmem:s18], [sflag:$0x2] =	stream.indirect_vreg.gather [hbm4b:s6+s15], $0x80, v5, vm0, $0xb8;
	[tilespmem:$0x18200] =	vst v63  }
0x3c3: {  	s20 =	simm.s32 $0x17800;
	s9 =	sshrl.u32 s24, $0xE;
	s18 =	sshrl.u32 s24, $0x15  }
0x3c4: {  	[tilespmem:s19], [sflag:$0x2] =	stream.indirect_vreg.gather [hbm4b:s22+s15], $0x80, v5, vm0, $0xb8;
	[tilespmem:$0x18200] =	vst v63  }
0x3c5: {  	s9 =	sand.u32 $0x380, s9;
	s10 =	smul.u32 $0x30, s18;
	s19 =	simm.s32 $0x1  }
0x3c6: {  	[tilespmem:s20], [sflag:$0x2] =	stream.indirect_vreg.gather [hbm4b:s23+s15], $0x80, v5, vm0, $0xb8;
	[tilespmem:$0x18200] =	vst v63  }
0x3c7: {  	s10 =	ssub.s32 $0x0, s10;
	s15 =	sshrl.u32 s24, $0x18;
	_ =	swait.ge [sflag:s12], $0xC000  }
0x3c8: {  	s20 =	sshll.u32 s10, $0x7;
	s15 =	smul.u32 $0x1800, s15;
	[sflag:s12] =	ssyncset.done $0x0  }
0x3c9: {  	s17 =	smul.u32 $0xAAAB, s19;
	s18 =	sand.u32 $0x1C00, s20;
	[sflag:s12] =	ssyncadd.s32 $0xFFFF4000  }
0x3ca: {  	s10 =	sshll.u32 s10, $0x4;
	s15 =	sadd.s32 s18, s15;
	_ =	swait.ge [sflag:s13], $0xC000  }
0x3cb: {  	s10 =	sand.u32 $0x70, s10;
	s9 =	sor.u32 s9, s15;
	[sflag:s13] =	ssyncset.done $0x0  }
0x3cc: {  	s24 =	sshrl.u32 s17, $0x15;
	s15 =	sor.u32 s10, s9;
	[sflag:s13] =	ssyncadd.s32 $0xFFFF4000  }
0x3cd: {  	s18 =	smul.u32 $0x30, s24;
	v5 =	vld [tilespmem:s15+$0xC000]  }
0x3ce: {  	v6 =	vld [tilespmem:s15+$0x0]  }
0x3cf: {  	s19 =	sshrl.u32 s17, $0x18;
	s9 =	ssub.s32 $0x1, s18  }
0x3d0: {  	s24 =	sshrl.u32 s17, $0xE;
	s10 =	smul.u32 $0x1800, s19;
	s20 =	sshll.u32 s9, $0x7  }
0x3d1: {  	s24 =	sand.u32 $0x380, s24;
	s18 =	simm.s32 $0x2;
	s19 =	sand.u32 $0x1C00, s20  }
0x3d2: {  	s17 =	smul.u32 $0xAAAB, s18;
	s9 =	sshll.u32 s9, $0x4;
	s10 =	sadd.s32 s19, s10  }
0x3d3: {  	s19 =	simm.s32 $0x3;
	s20 =	sor.u32 s24, s10;
	s24 =	sand.u32 $0x70, s9;
	v5 =	vadd.f32 v5, v6  }
.LBB2_12:
0x3d4: {  	p1 =	sne.s32 s19, $0xBFF;
	s9 =	sshrl.u32 s17, $0x15;
	s10 =	sor.u32 s24, s20  }
0x3d5: {  	s9 =	smul.u32 $0x30, s9;
	v6 =	vld [tilespmem:s10+$0xC000];
	[tilespmem:s15+$0x0] =	vst v5;
	s15 =	smov.u32 s10  }
0x3d6: {  	v5 =	vld [tilespmem:s15+$0x0]  }
.Ltmp5:
0x3d7: {  	s10 =	sshrl.u32 s17, $0x18;
	s9 =	ssub.s32 s18, s9;
	(pc) =	sbr.rel @p1 .LBB2_12-.Ltmp5, $4  }
0x3d8: {  	s10 =	smul.u32 $0x1800, s10;
	s18 =	smov.u32 s19;
	s20 =	sshll.u32 s9, $0x7  }
0x3d9: {  	s24 =	sshrl.u32 s17, $0xE;
	s17 =	smul.u32 $0xAAAB, s19;
	s20 =	sand.u32 $0x1C00, s20  }
0x3da: {  	s9 =	sshll.u32 s9, $0x4;
	s10 =	sadd.s32 s20, s10;
	s20 =	sand.u32 $0x380, s24  }
0x3db: {  	s19 =	sadd.s32 $0x1, s19;
	s24 =	sand.u32 $0x70, s9;
	s20 =	sor.u32 s20, s10;
	v5 =	vadd.f32 v6, v5  }
0x3dc: {  	s9 =	sshrl.u32 s17, $0x15;
	s10 =	sor.u32 s24, s20  }
0x3dd: {  	s9 =	smul.u32 $0x30, s9;
	v6 =	vld [tilespmem:s10+$0xC000];
	[tilespmem:s15+$0x0] =	vst v5  }
0x3de: {  	v5 =	vld [tilespmem:s10+$0x0]  }
0x3df: {  	s20 =	sshrl.u32 s17, $0x18;
	s9 =	ssub.s32 s18, s9  }
0x3e0: {  	s15 =	smul.u32 $0x1800, s20;
	s18 =	sshll.u32 s9, $0x7  }
0x3e1: {  	s24 =	sshrl.u32 s17, $0xE;
	s18 =	sand.u32 $0x1C00, s18  }
0x3e2: {  	s17 =	sand.u32 $0x380, s24;
	s9 =	sshll.u32 s9, $0x4;
	s15 =	sadd.s32 s18, s15  }
0x3e3: {  	s9 =	sand.u32 $0x70, s9;
	s15 =	sor.u32 s17, s15;
	v5 =	vadd.f32 v6, v5  }
0x3e4: {  	s9 =	sor.u32 s9, s15  }
0x3e5: {  	v6 =	vld [tilespmem:s9+$0xC000];
	[tilespmem:s10+$0x0] =	vst v5  }
0x3e6: {  	v5 =	vld [tilespmem:s9+$0x0];
	_ =	sdelay $0x4  }
0x3e7: {  	v5 =	vadd.f32 v6, v5;
	_ =	sdelay $0x1  }
0x3e8: {  	s19 =	rddreg [dreg:$0x14];
	s15 =	simm.s32 $0x0;
	[tilespmem:s9+$0x0] =	vst v5  }
0x3e9: {  	[hbm4b:s19+s15] =	stream.linear.scatter [tilespmem:s15], [sflag:$0x3], $0xC000, $0x38;
	[tilespmem:$0x18200] =	vst v63  }
0x3ea: {  	_ =	swait.ge [sflag:s3], $0xC000  }
0x3eb: {  	[sflag:s3] =	ssyncset.done $0x0  }
0x3ec: {  	s24 =	simm.s32 $0x18100;
	s20 =	rddreg [dreg:$0x11];
	[sflag:s3] =	ssyncadd.s32 $0xFFFF4000  }
0x3ed: {  	[tilespmem:s24], [sflag:$0x3] =	stream.linear.gather [hbm4b:s20+s15], $0x40, $0x38;
	[tilespmem:$0x18200] =	vst v63  }
0x3ee: {  	_ =	swait.ge [sflag:s3], $0x40  }
0x3ef: {  	[sflag:s3] =	ssyncset.done $0x0  }
0x3f0: {  	[sflag:s3] =	ssyncadd.s32 $0xFFFFFFC0  }
0x3f1: {  	v5 =	vld [tilespmem:$0x18100];
	_ =	sdelay $0x4  }
0x3f2: {  	v6 =	vadd.s32 v1, v5  }
0x3f3: {  	v7 =	vshrl.u32 v6, $0x3  }
0x3f4: {  	v7 =	vmul.u32 $0x30, v7  }
0x3f5: {  	v8 =	vld [tilespmem:$0x18110];
	v5 =	vand.u32 $0x7, v5  }
0x3f6: {  	v9 =	vld [tilespmem:$0x18120];
	v5 =	vor.u32 v5, v7  }
0x3f7: {  	v7 =	vld [tilespmem:$0x18130];
	v10 =	vperm.xlane v5, v2;
	_ =	sdelay $0x1  }
0x3f8: {  	v10 =	vadd.s32 v3, v10  }
0x3f9: {  	[tilespmem:$0x18180] =	vst v6;
	v6 =	vadd.s32 v1, v8  }
0x3fa: {  	[tilespmem:$0x18190] =	vst v6;
	v6 =	vadd.s32 v1, v9  }
0x3fb: {  	[tilespmem:$0x181A0] =	vst v6;
	v6 =	vadd.s32 v1, v7  }
0x3fc: {  	v5 =	vperm.xlane v5, v4;
	[tilespmem:$0x181B0] =	vst v6  }
0x3fd: {  	[tilespmem:s15], [sflag:$0x1] =	stream.indirect_vreg.gather [hbm4b:s0+s15], $0x80, v10, vm0, $0xb8;
	[tilespmem:$0x18200] =	vst v63  }
0x3fe: {  	s10 =	simm.s32 $0x800;
	v5 =	vadd.s32 v3, v5  }
0x3ff: {  	[tilespmem:s10], [sflag:$0x1] =	stream.indirect_vreg.gather [hbm4b:s29+s15], $0x80, v10, vm0, $0xb8;
	[tilespmem:$0x18200] =	vst v63  }
0x400: {  	s17 =	simm.s32 $0x1000  }
0x401: {  	[tilespmem:s17], [sflag:$0x1] =	stream.indirect_vreg.gather [hbm4b:s30+s15], $0x80, v10, vm0, $0xb8;
	[tilespmem:$0x18200] =	vst v63  }
0x402: {  	s18 =	simm.s32 $0x1800  }
0x403: {  	[tilespmem:s18], [sflag:$0x1] =	stream.indirect_vreg.gather [hbm4b:s0+s15], $0x80, v5, vm0, $0xb8;
	[tilespmem:$0x18200] =	vst v63  }
0x404: {  	s19 =	simm.s32 $0x2000  }
0x405: {  	[tilespmem:s19], [sflag:$0x1] =	stream.indirect_vreg.gather [hbm4b:s29+s15], $0x80, v5, vm0, $0xb8;
	[tilespmem:$0x18200] =	vst v63  }
0x406: {  	s20 =	simm.s32 $0x2800  }
0x407: {  	[tilespmem:s20], [sflag:$0x1] =	stream.indirect_vreg.gather [hbm4b:s30+s15], $0x80, v5, vm0, $0xb8;
	[tilespmem:$0x18200] =	vst v63  }
0x408: {  	v5 =	vld [tilespmem:$0x18190];
	_ =	sdelay $0x4  }
0x409: {  	v6 =	vshrl.u32 v5, $0x3  }
0x40a: {  	v6 =	vmul.u32 $0x30, v6  }
0x40b: {  	v5 =	vand.u32 $0x7, v5  }
0x40c: {  	v5 =	vor.u32 v5, v6  }
0x40d: {  	v6 =	vperm.xlane v5, v2;
	_ =	sdelay $0x1  }
0x40e: {  	v6 =	vadd.s32 v3, v6;
	_ =	sdelay $0x3  }
0x40f: {  	s24 =	simm.s32 $0x3000;
	v5 =	vperm.xlane v5, v4  }
0x410: {  	[tilespmem:s24], [sflag:$0x1] =	stream.indirect_vreg.gather [hbm4b:s0+s15], $0x80, v6, vm0, $0xb8;
	[tilespmem:$0x18200] =	vst v63  }
0x411: {  	s10 =	simm.s32 $0x3800;
	v5 =	vadd.s32 v3, v5  }
0x412: {  	[tilespmem:s10], [sflag:$0x1] =	stream.indirect_vreg.gather [hbm4b:s29+s15], $0x80, v6, vm0, $0xb8;
	[tilespmem:$0x18200] =	vst v63  }
0x413: {  	s17 =	simm.s32 $0x4000  }
0x414: {  	[tilespmem:s17], [sflag:$0x1] =	stream.indirect_vreg.gather [hbm4b:s30+s15], $0x80, v6, vm0, $0xb8;
	[tilespmem:$0x18200] =	vst v63  }
0x415: {  	s18 =	simm.s32 $0x4800  }
0x416: {  	[tilespmem:s18], [sflag:$0x1] =	stream.indirect_vreg.gather [hbm4b:s0+s15], $0x80, v5, vm0, $0xb8;
	[tilespmem:$0x18200] =	vst v63  }
0x417: {  	s19 =	simm.s32 $0x5000  }
0x418: {  	[tilespmem:s19], [sflag:$0x1] =	stream.indirect_vreg.gather [hbm4b:s29+s15], $0x80, v5, vm0, $0xb8;
	[tilespmem:$0x18200] =	vst v63  }
0x419: {  	s20 =	simm.s32 $0x5800  }
0x41a: {  	[tilespmem:s20], [sflag:$0x1] =	stream.indirect_vreg.gather [hbm4b:s30+s15], $0x80, v5, vm0, $0xb8;
	[tilespmem:$0x18200] =	vst v63  }
0x41b: {  	v5 =	vld [tilespmem:$0x181A0];
	_ =	sdelay $0x4  }
0x41c: {  	v6 =	vshrl.u32 v5, $0x3  }
0x41d: {  	v6 =	vmul.u32 $0x30, v6  }
0x41e: {  	v5 =	vand.u32 $0x7, v5  }
0x41f: {  	v5 =	vor.u32 v5, v6  }
0x420: {  	v6 =	vperm.xlane v5, v2;
	_ =	sdelay $0x1  }
0x421: {  	v6 =	vadd.s32 v3, v6;
	_ =	sdelay $0x3  }
0x422: {  	s24 =	simm.s32 $0x6000;
	v5 =	vperm.xlane v5, v4  }
0x423: {  	[tilespmem:s24], [sflag:$0x1] =	stream.indirect_vreg.gather [hbm4b:s0+s15], $0x80, v6, vm0, $0xb8;
	[tilespmem:$0x18200] =	vst v63  }
0x424: {  	s10 =	simm.s32 $0x6800;
	v5 =	vadd.s32 v3, v5  }
0x425: {  	[tilespmem:s10], [sflag:$0x1] =	stream.indirect_vreg.gather [hbm4b:s29+s15], $0x80, v6, vm0, $0xb8;
	[tilespmem:$0x18200] =	vst v63  }
0x426: {  	s17 =	simm.s32 $0x7000  }
0x427: {  	[tilespmem:s17], [sflag:$0x1] =	stream.indirect_vreg.gather [hbm4b:s30+s15], $0x80, v6, vm0, $0xb8;
	[tilespmem:$0x18200] =	vst v63  }
0x428: {  	s18 =	simm.s32 $0x7800  }
0x429: {  	[tilespmem:s18], [sflag:$0x1] =	stream.indirect_vreg.gather [hbm4b:s0+s15], $0x80, v5, vm0, $0xb8;
	[tilespmem:$0x18200] =	vst v63  }
0x42a: {  	s19 =	simm.s32 $0x8000  }
0x42b: {  	[tilespmem:s19], [sflag:$0x1] =	stream.indirect_vreg.gather [hbm4b:s29+s15], $0x80, v5, vm0, $0xb8;
	[tilespmem:$0x18200] =	vst v63  }
0x42c: {  	s20 =	simm.s32 $0x8800  }
0x42d: {  	[tilespmem:s20], [sflag:$0x1] =	stream.indirect_vreg.gather [hbm4b:s30+s15], $0x80, v5, vm0, $0xb8;
	[tilespmem:$0x18200] =	vst v63  }
0x42e: {  	v5 =	vld [tilespmem:$0x181B0];
	_ =	sdelay $0x4  }
0x42f: {  	v6 =	vshrl.u32 v5, $0x3  }
0x430: {  	v6 =	vmul.u32 $0x30, v6  }
0x431: {  	v5 =	vand.u32 $0x7, v5  }
0x432: {  	v5 =	vor.u32 v5, v6  }
0x433: {  	v6 =	vperm.xlane v5, v2;
	_ =	sdelay $0x1  }
0x434: {  	v6 =	vadd.s32 v3, v6;
	_ =	sdelay $0x3  }
0x435: {  	s24 =	simm.s32 $0x9000;
	v5 =	vperm.xlane v5, v4  }
0x436: {  	[tilespmem:s24], [sflag:$0x1] =	stream.indirect_vreg.gather [hbm4b:s0+s15], $0x80, v6, vm0, $0xb8;
	[tilespmem:$0x18200] =	vst v63  }
0x437: {  	s10 =	simm.s32 $0x9800;
	v5 =	vadd.s32 v3, v5  }
0x438: {  	[tilespmem:s10], [sflag:$0x1] =	stream.indirect_vreg.gather [hbm4b:s29+s15], $0x80, v6, vm0, $0xb8;
	[tilespmem:$0x18200] =	vst v63  }
0x439: {  	s17 =	simm.s32 $0xA000  }
0x43a: {  	[tilespmem:s17], [sflag:$0x1] =	stream.indirect_vreg.gather [hbm4b:s30+s15], $0x80, v6, vm0, $0xb8;
	[tilespmem:$0x18200] =	vst v63  }
0x43b: {  	s18 =	simm.s32 $0xA800  }
0x43c: {  	[tilespmem:s18], [sflag:$0x1] =	stream.indirect_vreg.gather [hbm4b:s0+s15], $0x80, v5, vm0, $0xb8;
	[tilespmem:$0x18200] =	vst v63  }
0x43d: {  	s19 =	simm.s32 $0xB000  }
0x43e: {  	[tilespmem:s19], [sflag:$0x1] =	stream.indirect_vreg.gather [hbm4b:s29+s15], $0x80, v5, vm0, $0xb8;
	[tilespmem:$0x18200] =	vst v63  }
0x43f: {  	s20 =	simm.s32 $0xB800  }
0x440: {  	[tilespmem:s20], [sflag:$0x1] =	stream.indirect_vreg.gather [hbm4b:s30+s15], $0x80, v5, vm0, $0xb8;
	[tilespmem:$0x18200] =	vst v63  }
0x441: {  	v5 =	vld [tilespmem:$0x18100];
	_ =	sdelay $0x4  }
0x442: {  	v6 =	vshrl.u32 v5, $0x3  }
0x443: {  	v6 =	vmul.u32 $0x30, v6  }
0x444: {  	v5 =	vand.u32 $0x7, v5  }
0x445: {  	v5 =	vor.u32 v5, v6  }
0x446: {  	v6 =	vperm.xlane v5, v2;
	_ =	sdelay $0x1  }
0x447: {  	v6 =	vadd.s32 v3, v6;
	_ =	sdelay $0x3  }
0x448: {  	s24 =	simm.s32 $0xC000;
	v5 =	vperm.xlane v5, v4  }
0x449: {  	[tilespmem:s24], [sflag:$0x2] =	stream.indirect_vreg.gather [hbm4b:s6+s15], $0x80, v6, vm0, $0xb8;
	[tilespmem:$0x18200] =	vst v63  }
0x44a: {  	s10 =	simm.s32 $0xC800;
	v5 =	vadd.s32 v3, v5  }
0x44b: {  	[tilespmem:s10], [sflag:$0x2] =	stream.indirect_vreg.gather [hbm4b:s22+s15], $0x80, v6, vm0, $0xb8;
	[tilespmem:$0x18200] =	vst v63  }
0x44c: {  	s17 =	simm.s32 $0xD000  }
0x44d: {  	[tilespmem:s17], [sflag:$0x2] =	stream.indirect_vreg.gather [hbm4b:s23+s15], $0x80, v6, vm0, $0xb8;
	[tilespmem:$0x18200] =	vst v63  }
0x44e: {  	s18 =	simm.s32 $0xD800  }
0x44f: {  	[tilespmem:s18], [sflag:$0x2] =	stream.indirect_vreg.gather [hbm4b:s6+s15], $0x80, v5, vm0, $0xb8;
	[tilespmem:$0x18200] =	vst v63  }
0x450: {  	s19 =	simm.s32 $0xE000  }
0x451: {  	[tilespmem:s19], [sflag:$0x2] =	stream.indirect_vreg.gather [hbm4b:s22+s15], $0x80, v5, vm0, $0xb8;
	[tilespmem:$0x18200] =	vst v63  }
0x452: {  	s20 =	simm.s32 $0xE800  }
0x453: {  	[tilespmem:s20], [sflag:$0x2] =	stream.indirect_vreg.gather [hbm4b:s23+s15], $0x80, v5, vm0, $0xb8;
	[tilespmem:$0x18200] =	vst v63  }
0x454: {  	v5 =	vld [tilespmem:$0x18110];
	_ =	sdelay $0x4  }
0x455: {  	v6 =	vshrl.u32 v5, $0x3  }
0x456: {  	v6 =	vmul.u32 $0x30, v6  }
0x457: {  	v5 =	vand.u32 $0x7, v5  }
0x458: {  	v5 =	vor.u32 v5, v6  }
0x459: {  	v6 =	vperm.xlane v5, v2;
	_ =	sdelay $0x1  }
0x45a: {  	v6 =	vadd.s32 v3, v6;
	_ =	sdelay $0x3  }
0x45b: {  	s24 =	simm.s32 $0xF000;
	v5 =	vperm.xlane v5, v4  }
0x45c: {  	[tilespmem:s24], [sflag:$0x2] =	stream.indirect_vreg.gather [hbm4b:s6+s15], $0x80, v6, vm0, $0xb8;
	[tilespmem:$0x18200] =	vst v63  }
0x45d: {  	s10 =	simm.s32 $0xF800;
	v5 =	vadd.s32 v3, v5  }
0x45e: {  	[tilespmem:s10], [sflag:$0x2] =	stream.indirect_vreg.gather [hbm4b:s22+s15], $0x80, v6, vm0, $0xb8;
	[tilespmem:$0x18200] =	vst v63  }
0x45f: {  	s17 =	simm.s32 $0x10000  }
0x460: {  	[tilespmem:s17], [sflag:$0x2] =	stream.indirect_vreg.gather [hbm4b:s23+s15], $0x80, v6, vm0, $0xb8;
	[tilespmem:$0x18200] =	vst v63  }
0x461: {  	s18 =	simm.s32 $0x10800  }
0x462: {  	[tilespmem:s18], [sflag:$0x2] =	stream.indirect_vreg.gather [hbm4b:s6+s15], $0x80, v5, vm0, $0xb8;
	[tilespmem:$0x18200] =	vst v63  }
0x463: {  	s19 =	simm.s32 $0x11000  }
0x464: {  	[tilespmem:s19], [sflag:$0x2] =	stream.indirect_vreg.gather [hbm4b:s22+s15], $0x80, v5, vm0, $0xb8;
	[tilespmem:$0x18200] =	vst v63  }
0x465: {  	s20 =	simm.s32 $0x11800  }
0x466: {  	[tilespmem:s20], [sflag:$0x2] =	stream.indirect_vreg.gather [hbm4b:s23+s15], $0x80, v5, vm0, $0xb8;
	[tilespmem:$0x18200] =	vst v63  }
0x467: {  	v5 =	vld [tilespmem:$0x18120];
	_ =	sdelay $0x4  }
0x468: {  	v6 =	vshrl.u32 v5, $0x3  }
0x469: {  	v6 =	vmul.u32 $0x30, v6  }
0x46a: {  	v5 =	vand.u32 $0x7, v5  }
0x46b: {  	v5 =	vor.u32 v5, v6  }
0x46c: {  	v6 =	vperm.xlane v5, v2;
	_ =	sdelay $0x1  }
0x46d: {  	v6 =	vadd.s32 v3, v6;
	_ =	sdelay $0x3  }
0x46e: {  	s24 =	simm.s32 $0x12000;
	v5 =	vperm.xlane v5, v4  }
0x46f: {  	[tilespmem:s24], [sflag:$0x2] =	stream.indirect_vreg.gather [hbm4b:s6+s15], $0x80, v6, vm0, $0xb8;
	[tilespmem:$0x18200] =	vst v63  }
0x470: {  	s10 =	simm.s32 $0x12800;
	v5 =	vadd.s32 v3, v5  }
0x471: {  	[tilespmem:s10], [sflag:$0x2] =	stream.indirect_vreg.gather [hbm4b:s22+s15], $0x80, v6, vm0, $0xb8;
	[tilespmem:$0x18200] =	vst v63  }
0x472: {  	s17 =	simm.s32 $0x13000  }
0x473: {  	[tilespmem:s17], [sflag:$0x2] =	stream.indirect_vreg.gather [hbm4b:s23+s15], $0x80, v6, vm0, $0xb8;
	[tilespmem:$0x18200] =	vst v63  }
0x474: {  	_ = 	snop  }
0x475: {  	[tilespmem:s11], [sflag:$0x2] =	stream.indirect_vreg.gather [hbm4b:s6+s15], $0x80, v5, vm0, $0xb8;
	[tilespmem:$0x18200] =	vst v63  }
0x476: {  	_ = 	snop  }
0x477: {  	[tilespmem:s28], [sflag:$0x2] =	stream.indirect_vreg.gather [hbm4b:s22+s15], $0x80, v5, vm0, $0xb8;
	[tilespmem:$0x18200] =	vst v63  }
0x478: {  	_ = 	snop  }
0x479: {  	[tilespmem:s31], [sflag:$0x2] =	stream.indirect_vreg.gather [hbm4b:s23+s15], $0x80, v5, vm0, $0xb8;
	[tilespmem:$0x18200] =	vst v63  }
0x47a: {  	v5 =	vld [tilespmem:$0x18130];
	_ =	sdelay $0x4  }
0x47b: {  	v6 =	vshrl.u32 v5, $0x3  }
0x47c: {  	v6 =	vmul.u32 $0x30, v6  }
0x47d: {  	v5 =	vand.u32 $0x7, v5  }
0x47e: {  	v5 =	vor.u32 v5, v6  }
0x47f: {  	v6 =	vperm.xlane v5, v2;
	_ =	sdelay $0x1  }
0x480: {  	v6 =	vadd.s32 v3, v6;
	_ =	sdelay $0x3  }
0x481: {  	v5 =	vperm.xlane v5, v4  }
0x482: {  	[tilespmem:s2], [sflag:$0x2] =	stream.indirect_vreg.gather [hbm4b:s6+s15], $0x80, v6, vm0, $0xb8;
	[tilespmem:$0x18200] =	vst v63  }
0x483: {  	v5 =	vadd.s32 v3, v5  }
0x484: {  	[tilespmem:s7], [sflag:$0x2] =	stream.indirect_vreg.gather [hbm4b:s22+s15], $0x80, v6, vm0, $0xb8;
	[tilespmem:$0x18200] =	vst v63  }
0x485: {  	_ = 	snop  }
0x486: {  	[tilespmem:s8], [sflag:$0x2] =	stream.indirect_vreg.gather [hbm4b:s23+s15], $0x80, v6, vm0, $0xb8;
	[tilespmem:$0x18200] =	vst v63  }
0x487: {  	s18 =	simm.s32 $0x16800;
	s19 =	simm.s32 $0x17000;
	s24 =	smul.u32 $0xAAAB, s15  }
0x488: {  	[tilespmem:s18], [sflag:$0x2] =	stream.indirect_vreg.gather [hbm4b:s6+s15], $0x80, v5, vm0, $0xb8;
	[tilespmem:$0x18200] =	vst v63  }
0x489: {  	s20 =	simm.s32 $0x17800;
	s9 =	sshrl.u32 s24, $0xE;
	s18 =	sshrl.u32 s24, $0x15  }
0x48a: {  	[tilespmem:s19], [sflag:$0x2] =	stream.indirect_vreg.gather [hbm4b:s22+s15], $0x80, v5, vm0, $0xb8;
	[tilespmem:$0x18200] =	vst v63  }
0x48b: {  	s9 =	sand.u32 $0x380, s9;
	s10 =	smul.u32 $0x30, s18;
	s19 =	simm.s32 $0x1  }
0x48c: {  	[tilespmem:s20], [sflag:$0x2] =	stream.indirect_vreg.gather [hbm4b:s23+s15], $0x80, v5, vm0, $0xb8;
	[tilespmem:$0x18200] =	vst v63  }
0x48d: {  	s10 =	ssub.s32 $0x0, s10;
	s15 =	sshrl.u32 s24, $0x18;
	_ =	swait.ge [sflag:s12], $0xC000  }
0x48e: {  	s20 =	sshll.u32 s10, $0x7;
	s15 =	smul.u32 $0x1800, s15;
	[sflag:s12] =	ssyncset.done $0x0  }
0x48f: {  	s17 =	smul.u32 $0xAAAB, s19;
	s18 =	sand.u32 $0x1C00, s20;
	[sflag:s12] =	ssyncadd.s32 $0xFFFF4000  }
0x490: {  	s10 =	sshll.u32 s10, $0x4;
	s15 =	sadd.s32 s18, s15;
	_ =	swait.ge [sflag:s13], $0xC000  }
0x491: {  	s10 =	sand.u32 $0x70, s10;
	s9 =	sor.u32 s9, s15;
	[sflag:s13] =	ssyncset.done $0x0  }
0x492: {  	s24 =	sshrl.u32 s17, $0x15;
	s15 =	sor.u32 s10, s9;
	[sflag:s13] =	ssyncadd.s32 $0xFFFF4000  }
0x493: {  	s18 =	smul.u32 $0x30, s24;
	v5 =	vld [tilespmem:s15+$0xC000]  }
0x494: {  	v6 =	vld [tilespmem:s15+$0x0]  }
0x495: {  	s19 =	sshrl.u32 s17, $0x18;
	s9 =	ssub.s32 $0x1, s18  }
0x496: {  	s24 =	sshrl.u32 s17, $0xE;
	s10 =	smul.u32 $0x1800, s19;
	s20 =	sshll.u32 s9, $0x7  }
0x497: {  	s24 =	sand.u32 $0x380, s24;
	s18 =	simm.s32 $0x2;
	s19 =	sand.u32 $0x1C00, s20  }
0x498: {  	s17 =	smul.u32 $0xAAAB, s18;
	s9 =	sshll.u32 s9, $0x4;
	s10 =	sadd.s32 s19, s10  }
0x499: {  	s19 =	simm.s32 $0x3;
	s20 =	sor.u32 s24, s10;
	s24 =	sand.u32 $0x70, s9;
	v5 =	vadd.f32 v5, v6  }
.LBB2_14:
0x49a: {  	p1 =	sne.s32 s19, $0xBFF;
	s9 =	sshrl.u32 s17, $0x15;
	s10 =	sor.u32 s24, s20  }
0x49b: {  	s9 =	smul.u32 $0x30, s9;
	v6 =	vld [tilespmem:s10+$0xC000];
	[tilespmem:s15+$0x0] =	vst v5;
	s15 =	smov.u32 s10  }
0x49c: {  	v5 =	vld [tilespmem:s15+$0x0]  }
.Ltmp6:
0x49d: {  	s10 =	sshrl.u32 s17, $0x18;
	s9 =	ssub.s32 s18, s9;
	(pc) =	sbr.rel @p1 .LBB2_14-.Ltmp6, $4  }
0x49e: {  	s10 =	smul.u32 $0x1800, s10;
	s18 =	smov.u32 s19;
	s20 =	sshll.u32 s9, $0x7  }
0x49f: {  	s24 =	sshrl.u32 s17, $0xE;
	s17 =	smul.u32 $0xAAAB, s19;
	s20 =	sand.u32 $0x1C00, s20  }
0x4a0: {  	s9 =	sshll.u32 s9, $0x4;
	s10 =	sadd.s32 s20, s10;
	s20 =	sand.u32 $0x380, s24  }
0x4a1: {  	s19 =	sadd.s32 $0x1, s19;
	s24 =	sand.u32 $0x70, s9;
	s20 =	sor.u32 s20, s10;
	v5 =	vadd.f32 v6, v5  }
0x4a2: {  	s9 =	sshrl.u32 s17, $0x15;
	s10 =	sor.u32 s24, s20  }
0x4a3: {  	s9 =	smul.u32 $0x30, s9;
	v6 =	vld [tilespmem:s10+$0xC000];
	[tilespmem:s15+$0x0] =	vst v5  }
0x4a4: {  	v5 =	vld [tilespmem:s10+$0x0]  }
0x4a5: {  	s9 =	ssub.s32 s18, s9;
	s18 =	sshrl.u32 s17, $0x18  }
0x4a6: {  	s15 =	smul.u32 $0x1800, s18;
	s18 =	sshll.u32 s9, $0x7  }
0x4a7: {  	s19 =	sshrl.u32 s17, $0xE;
	s18 =	sand.u32 $0x1C00, s18  }
0x4a8: {  	s17 =	sand.u32 $0x380, s19;
	s9 =	sshll.u32 s9, $0x4;
	s15 =	sadd.s32 s18, s15  }
0x4a9: {  	s9 =	sand.u32 $0x70, s9;
	s15 =	sor.u32 s17, s15;
	v5 =	vadd.f32 v6, v5  }
0x4aa: {  	s9 =	sor.u32 s9, s15  }
0x4ab: {  	v6 =	vld [tilespmem:s9+$0xC000];
	[tilespmem:s10+$0x0] =	vst v5  }
0x4ac: {  	v5 =	vld [tilespmem:s9+$0x0];
	_ =	sdelay $0x4  }
0x4ad: {  	v5 =	vadd.f32 v6, v5;
	_ =	sdelay $0x1  }
0x4ae: {  	s20 =	rddreg [dreg:$0x15];
	[tilespmem:s9+$0x0] =	vst v5  }
0x4af: {  	[hbm4b:s20+s4] =	stream.linear.scatter [tilespmem:s4], [sflag:$0x3], $0xC000, $0x38;
	[tilespmem:$0x18200] =	vst v63  }
0x4b0: {  	_ =	swait.ge [sflag:s3], $0xC000  }
0x4b1: {  	s14 =	sadd.s32 $0x1, s14;
	s24 =	rddreg [dreg:$0x16]  }
0x4b2: {  	p1 =	sne.s32 s14, s24  }
.Ltmp7:
0x4b3: {  	_ = 	snop;
	(pc) =	sbr.rel @p1 .LBB2_1-.Ltmp7, $3  }
0x4b4: {  	_ =	sdelay $0x1  }
0x4b5: {  	[sflag:s3] =	ssyncset.done $0x0  }
0x4b6: {  	[sflag:s3] =	ssyncadd.s32 $0xFFFF4000  }
0x4b7: {  	_ =	sfence.sel $0x180000  }
0x4b8: {  	[bflag:$0x0] =	sbarrier.arrive $0xFFFF  }
0x4b9: {  	_ =	strace $0x90000047  }
0x4ba: {  	s0 =	stileid.u32;
	[bflag:$0x2] =	sbarrier.arrive $0xFFFF  }
0x4bb: {  	p0 =	sne.s32 s0, $0x0;
	s0 =	rddreg [dreg:$0x8]  }
0x4bc: {  	s0 =	sadd.s32 @!p0 $0x100000, s0  }
0x4bd: {  	[sflag:s0] =	ssyncadd.tile.s32 @!p0 $0x1;
	_ =	shalt  }
.Lfunc_end2:
_tile_overlayer_lowered:
.L_overlay_start_2:
0x4be: {  	(tag) =	ssettag $0x2  }
0x4bf: {  	s0 =	rddreg [dreg:$0x0];
	s2 =	stileid.u32  }
0x4c0: {  	s1 =	rddreg [dreg:$0x1];
	p0 =	sne.s32 s2, $0x0  }
0x4c1: {  	s3 =	rddreg [dreg:$0x2];
	[bflag:$0x3] =	sbarrier.arrive $0xFFFF;
	s2 =	simm.s32 @!p0 $0x1C03  }
0x4c2: {  	[timem:s3], [sflag:s2] =	dma.local @!p0 [hbm:s0], s1  }
0x4c3: {  	s0 =	simm.s32 @!p0 $0x3  }
0x4c4: {  	_ =	swait.ge @!p0 [sflag:s0], s1  }
0x4c5: {  	s1 =	ssub.s32 @!p0 $0x0, s1;
	[sflag:s0] =	ssyncset.done @!p0 $0x0  }
0x4c6: {  	[sflag:s0] =	ssyncadd.s32 @!p0 s1  }
0x4c7: {  	[bflag:$0x3] =	sbarrier.arrive $0xFFFF  }
0x4c8: {  	_ =	shalt  }

</sc_bundles>
